<compile_context>
chip_gen: v7x
topology: tpu7x:2x2x1
jax: 0.10.2.dev20260603
libtpu: 0.0.44.dev20260713+nightly
codegen_flags: <defaults>
</compile_context>

<pallas_src>
import functools

import jax
import jax.numpy as jnp
from jax import lax
from jax.experimental import pallas as pl
from jax.experimental.pallas import tpu as pltpu
from jax.experimental.pallas import tpu_sc as plsc

NC = 2
NS = 16
LANES = 16
NBUF = 2
G = 10


def _sc_aggregate(x, src, dst, edge_attr, K=40):
    N, D = x.shape
    E = src.shape[0]
    NW = NC * NS
    e_per_tile = E // NW
    steps = e_per_tile // K
    RPT = (N // NS) // 8 * 8
    TAIL = N - NS * RPT
    zeros = jnp.zeros((N, D), jnp.float32)
    src_r = src.reshape(NW, steps // G, G, K)
    dst_r = dst.reshape(NW, steps // G, G, K)
    ea_r = edge_attr.reshape(NW, steps, K, D)
    mesh = plsc.VectorSubcoreMesh(core_axis_name="c", subcore_axis_name="s")

    @functools.partial(
        pl.kernel,
        out_type=jax.ShapeDtypeStruct((NC, N, D), jnp.float32),
        mesh=mesh,
        scratch_types=[
            pltpu.VMEM((2, G, K), jnp.int32),
            pltpu.VMEM((2, G, K), jnp.int32),
            pltpu.VMEM((3, NBUF, K, D), jnp.float32),
            pltpu.VMEM_SHARED((N, D), jnp.float32),
            pltpu.SemaphoreType.DMA((2,)),
            pltpu.SemaphoreType.DMA((2,)),
            pltpu.SemaphoreType.DMA((NBUF,)),
            pltpu.SemaphoreType.DMA((NBUF,)),
            pltpu.SemaphoreType.DMA((NBUF,)),
        ],
    )
    def body(x_hbm, src_hbm, dst_hbm, ea_hbm, zero_hbm, out_hbm,
             sidx, didx, buf, aggr_sh, s_sem, d_sem, ld_sem, g_sem, sc_sem):
        xr = buf.at[0]
        ea = buf.at[1]
        m = buf.at[2]
        c = lax.axis_index("c")
        s = lax.axis_index("s")
        tid = c * NS + s
        pltpu.sync_copy(zero_hbm.at[pl.ds(s * RPT, RPT)],
                        aggr_sh.at[pl.ds(s * RPT, RPT)])
        if TAIL:
            @pl.when(s == 0)
            def _():
                pltpu.sync_copy(zero_hbm.at[pl.ds(NS * RPT, TAIL)],
                                aggr_sh.at[pl.ds(NS * RPT, TAIL)])
        plsc.subcore_barrier()

        for k in range(2):
            pltpu.async_copy(src_hbm.at[tid, k], sidx.at[k], s_sem.at[k])
            pltpu.async_copy(dst_hbm.at[tid, k], didx.at[k], d_sem.at[k])
        for b in range(NBUF):
            pltpu.async_copy(ea_hbm.at[tid, b], ea.at[b], ld_sem.at[b])
        pltpu.make_async_copy(src_hbm.at[tid, 0], sidx.at[0], s_sem.at[0]).wait()
        for b in range(NBUF):
            pltpu.async_copy(x_hbm.at[sidx.at[0, b]], xr.at[b], g_sem.at[b])

        @pl.loop(0, steps, step=NBUF)
        def _step(i0):
            for b in range(NBUF):
                i = i0 + b
                gsub = lax.rem(i, G)
                gslot = lax.rem(lax.div(i, G), 2)
                pltpu.make_async_copy(ea_hbm.at[tid, i], ea.at[b],
                                      ld_sem.at[b]).wait()
                pltpu.make_async_copy(x_hbm.at[sidx.at[gslot, gsub]], xr.at[b],
                                      g_sem.at[b]).wait()

                @pl.when(i0 >= NBUF)
                def _():
                    pltpu.make_async_copy(m.at[b], aggr_sh.at[didx.at[gslot, gsub]],
                                          sc_sem.at[b]).wait()

                if b == 1:
                    @pl.when((gsub == 1) & (i0 + 2 * G - 1 < steps) & (i0 >= NBUF))
                    def _():
                        nslot = 1 - gslot
                        sup = lax.div(i, G) + 1
                        pltpu.async_copy(src_hbm.at[tid, sup], sidx.at[nslot],
                                         s_sem.at[nslot])
                        pltpu.async_copy(dst_hbm.at[tid, sup], didx.at[nslot],
                                         d_sem.at[nslot])

                @plsc.parallel_loop(0, K, unroll=4)
                def _row(r):
                    for j in range(D // LANES):
                        sl = pl.ds(j * LANES, LANES)
                        m[b, r, sl] = jnp.maximum(xr[b, r, sl] + ea[b, r, sl], 0.0)

                @pl.when(gsub == 0)
                def _():
                    pltpu.make_async_copy(dst_hbm.at[tid, 0], didx.at[gslot],
                                          d_sem.at[gslot]).wait()
                pltpu.async_copy(m.at[b], aggr_sh.at[didx.at[gslot, gsub]],
                                 sc_sem.at[b], add=True)

                @pl.when(i + NBUF < steps)
                def _():
                    pltpu.async_copy(ea_hbm.at[tid, i + NBUF], ea.at[b],
                                     ld_sem.at[b])
                    ip = i + NBUF
                    psub = lax.rem(ip, G)
                    pslot = lax.rem(lax.div(ip, G), 2)
                    @pl.when(psub == 0)
                    def _():
                        pltpu.make_async_copy(src_hbm.at[tid, 0], sidx.at[pslot],
                                              s_sem.at[pslot]).wait()
                    pltpu.async_copy(x_hbm.at[sidx.at[pslot, psub]], xr.at[b],
                                     g_sem.at[b])

        for b in range(NBUF):
            j = steps - NBUF + b
            pltpu.make_async_copy(m.at[b],
                                  aggr_sh.at[didx.at[(j // G) % 2, j % G]],
                                  sc_sem.at[b]).wait()

        plsc.subcore_barrier()
        pltpu.sync_copy(aggr_sh.at[pl.ds(s * RPT, RPT)],
                        out_hbm.at[c, pl.ds(s * RPT, RPT)])
        if TAIL:
            @pl.when(s == 0)
            def _():
                pltpu.sync_copy(aggr_sh.at[pl.ds(NS * RPT, TAIL)],
                                out_hbm.at[c, pl.ds(NS * RPT, TAIL)])

    return body(x, src_r, dst_r, ea_r, zeros)


def _mlp(x, p0, p1, W1, b1, W2, b2, eps, R=1000):
    N, D = x.shape
    H = W1.shape[1]
    O = W2.shape[1]

    def body(eps_ref, x_ref, p0_ref, p1_ref, w1_ref, b1_ref, w2_ref, b2_ref, out_ref):
        a = (1.0 + eps_ref[0]) * x_ref[...] + p0_ref[...] + p1_ref[...]
        h = jnp.maximum(
            jnp.dot(a, w1_ref[...], preferred_element_type=jnp.float32) + b1_ref[...], 0.0)
        out_ref[...] = jnp.maximum(
            jnp.dot(h, w2_ref[...], preferred_element_type=jnp.float32) + b2_ref[...], 0.0)

    return pl.pallas_call(
        body,
        grid=(N // R,),
        in_specs=[
            pl.BlockSpec(memory_space=pltpu.SMEM),
            pl.BlockSpec((R, D), lambda i: (i, 0)),
            pl.BlockSpec((R, D), lambda i: (i, 0)),
            pl.BlockSpec((R, D), lambda i: (i, 0)),
            pl.BlockSpec((D, H), lambda i: (0, 0)),
            pl.BlockSpec((1, H), lambda i: (0, 0)),
            pl.BlockSpec((H, O), lambda i: (0, 0)),
            pl.BlockSpec((1, O), lambda i: (0, 0)),
        ],
        out_specs=pl.BlockSpec((R, O), lambda i: (i, 0)),
        out_shape=jax.ShapeDtypeStruct((N, O), jnp.float32),
    )(eps.reshape(1), x, p0, p1, W1, b1.reshape(1, H), W2, b2.reshape(1, O))


def kernel(x, edge_index, edge_attr, W1, b1, W2, b2, eps):
    src = edge_index[0]
    dst = edge_index[1]
    partials = _sc_aggregate(x, src, dst, edge_attr)
    return _mlp(x, partials[0], partials[1], W1, b1, W2, b2, eps)

# --- scband reference (transcript-rebuilt; emitter-appended) ---
"""Pipeline reference for scband-gnnmodule-42296837931757 (READ-ONLY COPY).

The authoritative reference and input builder live on the scoring server;
editing this copy changes nothing except your own understanding.
"""

import jax, jax.numpy as jnp
import numpy as np

N = 10000
E = 320000
D = 128
H = 64   # input_dim // 2
O = 256  # 2 * input_dim


def setup_inputs(seed: int = 0) -> dict:
    key = jax.random.key(seed)
    ks = jax.random.split(key, 8)
    x = jax.random.normal(ks[0], (N, D), dtype=jnp.float32)
    edge_index = jax.random.randint(ks[1], (2, E), 0, N, dtype=jnp.int32)
    edge_attr = jax.random.normal(ks[2], (E, D), dtype=jnp.float32)
    # GINEConv MLP params: Linear(D->H), ReLU, Linear(H->O); eps (train_eps=True, init 0)
    W1 = jax.random.normal(ks[3], (D, H), dtype=jnp.float32) * np.sqrt(2.0 / (D + H))
    b1 = jnp.zeros((H,), dtype=jnp.float32)
    W2 = jax.random.normal(ks[4], (H, O), dtype=jnp.float32) * np.sqrt(2.0 / (H + O))
    b2 = jnp.zeros((O,), dtype=jnp.float32)
    eps = jnp.zeros((), dtype=jnp.float32)
    return {"x": x, "edge_index": edge_index, "edge_attr": edge_attr,
            "W1": W1, "b1": b1, "W2": W2, "b2": b2, "eps": eps}


def reference(x, edge_index, edge_attr, W1, b1, W2, b2, eps):
    # GINEConv: message m_j = relu(x_src + edge_attr); sum-aggregate at dst;
    # out = MLP((1 + eps) * x + aggr); outer module applies ReLU (eval mode, no dropout).
    src = edge_index[0]
    dst = edge_index[1]
    m = jax.nn.relu(jnp.take(x, src, axis=0) + edge_attr)
    aggr = jax.ops.segment_sum(m, dst, num_segments=N)
    h = (1.0 + eps) * x + aggr
    h = jax.nn.relu(h @ W1 + b1)
    out = h @ W2 + b2
    return jax.nn.relu(out)

if __name__ == "__main__":
    import jax
    _d = setup_inputs()
    print(jax.jit(kernel)(*tuple(_d.values())))

</pallas_src>

<mosaic_0001>
#map = affine_map<(d0, d1) -> (0, 0)>
#map1 = affine_map<(d0, d1) -> (0, 0, 0, 0)>
#map2 = affine_map<(d0, d1) -> (0, 0, 0)>
module attributes {stable_mosaic.version = 14 : i64} {
  func.func @body(%arg0: i32, %arg1: i32, %arg2: memref<10000x128xf32, #tpu.memory_space<hbm>>, %arg3: memref<32x25x10x40xi32, #tpu.memory_space<hbm>>, %arg4: memref<32x25x10x40xi32, #tpu.memory_space<hbm>>, %arg5: memref<32x250x40x128xf32, #tpu.memory_space<hbm>>, %arg6: memref<10000x128xf32, #tpu.memory_space<hbm>>, %arg7: memref<2x10000x128xf32, #tpu.memory_space<hbm>>, %arg8: memref<2x10x40xi32, #tpu.memory_space<vmem>>, %arg9: memref<2x10x40xi32, #tpu.memory_space<vmem>>, %arg10: memref<3x2x40x128xf32, #tpu.memory_space<vmem>>, %arg11: memref<10000x128xf32, #tpu.memory_space<vmem_shared>>, %arg12: memref<2x!tpu.dma_semaphore, #tpu.memory_space<semaphore_mem>>, %arg13: memref<2x!tpu.dma_semaphore, #tpu.memory_space<semaphore_mem>>, %arg14: memref<2x!tpu.dma_semaphore, #tpu.memory_space<semaphore_mem>>, %arg15: memref<2x!tpu.dma_semaphore, #tpu.memory_space<semaphore_mem>>, %arg16: memref<2x!tpu.dma_semaphore, #tpu.memory_space<semaphore_mem>>) attributes {dimension_semantics = [#tpu.dimension_semantics<core_parallel>, #tpu.dimension_semantics<subcore_parallel>], iteration_bounds = array<i64: 2, 16>, scalar_prefetch = 0 : i64, scratch_operands = 9 : i64, tpu.core_type = #tpu.core_type<sc_vector_subcore>, window_params = [{transform_indices = #map}, {transform_indices = #map1}, {transform_indices = #map1}, {transform_indices = #map1}, {transform_indices = #map}, {transform_indices = #map2}]} {
    %mul3A = arith.constant 16 : i32
    %mul3A_0 = arith.muli %arg0, %mul3A : i32
    %add3A = arith.addi %mul3A_0, %arg1 : i32
    %mul3A_1 = arith.constant 624 : i32
    %mul3A_2 = arith.muli %arg1, %mul3A_1 : i32
    %mul3A_3 = arith.constant 624 : i32
    %mul3A_4 = arith.muli %arg1, %mul3A_3 : i32
    "tpu.region"() ({
      %run_scoped3A = tpu.sem_alloc : memref<!tpu.dma_semaphore, #tpu.memory_space<semaphore_mem>>
      %dma_start3A_279 = arith.constant 0 : i32
      %dma_start3A_280 = tpu.memref_slice %arg11[%mul3A_4, %dma_start3A_279] : memref<10000x128xf32, #tpu.memory_space<vmem_shared>> -> memref<624x128xf32, #tpu.memory_space<vmem_shared>>
      %dma_start3A_281 = arith.constant 0 : i32
      %dma_start3A_282 = tpu.memref_slice %arg6[%mul3A_2, %dma_start3A_281] : memref<10000x128xf32, #tpu.memory_space<hbm>> -> memref<624x128xf32, #tpu.memory_space<hbm>>
      tpu.enqueue_dma source(%dma_start3A_282 : memref<624x128xf32, #tpu.memory_space<hbm>>) target(%dma_start3A_280 : memref<624x128xf32, #tpu.memory_space<vmem_shared>>) target_semaphore(%run_scoped3A : memref<!tpu.dma_semaphore, #tpu.memory_space<semaphore_mem>>)
      %dma_wait3A_283 = arith.constant 0 : i32
      %dma_wait3A_284 = tpu.memref_slice %arg11[%mul3A_4, %dma_wait3A_283] : memref<10000x128xf32, #tpu.memory_space<vmem_shared>> -> memref<624x128xf32, #tpu.memory_space<vmem_shared>>
      %dma_wait3A_285 = arith.constant 0 : i32
      %dma_wait3A_286 = tpu.memref_slice %arg6[%mul3A_2, %dma_wait3A_285] : memref<10000x128xf32, #tpu.memory_space<hbm>> -> memref<624x128xf32, #tpu.memory_space<hbm>>
      tpu.wait_dma2 semaphore(%run_scoped3A : memref<!tpu.dma_semaphore, #tpu.memory_space<semaphore_mem>>) src(%dma_wait3A_286 : memref<624x128xf32, #tpu.memory_space<hbm>>) dst(%dma_wait3A_284 : memref<624x128xf32, #tpu.memory_space<vmem_shared>>)
      tpu.yield
    }) : () -> ()
    %eq3A = arith.constant 0 : i32
    %eq3A_5 = arith.cmpi eq, %arg1, %eq3A : i32
    %convert_element_type3A = arith.extui %eq3A_5 : i1 to i32
    %cond3A = arith.constant 0 : i32
    %cond3A_6 = arith.cmpi ne, %convert_element_type3A, %cond3A : i32
    scf.if %cond3A_6 {
      "tpu.region"() ({
        %run_scoped3A = tpu.sem_alloc : memref<!tpu.dma_semaphore, #tpu.memory_space<semaphore_mem>>
        %dma_start3A_279 = arith.constant 9984 : i32
        %dma_start3A_280 = arith.constant 0 : i32
        %dma_start3A_281 = tpu.memref_slice %arg11[%dma_start3A_279, %dma_start3A_280] : memref<10000x128xf32, #tpu.memory_space<vmem_shared>> -> memref<16x128xf32, #tpu.memory_space<vmem_shared>>
        %dma_start3A_282 = arith.constant 9984 : i32
        %dma_start3A_283 = arith.constant 0 : i32
        %dma_start3A_284 = tpu.memref_slice %arg6[%dma_start3A_282, %dma_start3A_283] : memref<10000x128xf32, #tpu.memory_space<hbm>> -> memref<16x128xf32, #tpu.memory_space<hbm>>
        tpu.enqueue_dma source(%dma_start3A_284 : memref<16x128xf32, #tpu.memory_space<hbm>>) target(%dma_start3A_281 : memref<16x128xf32, #tpu.memory_space<vmem_shared>>) target_semaphore(%run_scoped3A : memref<!tpu.dma_semaphore, #tpu.memory_space<semaphore_mem>>)
        %dma_wait3A_285 = arith.constant 9984 : i32
        %dma_wait3A_286 = arith.constant 0 : i32
        %dma_wait3A_287 = tpu.memref_slice %arg11[%dma_wait3A_285, %dma_wait3A_286] : memref<10000x128xf32, #tpu.memory_space<vmem_shared>> -> memref<16x128xf32, #tpu.memory_space<vmem_shared>>
        %dma_wait3A_288 = arith.constant 9984 : i32
        %dma_wait3A_289 = arith.constant 0 : i32
        %dma_wait3A_290 = tpu.memref_slice %arg6[%dma_wait3A_288, %dma_wait3A_289] : memref<10000x128xf32, #tpu.memory_space<hbm>> -> memref<16x128xf32, #tpu.memory_space<hbm>>
        tpu.wait_dma2 semaphore(%run_scoped3A : memref<!tpu.dma_semaphore, #tpu.memory_space<semaphore_mem>>) src(%dma_wait3A_290 : memref<16x128xf32, #tpu.memory_space<hbm>>) dst(%dma_wait3A_287 : memref<16x128xf32, #tpu.memory_space<vmem_shared>>)
        tpu.yield
      }) : () -> ()
    } else {
    }
    %barrier3A = arith.constant 0 : index
    tpu.barrier barrier_id(%barrier3A)
    %dma_start3A = arith.constant 0 : i32
    %dma_start3A_7 = arith.constant 0 : i32
    %dma_start3A_8 = arith.constant 0 : i32
    %dma_start3A_9 = arith.constant 0 : i32
    %dma_start3A_10 = arith.constant 0 : i32
    %dma_start3A_11 = tpu.memref_slice %arg8[%dma_start3A_7, %dma_start3A_9, %dma_start3A_10] : memref<2x10x40xi32, #tpu.memory_space<vmem>> -> memref<1x10x40xi32, #tpu.memory_space<vmem>>
    %dma_start3A_12 = tpu.memref_squeeze %dma_start3A_11 : memref<1x10x40xi32, #tpu.memory_space<vmem>> -> memref<10x40xi32, #tpu.memory_space<vmem>>
    %dma_start3A_13 = arith.constant 0 : i32
    %dma_start3A_14 = arith.constant 0 : i32
    %dma_start3A_15 = tpu.memref_slice %arg3[%add3A, %dma_start3A, %dma_start3A_13, %dma_start3A_14] : memref<32x25x10x40xi32, #tpu.memory_space<hbm>> -> memref<1x1x10x40xi32, #tpu.memory_space<hbm>>
    %dma_start3A_16 = tpu.memref_squeeze %dma_start3A_15 : memref<1x1x10x40xi32, #tpu.memory_space<hbm>> -> memref<10x40xi32, #tpu.memory_space<hbm>>
    %dma_start3A_17 = tpu.memref_slice %arg12[%dma_start3A_8] : memref<2x!tpu.dma_semaphore, #tpu.memory_space<semaphore_mem>> -> memref<1x!tpu.dma_semaphore, #tpu.memory_space<semaphore_mem>>
    %dma_start3A_18 = tpu.memref_squeeze %dma_start3A_17 : memref<1x!tpu.dma_semaphore, #tpu.memory_space<semaphore_mem>> -> memref<!tpu.dma_semaphore, #tpu.memory_space<semaphore_mem>>
    %dma_start3A_19 = arith.constant 0 : i32
    %dma_start3A_20 = arith.constant 0 : i32
    %dma_start3A_21 = tpu.memref_slice %arg8[%dma_start3A_7, %dma_start3A_19, %dma_start3A_20] : memref<2x10x40xi32, #tpu.memory_space<vmem>> -> memref<1x10x40xi32, #tpu.memory_space<vmem>>
    %dma_start3A_22 = tpu.memref_squeeze %dma_start3A_21 : memref<1x10x40xi32, #tpu.memory_space<vmem>> -> memref<10x40xi32, #tpu.memory_space<vmem>>
    %dma_start3A_23 = arith.constant 0 : i32
    %dma_start3A_24 = arith.constant 0 : i32
    %dma_start3A_25 = tpu.memref_slice %arg3[%add3A, %dma_start3A, %dma_start3A_23, %dma_start3A_24] : memref<32x25x10x40xi32, #tpu.memory_space<hbm>> -> memref<1x1x10x40xi32, #tpu.memory_space<hbm>>
    %dma_start3A_26 = tpu.memref_squeeze %dma_start3A_25 : memref<1x1x10x40xi32, #tpu.memory_space<hbm>> -> memref<10x40xi32, #tpu.memory_space<hbm>>
    tpu.enqueue_dma source(%dma_start3A_26 : memref<10x40xi32, #tpu.memory_space<hbm>>) target(%dma_start3A_22 : memref<10x40xi32, #tpu.memory_space<vmem>>) target_semaphore(%dma_start3A_18 : memref<!tpu.dma_semaphore, #tpu.memory_space<semaphore_mem>>)
    %dma_start3A_27 = arith.constant 0 : i32
    %dma_start3A_28 = arith.constant 0 : i32
    %dma_start3A_29 = arith.constant 0 : i32
    %dma_start3A_30 = arith.constant 0 : i32
    %dma_start3A_31 = arith.constant 0 : i32
    %dma_start3A_32 = tpu.memref_slice %arg9[%dma_start3A_28, %dma_start3A_30, %dma_start3A_31] : memref<2x10x40xi32, #tpu.memory_space<vmem>> -> memref<1x10x40xi32, #tpu.memory_space<vmem>>
    %dma_start3A_33 = tpu.memref_squeeze %dma_start3A_32 : memref<1x10x40xi32, #tpu.memory_space<vmem>> -> memref<10x40xi32, #tpu.memory_space<vmem>>
    %dma_start3A_34 = arith.constant 0 : i32
    %dma_start3A_35 = arith.constant 0 : i32
    %dma_start3A_36 = tpu.memref_slice %arg4[%add3A, %dma_start3A_27, %dma_start3A_34, %dma_start3A_35] : memref<32x25x10x40xi32, #tpu.memory_space<hbm>> -> memref<1x1x10x40xi32, #tpu.memory_space<hbm>>
    %dma_start3A_37 = tpu.memref_squeeze %dma_start3A_36 : memref<1x1x10x40xi32, #tpu.memory_space<hbm>> -> memref<10x40xi32, #tpu.memory_space<hbm>>
    %dma_start3A_38 = tpu.memref_slice %arg13[%dma_start3A_29] : memref<2x!tpu.dma_semaphore, #tpu.memory_space<semaphore_mem>> -> memref<1x!tpu.dma_semaphore, #tpu.memory_space<semaphore_mem>>
    %dma_start3A_39 = tpu.memref_squeeze %dma_start3A_38 : memref<1x!tpu.dma_semaphore, #tpu.memory_space<semaphore_mem>> -> memref<!tpu.dma_semaphore, #tpu.memory_space<semaphore_mem>>
    %dma_start3A_40 = arith.constant 0 : i32
    %dma_start3A_41 = arith.constant 0 : i32
    %dma_start3A_42 = tpu.memref_slice %arg9[%dma_start3A_28, %dma_start3A_40, %dma_start3A_41] : memref<2x10x40xi32, #tpu.memory_space<vmem>> -> memref<1x10x40xi32, #tpu.memory_space<vmem>>
    %dma_start3A_43 = tpu.memref_squeeze %dma_start3A_42 : memref<1x10x40xi32, #tpu.memory_space<vmem>> -> memref<10x40xi32, #tpu.memory_space<vmem>>
    %dma_start3A_44 = arith.constant 0 : i32
    %dma_start3A_45 = arith.constant 0 : i32
    %dma_start3A_46 = tpu.memref_slice %arg4[%add3A, %dma_start3A_27, %dma_start3A_44, %dma_start3A_45] : memref<32x25x10x40xi32, #tpu.memory_space<hbm>> -> memref<1x1x10x40xi32, #tpu.memory_space<hbm>>
    %dma_start3A_47 = tpu.memref_squeeze %dma_start3A_46 : memref<1x1x10x40xi32, #tpu.memory_space<hbm>> -> memref<10x40xi32, #tpu.memory_space<hbm>>
    tpu.enqueue_dma source(%dma_start3A_47 : memref<10x40xi32, #tpu.memory_space<hbm>>) target(%dma_start3A_43 : memref<10x40xi32, #tpu.memory_space<vmem>>) target_semaphore(%dma_start3A_39 : memref<!tpu.dma_semaphore, #tpu.memory_space<semaphore_mem>>)
    %dma_start3A_48 = arith.constant 1 : i32
    %dma_start3A_49 = arith.constant 1 : i32
    %dma_start3A_50 = arith.constant 1 : i32
    %dma_start3A_51 = arith.constant 0 : i32
    %dma_start3A_52 = arith.constant 0 : i32
    %dma_start3A_53 = tpu.memref_slice %arg8[%dma_start3A_49, %dma_start3A_51, %dma_start3A_52] : memref<2x10x40xi32, #tpu.memory_space<vmem>> -> memref<1x10x40xi32, #tpu.memory_space<vmem>>
    %dma_start3A_54 = tpu.memref_squeeze %dma_start3A_53 : memref<1x10x40xi32, #tpu.memory_space<vmem>> -> memref<10x40xi32, #tpu.memory_space<vmem>>
    %dma_start3A_55 = arith.constant 0 : i32
    %dma_start3A_56 = arith.constant 0 : i32
    %dma_start3A_57 = tpu.memref_slice %arg3[%add3A, %dma_start3A_48, %dma_start3A_55, %dma_start3A_56] : memref<32x25x10x40xi32, #tpu.memory_space<hbm>> -> memref<1x1x10x40xi32, #tpu.memory_space<hbm>>
    %dma_start3A_58 = tpu.memref_squeeze %dma_start3A_57 : memref<1x1x10x40xi32, #tpu.memory_space<hbm>> -> memref<10x40xi32, #tpu.memory_space<hbm>>
    %dma_start3A_59 = tpu.memref_slice %arg12[%dma_start3A_50] : memref<2x!tpu.dma_semaphore, #tpu.memory_space<semaphore_mem>> -> memref<1x!tpu.dma_semaphore, #tpu.memory_space<semaphore_mem>>
    %dma_start3A_60 = tpu.memref_squeeze %dma_start3A_59 : memref<1x!tpu.dma_semaphore, #tpu.memory_space<semaphore_mem>> -> memref<!tpu.dma_semaphore, #tpu.memory_space<semaphore_mem>>
    %dma_start3A_61 = arith.constant 0 : i32
    %dma_start3A_62 = arith.constant 0 : i32
    %dma_start3A_63 = tpu.memref_slice %arg8[%dma_start3A_49, %dma_start3A_61, %dma_start3A_62] : memref<2x10x40xi32, #tpu.memory_space<vmem>> -> memref<1x10x40xi32, #tpu.memory_space<vmem>>
    %dma_start3A_64 = tpu.memref_squeeze %dma_start3A_63 : memref<1x10x40xi32, #tpu.memory_space<vmem>> -> memref<10x40xi32, #tpu.memory_space<vmem>>
    %dma_start3A_65 = arith.constant 0 : i32
    %dma_start3A_66 = arith.constant 0 : i32
    %dma_start3A_67 = tpu.memref_slice %arg3[%add3A, %dma_start3A_48, %dma_start3A_65, %dma_start3A_66] : memref<32x25x10x40xi32, #tpu.memory_space<hbm>> -> memref<1x1x10x40xi32, #tpu.memory_space<hbm>>
    %dma_start3A_68 = tpu.memref_squeeze %dma_start3A_67 : memref<1x1x10x40xi32, #tpu.memory_space<hbm>> -> memref<10x40xi32, #tpu.memory_space<hbm>>
    tpu.enqueue_dma source(%dma_start3A_68 : memref<10x40xi32, #tpu.memory_space<hbm>>) target(%dma_start3A_64 : memref<10x40xi32, #tpu.memory_space<vmem>>) target_semaphore(%dma_start3A_60 : memref<!tpu.dma_semaphore, #tpu.memory_space<semaphore_mem>>)
    %dma_start3A_69 = arith.constant 1 : i32
    %dma_start3A_70 = arith.constant 1 : i32
    %dma_start3A_71 = arith.constant 1 : i32
    %dma_start3A_72 = arith.constant 0 : i32
    %dma_start3A_73 = arith.constant 0 : i32
    %dma_start3A_74 = tpu.memref_slice %arg9[%dma_start3A_70, %dma_start3A_72, %dma_start3A_73] : memref<2x10x40xi32, #tpu.memory_space<vmem>> -> memref<1x10x40xi32, #tpu.memory_space<vmem>>
    %dma_start3A_75 = tpu.memref_squeeze %dma_start3A_74 : memref<1x10x40xi32, #tpu.memory_space<vmem>> -> memref<10x40xi32, #tpu.memory_space<vmem>>
    %dma_start3A_76 = arith.constant 0 : i32
    %dma_start3A_77 = arith.constant 0 : i32
    %dma_start3A_78 = tpu.memref_slice %arg4[%add3A, %dma_start3A_69, %dma_start3A_76, %dma_start3A_77] : memref<32x25x10x40xi32, #tpu.memory_space<hbm>> -> memref<1x1x10x40xi32, #tpu.memory_space<hbm>>
    %dma_start3A_79 = tpu.memref_squeeze %dma_start3A_78 : memref<1x1x10x40xi32, #tpu.memory_space<hbm>> -> memref<10x40xi32, #tpu.memory_space<hbm>>
    %dma_start3A_80 = tpu.memref_slice %arg13[%dma_start3A_71] : memref<2x!tpu.dma_semaphore, #tpu.memory_space<semaphore_mem>> -> memref<1x!tpu.dma_semaphore, #tpu.memory_space<semaphore_mem>>
    %dma_start3A_81 = tpu.memref_squeeze %dma_start3A_80 : memref<1x!tpu.dma_semaphore, #tpu.memory_space<semaphore_mem>> -> memref<!tpu.dma_semaphore, #tpu.memory_space<semaphore_mem>>
    %dma_start3A_82 = arith.constant 0 : i32
    %dma_start3A_83 = arith.constant 0 : i32
    %dma_start3A_84 = tpu.memref_slice %arg9[%dma_start3A_70, %dma_start3A_82, %dma_start3A_83] : memref<2x10x40xi32, #tpu.memory_space<vmem>> -> memref<1x10x40xi32, #tpu.memory_space<vmem>>
    %dma_start3A_85 = tpu.memref_squeeze %dma_start3A_84 : memref<1x10x40xi32, #tpu.memory_space<vmem>> -> memref<10x40xi32, #tpu.memory_space<vmem>>
    %dma_start3A_86 = arith.constant 0 : i32
    %dma_start3A_87 = arith.constant 0 : i32
    %dma_start3A_88 = tpu.memref_slice %arg4[%add3A, %dma_start3A_69, %dma_start3A_86, %dma_start3A_87] : memref<32x25x10x40xi32, #tpu.memory_space<hbm>> -> memref<1x1x10x40xi32, #tpu.memory_space<hbm>>
    %dma_start3A_89 = tpu.memref_squeeze %dma_start3A_88 : memref<1x1x10x40xi32, #tpu.memory_space<hbm>> -> memref<10x40xi32, #tpu.memory_space<hbm>>
    tpu.enqueue_dma source(%dma_start3A_89 : memref<10x40xi32, #tpu.memory_space<hbm>>) target(%dma_start3A_85 : memref<10x40xi32, #tpu.memory_space<vmem>>) target_semaphore(%dma_start3A_81 : memref<!tpu.dma_semaphore, #tpu.memory_space<semaphore_mem>>)
    %dma_start3A_90 = arith.constant 0 : i32
    %dma_start3A_91 = arith.constant 1 : i32
    %dma_start3A_92 = arith.constant 0 : i32
    %dma_start3A_93 = arith.constant 0 : i32
    %dma_start3A_94 = arith.constant 0 : i32
    %dma_start3A_95 = arith.constant 0 : i32
    %dma_start3A_96 = arith.constant 0 : i32
    %dma_start3A_97 = tpu.memref_slice %arg10[%dma_start3A_91, %dma_start3A_94, %dma_start3A_95, %dma_start3A_96] : memref<3x2x40x128xf32, #tpu.memory_space<vmem>> -> memref<1x2x40x128xf32, #tpu.memory_space<vmem>>
    %dma_start3A_98 = tpu.memref_squeeze %dma_start3A_97 : memref<1x2x40x128xf32, #tpu.memory_space<vmem>> -> memref<2x40x128xf32, #tpu.memory_space<vmem>>
    %dma_start3A_99 = arith.constant 0 : i32
    %dma_start3A_100 = arith.constant 0 : i32
    %dma_start3A_101 = tpu.memref_slice %dma_start3A_98[%dma_start3A_92, %dma_start3A_99, %dma_start3A_100] : memref<2x40x128xf32, #tpu.memory_space<vmem>> -> memref<1x40x128xf32, #tpu.memory_space<vmem>>
    %dma_start3A_102 = tpu.memref_squeeze %dma_start3A_101 : memref<1x40x128xf32, #tpu.memory_space<vmem>> -> memref<40x128xf32, #tpu.memory_space<vmem>>
    %dma_start3A_103 = arith.constant 0 : i32
    %dma_start3A_104 = arith.constant 0 : i32
    %dma_start3A_105 = tpu.memref_slice %arg5[%add3A, %dma_start3A_90, %dma_start3A_103, %dma_start3A_104] : memref<32x250x40x128xf32, #tpu.memory_space<hbm>> -> memref<1x1x40x128xf32, #tpu.memory_space<hbm>>
    %dma_start3A_106 = tpu.memref_squeeze %dma_start3A_105 : memref<1x1x40x128xf32, #tpu.memory_space<hbm>> -> memref<40x128xf32, #tpu.memory_space<hbm>>
    %dma_start3A_107 = tpu.memref_slice %arg14[%dma_start3A_93] : memref<2x!tpu.dma_semaphore, #tpu.memory_space<semaphore_mem>> -> memref<1x!tpu.dma_semaphore, #tpu.memory_space<semaphore_mem>>
    %dma_start3A_108 = tpu.memref_squeeze %dma_start3A_107 : memref<1x!tpu.dma_semaphore, #tpu.memory_space<semaphore_mem>> -> memref<!tpu.dma_semaphore, #tpu.memory_space<semaphore_mem>>
    %dma_start3A_109 = arith.constant 0 : i32
    %dma_start3A_110 = arith.constant 0 : i32
    %dma_start3A_111 = arith.constant 0 : i32
    %dma_start3A_112 = tpu.memref_slice %arg10[%dma_start3A_91, %dma_start3A_109, %dma_start3A_110, %dma_start3A_111] : memref<3x2x40x128xf32, #tpu.memory_space<vmem>> -> memref<1x2x40x128xf32, #tpu.memory_space<vmem>>
    %dma_start3A_113 = tpu.memref_squeeze %dma_start3A_112 : memref<1x2x40x128xf32, #tpu.memory_space<vmem>> -> memref<2x40x128xf32, #tpu.memory_space<vmem>>
    %dma_start3A_114 = arith.constant 0 : i32
    %dma_start3A_115 = arith.constant 0 : i32
    %dma_start3A_116 = tpu.memref_slice %dma_start3A_113[%dma_start3A_92, %dma_start3A_114, %dma_start3A_115] : memref<2x40x128xf32, #tpu.memory_space<vmem>> -> memref<1x40x128xf32, #tpu.memory_space<vmem>>
    %dma_start3A_117 = tpu.memref_squeeze %dma_start3A_116 : memref<1x40x128xf32, #tpu.memory_space<vmem>> -> memref<40x128xf32, #tpu.memory_space<vmem>>
    %dma_start3A_118 = arith.constant 0 : i32
    %dma_start3A_119 = arith.constant 0 : i32
    %dma_start3A_120 = tpu.memref_slice %arg5[%add3A, %dma_start3A_90, %dma_start3A_118, %dma_start3A_119] : memref<32x250x40x128xf32, #tpu.memory_space<hbm>> -> memref<1x1x40x128xf32, #tpu.memory_space<hbm>>
    %dma_start3A_121 = tpu.memref_squeeze %dma_start3A_120 : memref<1x1x40x128xf32, #tpu.memory_space<hbm>> -> memref<40x128xf32, #tpu.memory_space<hbm>>
    tpu.enqueue_dma source(%dma_start3A_121 : memref<40x128xf32, #tpu.memory_space<hbm>>) target(%dma_start3A_117 : memref<40x128xf32, #tpu.memory_space<vmem>>) target_semaphore(%dma_start3A_108 : memref<!tpu.dma_semaphore, #tpu.memory_space<semaphore_mem>>)
    %dma_start3A_122 = arith.constant 1 : i32
    %dma_start3A_123 = arith.constant 1 : i32
    %dma_start3A_124 = arith.constant 1 : i32
    %dma_start3A_125 = arith.constant 1 : i32
    %dma_start3A_126 = arith.constant 0 : i32
    %dma_start3A_127 = arith.constant 0 : i32
    %dma_start3A_128 = arith.constant 0 : i32
    %dma_start3A_129 = tpu.memref_slice %arg10[%dma_start3A_123, %dma_start3A_126, %dma_start3A_127, %dma_start3A_128] : memref<3x2x40x128xf32, #tpu.memory_space<vmem>> -> memref<1x2x40x128xf32, #tpu.memory_space<vmem>>
    %dma_start3A_130 = tpu.memref_squeeze %dma_start3A_129 : memref<1x2x40x128xf32, #tpu.memory_space<vmem>> -> memref<2x40x128xf32, #tpu.memory_space<vmem>>
    %dma_start3A_131 = arith.constant 0 : i32
    %dma_start3A_132 = arith.constant 0 : i32
    %dma_start3A_133 = tpu.memref_slice %dma_start3A_130[%dma_start3A_124, %dma_start3A_131, %dma_start3A_132] : memref<2x40x128xf32, #tpu.memory_space<vmem>> -> memref<1x40x128xf32, #tpu.memory_space<vmem>>
    %dma_start3A_134 = tpu.memref_squeeze %dma_start3A_133 : memref<1x40x128xf32, #tpu.memory_space<vmem>> -> memref<40x128xf32, #tpu.memory_space<vmem>>
    %dma_start3A_135 = arith.constant 0 : i32
    %dma_start3A_136 = arith.constant 0 : i32
    %dma_start3A_137 = tpu.memref_slice %arg5[%add3A, %dma_start3A_122, %dma_start3A_135, %dma_start3A_136] : memref<32x250x40x128xf32, #tpu.memory_space<hbm>> -> memref<1x1x40x128xf32, #tpu.memory_space<hbm>>
    %dma_start3A_138 = tpu.memref_squeeze %dma_start3A_137 : memref<1x1x40x128xf32, #tpu.memory_space<hbm>> -> memref<40x128xf32, #tpu.memory_space<hbm>>
    %dma_start3A_139 = tpu.memref_slice %arg14[%dma_start3A_125] : memref<2x!tpu.dma_semaphore, #tpu.memory_space<semaphore_mem>> -> memref<1x!tpu.dma_semaphore, #tpu.memory_space<semaphore_mem>>
    %dma_start3A_140 = tpu.memref_squeeze %dma_start3A_139 : memref<1x!tpu.dma_semaphore, #tpu.memory_space<semaphore_mem>> -> memref<!tpu.dma_semaphore, #tpu.memory_space<semaphore_mem>>
    %dma_start3A_141 = arith.constant 0 : i32
    %dma_start3A_142 = arith.constant 0 : i32
    %dma_start3A_143 = arith.constant 0 : i32
    %dma_start3A_144 = tpu.memref_slice %arg10[%dma_start3A_123, %dma_start3A_141, %dma_start3A_142, %dma_start3A_143] : memref<3x2x40x128xf32, #tpu.memory_space<vmem>> -> memref<1x2x40x128xf32, #tpu.memory_space<vmem>>
    %dma_start3A_145 = tpu.memref_squeeze %dma_start3A_144 : memref<1x2x40x128xf32, #tpu.memory_space<vmem>> -> memref<2x40x128xf32, #tpu.memory_space<vmem>>
    %dma_start3A_146 = arith.constant 0 : i32
    %dma_start3A_147 = arith.constant 0 : i32
    %dma_start3A_148 = tpu.memref_slice %dma_start3A_145[%dma_start3A_124, %dma_start3A_146, %dma_start3A_147] : memref<2x40x128xf32, #tpu.memory_space<vmem>> -> memref<1x40x128xf32, #tpu.memory_space<vmem>>
    %dma_start3A_149 = tpu.memref_squeeze %dma_start3A_148 : memref<1x40x128xf32, #tpu.memory_space<vmem>> -> memref<40x128xf32, #tpu.memory_space<vmem>>
    %dma_start3A_150 = arith.constant 0 : i32
    %dma_start3A_151 = arith.constant 0 : i32
    %dma_start3A_152 = tpu.memref_slice %arg5[%add3A, %dma_start3A_122, %dma_start3A_150, %dma_start3A_151] : memref<32x250x40x128xf32, #tpu.memory_space<hbm>> -> memref<1x1x40x128xf32, #tpu.memory_space<hbm>>
    %dma_start3A_153 = tpu.memref_squeeze %dma_start3A_152 : memref<1x1x40x128xf32, #tpu.memory_space<hbm>> -> memref<40x128xf32, #tpu.memory_space<hbm>>
    tpu.enqueue_dma source(%dma_start3A_153 : memref<40x128xf32, #tpu.memory_space<hbm>>) target(%dma_start3A_149 : memref<40x128xf32, #tpu.memory_space<vmem>>) target_semaphore(%dma_start3A_140 : memref<!tpu.dma_semaphore, #tpu.memory_space<semaphore_mem>>)
    %dma_wait3A = arith.constant 0 : i32
    %dma_wait3A_154 = arith.constant 0 : i32
    %dma_wait3A_155 = arith.constant 0 : i32
    %dma_wait3A_156 = arith.constant 0 : i32
    %dma_wait3A_157 = arith.constant 0 : i32
    %dma_wait3A_158 = tpu.memref_slice %arg8[%dma_wait3A_154, %dma_wait3A_156, %dma_wait3A_157] : memref<2x10x40xi32, #tpu.memory_space<vmem>> -> memref<1x10x40xi32, #tpu.memory_space<vmem>>
    %dma_wait3A_159 = tpu.memref_squeeze %dma_wait3A_158 : memref<1x10x40xi32, #tpu.memory_space<vmem>> -> memref<10x40xi32, #tpu.memory_space<vmem>>
    %dma_wait3A_160 = arith.constant 0 : i32
    %dma_wait3A_161 = arith.constant 0 : i32
    %dma_wait3A_162 = tpu.memref_slice %arg3[%add3A, %dma_wait3A, %dma_wait3A_160, %dma_wait3A_161] : memref<32x25x10x40xi32, #tpu.memory_space<hbm>> -> memref<1x1x10x40xi32, #tpu.memory_space<hbm>>
    %dma_wait3A_163 = tpu.memref_squeeze %dma_wait3A_162 : memref<1x1x10x40xi32, #tpu.memory_space<hbm>> -> memref<10x40xi32, #tpu.memory_space<hbm>>
    %dma_wait3A_164 = tpu.memref_slice %arg12[%dma_wait3A_155] : memref<2x!tpu.dma_semaphore, #tpu.memory_space<semaphore_mem>> -> memref<1x!tpu.dma_semaphore, #tpu.memory_space<semaphore_mem>>
    %dma_wait3A_165 = tpu.memref_squeeze %dma_wait3A_164 : memref<1x!tpu.dma_semaphore, #tpu.memory_space<semaphore_mem>> -> memref<!tpu.dma_semaphore, #tpu.memory_space<semaphore_mem>>
    %dma_wait3A_166 = arith.constant 0 : i32
    %dma_wait3A_167 = arith.constant 0 : i32
    %dma_wait3A_168 = tpu.memref_slice %arg8[%dma_wait3A_154, %dma_wait3A_166, %dma_wait3A_167] : memref<2x10x40xi32, #tpu.memory_space<vmem>> -> memref<1x10x40xi32, #tpu.memory_space<vmem>>
    %dma_wait3A_169 = tpu.memref_squeeze %dma_wait3A_168 : memref<1x10x40xi32, #tpu.memory_space<vmem>> -> memref<10x40xi32, #tpu.memory_space<vmem>>
    %dma_wait3A_170 = arith.constant 0 : i32
    %dma_wait3A_171 = arith.constant 0 : i32
    %dma_wait3A_172 = tpu.memref_slice %arg3[%add3A, %dma_wait3A, %dma_wait3A_170, %dma_wait3A_171] : memref<32x25x10x40xi32, #tpu.memory_space<hbm>> -> memref<1x1x10x40xi32, #tpu.memory_space<hbm>>
    %dma_wait3A_173 = tpu.memref_squeeze %dma_wait3A_172 : memref<1x1x10x40xi32, #tpu.memory_space<hbm>> -> memref<10x40xi32, #tpu.memory_space<hbm>>
    tpu.wait_dma2 semaphore(%dma_wait3A_165 : memref<!tpu.dma_semaphore, #tpu.memory_space<semaphore_mem>>) src(%dma_wait3A_173 : memref<10x40xi32, #tpu.memory_space<hbm>>) dst(%dma_wait3A_169 : memref<10x40xi32, #tpu.memory_space<vmem>>)
    %dma_start3A_174 = arith.constant 0 : i32
    %dma_start3A_175 = arith.constant 0 : i32
    %dma_start3A_176 = arith.constant 0 : i32
    %dma_start3A_177 = arith.constant 0 : i32
    %dma_start3A_178 = arith.constant 0 : i32
    %dma_start3A_179 = arith.constant 0 : i32
    %dma_start3A_180 = arith.constant 0 : i32
    %dma_start3A_181 = arith.constant 0 : i32
    %dma_start3A_182 = tpu.memref_slice %arg10[%dma_start3A_176, %dma_start3A_179, %dma_start3A_180, %dma_start3A_181] : memref<3x2x40x128xf32, #tpu.memory_space<vmem>> -> memref<1x2x40x128xf32, #tpu.memory_space<vmem>>
    %dma_start3A_183 = tpu.memref_squeeze %dma_start3A_182 : memref<1x2x40x128xf32, #tpu.memory_space<vmem>> -> memref<2x40x128xf32, #tpu.memory_space<vmem>>
    %dma_start3A_184 = arith.constant 0 : i32
    %dma_start3A_185 = arith.constant 0 : i32
    %dma_start3A_186 = tpu.memref_slice %dma_start3A_183[%dma_start3A_177, %dma_start3A_184, %dma_start3A_185] : memref<2x40x128xf32, #tpu.memory_space<vmem>> -> memref<1x40x128xf32, #tpu.memory_space<vmem>>
    %dma_start3A_187 = tpu.memref_squeeze %dma_start3A_186 : memref<1x40x128xf32, #tpu.memory_space<vmem>> -> memref<40x128xf32, #tpu.memory_space<vmem>>
    %dma_start3A_188 = arith.constant 0 : i32
    %dma_start3A_189 = tpu.memref_slice %arg8[%dma_start3A_174, %dma_start3A_175, %dma_start3A_188] : memref<2x10x40xi32, #tpu.memory_space<vmem>> -> memref<1x1x40xi32, #tpu.memory_space<vmem>>
    %dma_start3A_190 = tpu.memref_squeeze %dma_start3A_189 : memref<1x1x40xi32, #tpu.memory_space<vmem>> -> memref<40xi32, #tpu.memory_space<vmem>>
    %dma_start3A_191 = arith.constant 0 : i32
    %dma_start3A_192 = arith.constant 0 : i32
    %dma_start3A_193 = tpu.memref_slice %arg2[%dma_start3A_191, %dma_start3A_192] : memref<10000x128xf32, #tpu.memory_space<hbm>> -> memref<10000x128xf32, #tpu.memory_space<hbm>>
    %dma_start3A_194 = tpu.memref_slice %arg15[%dma_start3A_178] : memref<2x!tpu.dma_semaphore, #tpu.memory_space<semaphore_mem>> -> memref<1x!tpu.dma_semaphore, #tpu.memory_space<semaphore_mem>>
    %dma_start3A_195 = tpu.memref_squeeze %dma_start3A_194 : memref<1x!tpu.dma_semaphore, #tpu.memory_space<semaphore_mem>> -> memref<!tpu.dma_semaphore, #tpu.memory_space<semaphore_mem>>
    tpu.enqueue_indirect_dma source(%dma_start3A_193 : memref<10000x128xf32, #tpu.memory_space<hbm>>) target(%dma_start3A_187 : memref<40x128xf32, #tpu.memory_space<vmem>>) offsets(%dma_start3A_190 : memref<40xi32, #tpu.memory_space<vmem>>) semaphore(%dma_start3A_195 : memref<!tpu.dma_semaphore, #tpu.memory_space<semaphore_mem>>)
    %dma_start3A_196 = arith.constant 0 : i32
    %dma_start3A_197 = arith.constant 1 : i32
    %dma_start3A_198 = arith.constant 0 : i32
    %dma_start3A_199 = arith.constant 1 : i32
    %dma_start3A_200 = arith.constant 1 : i32
    %dma_start3A_201 = arith.constant 0 : i32
    %dma_start3A_202 = arith.constant 0 : i32
    %dma_start3A_203 = arith.constant 0 : i32
    %dma_start3A_204 = tpu.memref_slice %arg10[%dma_start3A_198, %dma_start3A_201, %dma_start3A_202, %dma_start3A_203] : memref<3x2x40x128xf32, #tpu.memory_space<vmem>> -> memref<1x2x40x128xf32, #tpu.memory_space<vmem>>
    %dma_start3A_205 = tpu.memref_squeeze %dma_start3A_204 : memref<1x2x40x128xf32, #tpu.memory_space<vmem>> -> memref<2x40x128xf32, #tpu.memory_space<vmem>>
    %dma_start3A_206 = arith.constant 0 : i32
    %dma_start3A_207 = arith.constant 0 : i32
    %dma_start3A_208 = tpu.memref_slice %dma_start3A_205[%dma_start3A_199, %dma_start3A_206, %dma_start3A_207] : memref<2x40x128xf32, #tpu.memory_space<vmem>> -> memref<1x40x128xf32, #tpu.memory_space<vmem>>
    %dma_start3A_209 = tpu.memref_squeeze %dma_start3A_208 : memref<1x40x128xf32, #tpu.memory_space<vmem>> -> memref<40x128xf32, #tpu.memory_space<vmem>>
    %dma_start3A_210 = arith.constant 0 : i32
    %dma_start3A_211 = tpu.memref_slice %arg8[%dma_start3A_196, %dma_start3A_197, %dma_start3A_210] : memref<2x10x40xi32, #tpu.memory_space<vmem>> -> memref<1x1x40xi32, #tpu.memory_space<vmem>>
    %dma_start3A_212 = tpu.memref_squeeze %dma_start3A_211 : memref<1x1x40xi32, #tpu.memory_space<vmem>> -> memref<40xi32, #tpu.memory_space<vmem>>
    %dma_start3A_213 = arith.constant 0 : i32
    %dma_start3A_214 = arith.constant 0 : i32
    %dma_start3A_215 = tpu.memref_slice %arg2[%dma_start3A_213, %dma_start3A_214] : memref<10000x128xf32, #tpu.memory_space<hbm>> -> memref<10000x128xf32, #tpu.memory_space<hbm>>
    %dma_start3A_216 = tpu.memref_slice %arg15[%dma_start3A_200] : memref<2x!tpu.dma_semaphore, #tpu.memory_space<semaphore_mem>> -> memref<1x!tpu.dma_semaphore, #tpu.memory_space<semaphore_mem>>
    %dma_start3A_217 = tpu.memref_squeeze %dma_start3A_216 : memref<1x!tpu.dma_semaphore, #tpu.memory_space<semaphore_mem>> -> memref<!tpu.dma_semaphore, #tpu.memory_space<semaphore_mem>>
    tpu.enqueue_indirect_dma source(%dma_start3A_215 : memref<10000x128xf32, #tpu.memory_space<hbm>>) target(%dma_start3A_209 : memref<40x128xf32, #tpu.memory_space<vmem>>) offsets(%dma_start3A_212 : memref<40xi32, #tpu.memory_space<vmem>>) semaphore(%dma_start3A_217 : memref<!tpu.dma_semaphore, #tpu.memory_space<semaphore_mem>>)
    %scan3A = arith.constant 1 : i32
    %scan3A_218 = arith.constant 0 : i32
    %scan3A_219 = arith.constant 2 : i32
    %scan3A_220 = arith.constant 0 : i32
    %scan3A_221 = arith.constant 125 : i32
    %scan3A_222 = arith.addi %scan3A_220, %scan3A_221 : i32
    %scan3A_223 = arith.constant 1 : i32
    scf.for %scan3A_279 = %scan3A_220 to %scan3A_222 step %scan3A_223  : i32 {
      %mul3A_280 = arith.constant 2 : i32
      %mul3A_281 = arith.muli %scan3A_279, %mul3A_280 : i32
      %add3A_282 = arith.constant 0 : i32
      %add3A_283 = arith.addi %add3A_282, %mul3A_281 : i32
      %add3A_284 = arith.constant 0 : i32
      %add3A_285 = arith.addi %add3A_283, %add3A_284 : i32
      %rem3A = arith.constant 10 : i32
      %rem3A_286 = arith.remsi %add3A_285, %rem3A : i32
      %div3A = arith.constant 10 : i32
      %div3A_287 = arith.divsi %add3A_285, %div3A : i32
      %rem3A_288 = arith.constant 2 : i32
      %rem3A_289 = arith.remsi %div3A_287, %rem3A_288 : i32
      %dma_wait3A_290 = arith.constant 0 : i32
      %dma_wait3A_291 = arith.constant 0 : i32
      %dma_wait3A_292 = arith.constant 0 : i32
      %dma_wait3A_293 = arith.constant 0 : i32
      %dma_wait3A_294 = arith.constant 0 : i32
      %dma_wait3A_295 = tpu.memref_slice %arg10[%scan3A, %dma_wait3A_292, %dma_wait3A_293, %dma_wait3A_294] : memref<3x2x40x128xf32, #tpu.memory_space<vmem>> -> memref<1x2x40x128xf32, #tpu.memory_space<vmem>>
      %dma_wait3A_296 = tpu.memref_squeeze %dma_wait3A_295 : memref<1x2x40x128xf32, #tpu.memory_space<vmem>> -> memref<2x40x128xf32, #tpu.memory_space<vmem>>
      %dma_wait3A_297 = arith.constant 0 : i32
      %dma_wait3A_298 = arith.constant 0 : i32
      %dma_wait3A_299 = tpu.memref_slice %dma_wait3A_296[%dma_wait3A_290, %dma_wait3A_297, %dma_wait3A_298] : memref<2x40x128xf32, #tpu.memory_space<vmem>> -> memref<1x40x128xf32, #tpu.memory_space<vmem>>
      %dma_wait3A_300 = tpu.memref_squeeze %dma_wait3A_299 : memref<1x40x128xf32, #tpu.memory_space<vmem>> -> memref<40x128xf32, #tpu.memory_space<vmem>>
      %dma_wait3A_301 = arith.constant 0 : i32
      %dma_wait3A_302 = arith.constant 0 : i32
      %dma_wait3A_303 = tpu.memref_slice %arg5[%add3A, %add3A_285, %dma_wait3A_301, %dma_wait3A_302] : memref<32x250x40x128xf32, #tpu.memory_space<hbm>> -> memref<1x1x40x128xf32, #tpu.memory_space<hbm>>
      %dma_wait3A_304 = tpu.memref_squeeze %dma_wait3A_303 : memref<1x1x40x128xf32, #tpu.memory_space<hbm>> -> memref<40x128xf32, #tpu.memory_space<hbm>>
      %dma_wait3A_305 = tpu.memref_slice %arg14[%dma_wait3A_291] : memref<2x!tpu.dma_semaphore, #tpu.memory_space<semaphore_mem>> -> memref<1x!tpu.dma_semaphore, #tpu.memory_space<semaphore_mem>>
      %dma_wait3A_306 = tpu.memref_squeeze %dma_wait3A_305 : memref<1x!tpu.dma_semaphore, #tpu.memory_space<semaphore_mem>> -> memref<!tpu.dma_semaphore, #tpu.memory_space<semaphore_mem>>
      %dma_wait3A_307 = arith.constant 0 : i32
      %dma_wait3A_308 = arith.constant 0 : i32
      %dma_wait3A_309 = arith.constant 0 : i32
      %dma_wait3A_310 = tpu.memref_slice %arg10[%scan3A, %dma_wait3A_307, %dma_wait3A_308, %dma_wait3A_309] : memref<3x2x40x128xf32, #tpu.memory_space<vmem>> -> memref<1x2x40x128xf32, #tpu.memory_space<vmem>>
      %dma_wait3A_311 = tpu.memref_squeeze %dma_wait3A_310 : memref<1x2x40x128xf32, #tpu.memory_space<vmem>> -> memref<2x40x128xf32, #tpu.memory_space<vmem>>
      %dma_wait3A_312 = arith.constant 0 : i32
      %dma_wait3A_313 = arith.constant 0 : i32
      %dma_wait3A_314 = tpu.memref_slice %dma_wait3A_311[%dma_wait3A_290, %dma_wait3A_312, %dma_wait3A_313] : memref<2x40x128xf32, #tpu.memory_space<vmem>> -> memref<1x40x128xf32, #tpu.memory_space<vmem>>
      %dma_wait3A_315 = tpu.memref_squeeze %dma_wait3A_314 : memref<1x40x128xf32, #tpu.memory_space<vmem>> -> memref<40x128xf32, #tpu.memory_space<vmem>>
      %dma_wait3A_316 = arith.constant 0 : i32
      %dma_wait3A_317 = arith.constant 0 : i32
      %dma_wait3A_318 = tpu.memref_slice %arg5[%add3A, %add3A_285, %dma_wait3A_316, %dma_wait3A_317] : memref<32x250x40x128xf32, #tpu.memory_space<hbm>> -> memref<1x1x40x128xf32, #tpu.memory_space<hbm>>
      %dma_wait3A_319 = tpu.memref_squeeze %dma_wait3A_318 : memref<1x1x40x128xf32, #tpu.memory_space<hbm>> -> memref<40x128xf32, #tpu.memory_space<hbm>>
      tpu.wait_dma2 semaphore(%dma_wait3A_306 : memref<!tpu.dma_semaphore, #tpu.memory_space<semaphore_mem>>) src(%dma_wait3A_319 : memref<40x128xf32, #tpu.memory_space<hbm>>) dst(%dma_wait3A_315 : memref<40x128xf32, #tpu.memory_space<vmem>>)
      %dma_wait3A_320 = arith.constant 0 : i32
      %dma_wait3A_321 = arith.constant 0 : i32
      %dma_wait3A_322 = arith.constant 0 : i32
      %dma_wait3A_323 = arith.constant 0 : i32
      %dma_wait3A_324 = arith.constant 0 : i32
      %dma_wait3A_325 = tpu.memref_slice %arg10[%scan3A_218, %dma_wait3A_322, %dma_wait3A_323, %dma_wait3A_324] : memref<3x2x40x128xf32, #tpu.memory_space<vmem>> -> memref<1x2x40x128xf32, #tpu.memory_space<vmem>>
      %dma_wait3A_326 = tpu.memref_squeeze %dma_wait3A_325 : memref<1x2x40x128xf32, #tpu.memory_space<vmem>> -> memref<2x40x128xf32, #tpu.memory_space<vmem>>
      %dma_wait3A_327 = arith.constant 0 : i32
      %dma_wait3A_328 = arith.constant 0 : i32
      %dma_wait3A_329 = tpu.memref_slice %dma_wait3A_326[%dma_wait3A_320, %dma_wait3A_327, %dma_wait3A_328] : memref<2x40x128xf32, #tpu.memory_space<vmem>> -> memref<1x40x128xf32, #tpu.memory_space<vmem>>
      %dma_wait3A_330 = tpu.memref_squeeze %dma_wait3A_329 : memref<1x40x128xf32, #tpu.memory_space<vmem>> -> memref<40x128xf32, #tpu.memory_space<vmem>>
      %dma_wait3A_331 = arith.constant 0 : i32
      %dma_wait3A_332 = tpu.memref_slice %arg8[%rem3A_289, %rem3A_286, %dma_wait3A_331] : memref<2x10x40xi32, #tpu.memory_space<vmem>> -> memref<1x1x40xi32, #tpu.memory_space<vmem>>
      %dma_wait3A_333 = tpu.memref_squeeze %dma_wait3A_332 : memref<1x1x40xi32, #tpu.memory_space<vmem>> -> memref<40xi32, #tpu.memory_space<vmem>>
      %dma_wait3A_334 = arith.constant 0 : i32
      %dma_wait3A_335 = arith.constant 0 : i32
      %dma_wait3A_336 = tpu.memref_slice %arg2[%dma_wait3A_334, %dma_wait3A_335] : memref<10000x128xf32, #tpu.memory_space<hbm>> -> memref<10000x128xf32, #tpu.memory_space<hbm>>
      %dma_wait3A_337 = tpu.memref_slice %arg15[%dma_wait3A_321] : memref<2x!tpu.dma_semaphore, #tpu.memory_space<semaphore_mem>> -> memref<1x!tpu.dma_semaphore, #tpu.memory_space<semaphore_mem>>
      %dma_wait3A_338 = tpu.memref_squeeze %dma_wait3A_337 : memref<1x!tpu.dma_semaphore, #tpu.memory_space<semaphore_mem>> -> memref<!tpu.dma_semaphore, #tpu.memory_space<semaphore_mem>>
      tpu.wait_indirect_dma semaphore(%dma_wait3A_338 : memref<!tpu.dma_semaphore, #tpu.memory_space<semaphore_mem>>) src(%dma_wait3A_336 : memref<10000x128xf32, #tpu.memory_space<hbm>>) dst(%dma_wait3A_330 : memref<40x128xf32, #tpu.memory_space<vmem>>)
      %ge3A = arith.constant 2 : i32
      %ge3A_339 = arith.cmpi sge, %add3A_283, %ge3A : i32
      %convert_element_type3A_340 = arith.extui %ge3A_339 : i1 to i32
      %cond3A_341 = arith.constant 0 : i32
      %cond3A_342 = arith.cmpi ne, %convert_element_type3A_340, %cond3A_341 : i32
      scf.if %cond3A_342 {
        %dma_wait3A_484 = arith.constant 0 : i32
        %dma_wait3A_485 = arith.constant 0 : i32
        %dma_wait3A_486 = arith.constant 0 : i32
        %dma_wait3A_487 = arith.constant 0 : i32
        %dma_wait3A_488 = arith.constant 0 : i32
        %dma_wait3A_489 = tpu.memref_slice %arg10[%scan3A_219, %dma_wait3A_486, %dma_wait3A_487, %dma_wait3A_488] : memref<3x2x40x128xf32, #tpu.memory_space<vmem>> -> memref<1x2x40x128xf32, #tpu.memory_space<vmem>>
        %dma_wait3A_490 = tpu.memref_squeeze %dma_wait3A_489 : memref<1x2x40x128xf32, #tpu.memory_space<vmem>> -> memref<2x40x128xf32, #tpu.memory_space<vmem>>
        %dma_wait3A_491 = arith.constant 0 : i32
        %dma_wait3A_492 = arith.constant 0 : i32
        %dma_wait3A_493 = tpu.memref_slice %dma_wait3A_490[%dma_wait3A_484, %dma_wait3A_491, %dma_wait3A_492] : memref<2x40x128xf32, #tpu.memory_space<vmem>> -> memref<1x40x128xf32, #tpu.memory_space<vmem>>
        %dma_wait3A_494 = tpu.memref_squeeze %dma_wait3A_493 : memref<1x40x128xf32, #tpu.memory_space<vmem>> -> memref<40x128xf32, #tpu.memory_space<vmem>>
        %dma_wait3A_495 = arith.constant 0 : i32
        %dma_wait3A_496 = tpu.memref_slice %arg9[%rem3A_289, %rem3A_286, %dma_wait3A_495] : memref<2x10x40xi32, #tpu.memory_space<vmem>> -> memref<1x1x40xi32, #tpu.memory_space<vmem>>
        %dma_wait3A_497 = tpu.memref_squeeze %dma_wait3A_496 : memref<1x1x40xi32, #tpu.memory_space<vmem>> -> memref<40xi32, #tpu.memory_space<vmem>>
        %dma_wait3A_498 = arith.constant 0 : i32
        %dma_wait3A_499 = arith.constant 0 : i32
        %dma_wait3A_500 = tpu.memref_slice %arg11[%dma_wait3A_498, %dma_wait3A_499] : memref<10000x128xf32, #tpu.memory_space<vmem_shared>> -> memref<10000x128xf32, #tpu.memory_space<vmem_shared>>
        %dma_wait3A_501 = tpu.memref_slice %arg16[%dma_wait3A_485] : memref<2x!tpu.dma_semaphore, #tpu.memory_space<semaphore_mem>> -> memref<1x!tpu.dma_semaphore, #tpu.memory_space<semaphore_mem>>
        %dma_wait3A_502 = tpu.memref_squeeze %dma_wait3A_501 : memref<1x!tpu.dma_semaphore, #tpu.memory_space<semaphore_mem>> -> memref<!tpu.dma_semaphore, #tpu.memory_space<semaphore_mem>>
        tpu.wait_indirect_dma semaphore(%dma_wait3A_502 : memref<!tpu.dma_semaphore, #tpu.memory_space<semaphore_mem>>) src(%dma_wait3A_494 : memref<40x128xf32, #tpu.memory_space<vmem>>) dst(%dma_wait3A_500 : memref<10000x128xf32, #tpu.memory_space<vmem_shared>>)
      } else {
      }
      %parallel_loop3A = arith.constant 0 : i32
      %parallel_loop3A_343 = arith.constant 40 : i32
      %parallel_loop3A_344 = arith.constant 1 : i32
      scf.for %parallel_loop3A_484 = %parallel_loop3A to %parallel_loop3A_343 step %parallel_loop3A_344  : i32 {
        %parallel_loop3A_485 = arith.constant 0 : i32
        %parallel_loop3A_486 = arith.constant 0 : i32
        %parallel_loop3A_487 = arith.constant 0 : i32
        %parallel_loop3A_488 = arith.constant 0 : i32
        %parallel_loop3A_489 = tpu.memref_slice %arg10[%scan3A_218, %parallel_loop3A_486, %parallel_loop3A_487, %parallel_loop3A_488] : memref<3x2x40x128xf32, #tpu.memory_space<vmem>> -> memref<1x2x40x128xf32, #tpu.memory_space<vmem>>
        %parallel_loop3A_490 = tpu.memref_squeeze %parallel_loop3A_489 : memref<1x2x40x128xf32, #tpu.memory_space<vmem>> -> memref<2x40x128xf32, #tpu.memory_space<vmem>>
        %parallel_loop3A_491 = arith.index_cast %parallel_loop3A_485 : i32 to index
        %parallel_loop3A_492 = arith.index_cast %parallel_loop3A_484 : i32 to index
        %parallel_loop3A_493 = arith.constant 0 : index
        %parallel_loop3A_494 = tpu.vector_load %parallel_loop3A_490[%parallel_loop3A_491, %parallel_loop3A_492, %parallel_loop3A_493] {strides = array<i32>} : memref<2x40x128xf32, #tpu.memory_space<vmem>>, vector<1x1x16xf32>,
        %parallel_loop3A_495 = vector.shape_cast %parallel_loop3A_494 : vector<1x1x16xf32> to vector<16xf32>
        %parallel_loop3A_496 = arith.constant 0 : i32
        %parallel_loop3A_497 = arith.constant 0 : i32
        %parallel_loop3A_498 = arith.constant 0 : i32
        %parallel_loop3A_499 = arith.constant 0 : i32
        %parallel_loop3A_500 = tpu.memref_slice %arg10[%scan3A, %parallel_loop3A_497, %parallel_loop3A_498, %parallel_loop3A_499] : memref<3x2x40x128xf32, #tpu.memory_space<vmem>> -> memref<1x2x40x128xf32, #tpu.memory_space<vmem>>
        %parallel_loop3A_501 = tpu.memref_squeeze %parallel_loop3A_500 : memref<1x2x40x128xf32, #tpu.memory_space<vmem>> -> memref<2x40x128xf32, #tpu.memory_space<vmem>>
        %parallel_loop3A_502 = arith.index_cast %parallel_loop3A_496 : i32 to index
        %parallel_loop3A_503 = arith.index_cast %parallel_loop3A_484 : i32 to index
        %parallel_loop3A_504 = arith.constant 0 : index
        %parallel_loop3A_505 = tpu.vector_load %parallel_loop3A_501[%parallel_loop3A_502, %parallel_loop3A_503, %parallel_loop3A_504] {strides = array<i32>} : memref<2x40x128xf32, #tpu.memory_space<vmem>>, vector<1x1x16xf32>,
        %parallel_loop3A_506 = vector.shape_cast %parallel_loop3A_505 : vector<1x1x16xf32> to vector<16xf32>
        %parallel_loop3A_507 = arith.addf %parallel_loop3A_495, %parallel_loop3A_506 : vector<16xf32>
        %parallel_loop3A_508 = arith.constant 0.000000e+00 : f32
        %parallel_loop3A_509 = vector.broadcast %parallel_loop3A_508 : f32 to vector<16xf32>
        %parallel_loop3A_510 = arith.maximumf %parallel_loop3A_507, %parallel_loop3A_509 : vector<16xf32>
        %parallel_loop3A_511 = arith.constant 0 : i32
        %parallel_loop3A_512 = arith.constant 0 : i32
        %parallel_loop3A_513 = arith.constant 0 : i32
        %parallel_loop3A_514 = arith.constant 0 : i32
        %parallel_loop3A_515 = tpu.memref_slice %arg10[%scan3A_219, %parallel_loop3A_512, %parallel_loop3A_513, %parallel_loop3A_514] : memref<3x2x40x128xf32, #tpu.memory_space<vmem>> -> memref<1x2x40x128xf32, #tpu.memory_space<vmem>>
        %parallel_loop3A_516 = tpu.memref_squeeze %parallel_loop3A_515 : memref<1x2x40x128xf32, #tpu.memory_space<vmem>> -> memref<2x40x128xf32, #tpu.memory_space<vmem>>
        %parallel_loop3A_517 = arith.index_cast %parallel_loop3A_511 : i32 to index
        %parallel_loop3A_518 = arith.index_cast %parallel_loop3A_484 : i32 to index
        %parallel_loop3A_519 = arith.constant 0 : index
        %parallel_loop3A_520 = tpu.vector_load %parallel_loop3A_516[%parallel_loop3A_517, %parallel_loop3A_518, %parallel_loop3A_519] {strides = array<i32>} : memref<2x40x128xf32, #tpu.memory_space<vmem>>, vector<1x1x16xf32>,
        %parallel_loop3A_521 = vector.shape_cast %parallel_loop3A_520 : vector<1x1x16xf32> to vector<16xf32>
        %parallel_loop3A_522 = vector.shape_cast %parallel_loop3A_510 : vector<16xf32> to vector<1x1x16xf32>
        tpu.vector_store %parallel_loop3A_516[%parallel_loop3A_517, %parallel_loop3A_518, %parallel_loop3A_519], %parallel_loop3A_522 {strides = array<i32>} : memref<2x40x128xf32, #tpu.memory_space<vmem>>, vector<1x1x16xf32>,
        %parallel_loop3A_523 = arith.constant 0 : i32
        %parallel_loop3A_524 = arith.constant 0 : i32
        %parallel_loop3A_525 = arith.constant 0 : i32
        %parallel_loop3A_526 = arith.constant 0 : i32
        %parallel_loop3A_527 = tpu.memref_slice %arg10[%scan3A_218, %parallel_loop3A_524, %parallel_loop3A_525, %parallel_loop3A_526] : memref<3x2x40x128xf32, #tpu.memory_space<vmem>> -> memref<1x2x40x128xf32, #tpu.memory_space<vmem>>
        %parallel_loop3A_528 = tpu.memref_squeeze %parallel_loop3A_527 : memref<1x2x40x128xf32, #tpu.memory_space<vmem>> -> memref<2x40x128xf32, #tpu.memory_space<vmem>>
        %parallel_loop3A_529 = arith.index_cast %parallel_loop3A_523 : i32 to index
        %parallel_loop3A_530 = arith.index_cast %parallel_loop3A_484 : i32 to index
        %parallel_loop3A_531 = arith.constant 16 : index
        %parallel_loop3A_532 = tpu.vector_load %parallel_loop3A_528[%parallel_loop3A_529, %parallel_loop3A_530, %parallel_loop3A_531] {strides = array<i32>} : memref<2x40x128xf32, #tpu.memory_space<vmem>>, vector<1x1x16xf32>,
        %parallel_loop3A_533 = vector.shape_cast %parallel_loop3A_532 : vector<1x1x16xf32> to vector<16xf32>
        %parallel_loop3A_534 = arith.constant 0 : i32
        %parallel_loop3A_535 = arith.constant 0 : i32
        %parallel_loop3A_536 = arith.constant 0 : i32
        %parallel_loop3A_537 = arith.constant 0 : i32
        %parallel_loop3A_538 = tpu.memref_slice %arg10[%scan3A, %parallel_loop3A_535, %parallel_loop3A_536, %parallel_loop3A_537] : memref<3x2x40x128xf32, #tpu.memory_space<vmem>> -> memref<1x2x40x128xf32, #tpu.memory_space<vmem>>
        %parallel_loop3A_539 = tpu.memref_squeeze %parallel_loop3A_538 : memref<1x2x40x128xf32, #tpu.memory_space<vmem>> -> memref<2x40x128xf32, #tpu.memory_space<vmem>>
        %parallel_loop3A_540 = arith.index_cast %parallel_loop3A_534 : i32 to index
        %parallel_loop3A_541 = arith.index_cast %parallel_loop3A_484 : i32 to index
        %parallel_loop3A_542 = arith.constant 16 : index
        %parallel_loop3A_543 = tpu.vector_load %parallel_loop3A_539[%parallel_loop3A_540, %parallel_loop3A_541, %parallel_loop3A_542] {strides = array<i32>} : memref<2x40x128xf32, #tpu.memory_space<vmem>>, vector<1x1x16xf32>,
        %parallel_loop3A_544 = vector.shape_cast %parallel_loop3A_543 : vector<1x1x16xf32> to vector<16xf32>
        %parallel_loop3A_545 = arith.addf %parallel_loop3A_533, %parallel_loop3A_544 : vector<16xf32>
        %parallel_loop3A_546 = arith.constant 0.000000e+00 : f32
        %parallel_loop3A_547 = vector.broadcast %parallel_loop3A_546 : f32 to vector<16xf32>
        %parallel_loop3A_548 = arith.maximumf %parallel_loop3A_545, %parallel_loop3A_547 : vector<16xf32>
        %parallel_loop3A_549 = arith.constant 0 : i32
        %parallel_loop3A_550 = arith.constant 0 : i32
        %parallel_loop3A_551 = arith.constant 0 : i32
        %parallel_loop3A_552 = arith.constant 0 : i32
        %parallel_loop3A_553 = tpu.memref_slice %arg10[%scan3A_219, %parallel_loop3A_550, %parallel_loop3A_551, %parallel_loop3A_552] : memref<3x2x40x128xf32, #tpu.memory_space<vmem>> -> memref<1x2x40x128xf32, #tpu.memory_space<vmem>>
        %parallel_loop3A_554 = tpu.memref_squeeze %parallel_loop3A_553 : memref<1x2x40x128xf32, #tpu.memory_space<vmem>> -> memref<2x40x128xf32, #tpu.memory_space<vmem>>
        %parallel_loop3A_555 = arith.index_cast %parallel_loop3A_549 : i32 to index
        %parallel_loop3A_556 = arith.index_cast %parallel_loop3A_484 : i32 to index
        %parallel_loop3A_557 = arith.constant 16 : index
        %parallel_loop3A_558 = tpu.vector_load %parallel_loop3A_554[%parallel_loop3A_555, %parallel_loop3A_556, %parallel_loop3A_557] {strides = array<i32>} : memref<2x40x128xf32, #tpu.memory_space<vmem>>, vector<1x1x16xf32>,
        %parallel_loop3A_559 = vector.shape_cast %parallel_loop3A_558 : vector<1x1x16xf32> to vector<16xf32>
        %parallel_loop3A_560 = vector.shape_cast %parallel_loop3A_548 : vector<16xf32> to vector<1x1x16xf32>
        tpu.vector_store %parallel_loop3A_554[%parallel_loop3A_555, %parallel_loop3A_556, %parallel_loop3A_557], %parallel_loop3A_560 {strides = array<i32>} : memref<2x40x128xf32, #tpu.memory_space<vmem>>, vector<1x1x16xf32>,
        %parallel_loop3A_561 = arith.constant 0 : i32
        %parallel_loop3A_562 = arith.constant 0 : i32
        %parallel_loop3A_563 = arith.constant 0 : i32
        %parallel_loop3A_564 = arith.constant 0 : i32
        %parallel_loop3A_565 = tpu.memref_slice %arg10[%scan3A_218, %parallel_loop3A_562, %parallel_loop3A_563, %parallel_loop3A_564] : memref<3x2x40x128xf32, #tpu.memory_space<vmem>> -> memref<1x2x40x128xf32, #tpu.memory_space<vmem>>
        %parallel_loop3A_566 = tpu.memref_squeeze %parallel_loop3A_565 : memref<1x2x40x128xf32, #tpu.memory_space<vmem>> -> memref<2x40x128xf32, #tpu.memory_space<vmem>>
        %parallel_loop3A_567 = arith.index_cast %parallel_loop3A_561 : i32 to index
        %parallel_loop3A_568 = arith.index_cast %parallel_loop3A_484 : i32 to index
        %parallel_loop3A_569 = arith.constant 32 : index
        %parallel_loop3A_570 = tpu.vector_load %parallel_loop3A_566[%parallel_loop3A_567, %parallel_loop3A_568, %parallel_loop3A_569] {strides = array<i32>} : memref<2x40x128xf32, #tpu.memory_space<vmem>>, vector<1x1x16xf32>,
        %parallel_loop3A_571 = vector.shape_cast %parallel_loop3A_570 : vector<1x1x16xf32> to vector<16xf32>
        %parallel_loop3A_572 = arith.constant 0 : i32
        %parallel_loop3A_573 = arith.constant 0 : i32
        %parallel_loop3A_574 = arith.constant 0 : i32
        %parallel_loop3A_575 = arith.constant 0 : i32
        %parallel_loop3A_576 = tpu.memref_slice %arg10[%scan3A, %parallel_loop3A_573, %parallel_loop3A_574, %parallel_loop3A_575] : memref<3x2x40x128xf32, #tpu.memory_space<vmem>> -> memref<1x2x40x128xf32, #tpu.memory_space<vmem>>
        %parallel_loop3A_577 = tpu.memref_squeeze %parallel_loop3A_576 : memref<1x2x40x128xf32, #tpu.memory_space<vmem>> -> memref<2x40x128xf32, #tpu.memory_space<vmem>>
        %parallel_loop3A_578 = arith.index_cast %parallel_loop3A_572 : i32 to index
        %parallel_loop3A_579 = arith.index_cast %parallel_loop3A_484 : i32 to index
        %parallel_loop3A_580 = arith.constant 32 : index
        %parallel_loop3A_581 = tpu.vector_load %parallel_loop3A_577[%parallel_loop3A_578, %parallel_loop3A_579, %parallel_loop3A_580] {strides = array<i32>} : memref<2x40x128xf32, #tpu.memory_space<vmem>>, vector<1x1x16xf32>,
        %parallel_loop3A_582 = vector.shape_cast %parallel_loop3A_581 : vector<1x1x16xf32> to vector<16xf32>
        %parallel_loop3A_583 = arith.addf %parallel_loop3A_571, %parallel_loop3A_582 : vector<16xf32>
        %parallel_loop3A_584 = arith.constant 0.000000e+00 : f32
        %parallel_loop3A_585 = vector.broadcast %parallel_loop3A_584 : f32 to vector<16xf32>
        %parallel_loop3A_586 = arith.maximumf %parallel_loop3A_583, %parallel_loop3A_585 : vector<16xf32>
        %parallel_loop3A_587 = arith.constant 0 : i32
        %parallel_loop3A_588 = arith.constant 0 : i32
        %parallel_loop3A_589 = arith.constant 0 : i32
        %parallel_loop3A_590 = arith.constant 0 : i32
        %parallel_loop3A_591 = tpu.memref_slice %arg10[%scan3A_219, %parallel_loop3A_588, %parallel_loop3A_589, %parallel_loop3A_590] : memref<3x2x40x128xf32, #tpu.memory_space<vmem>> -> memref<1x2x40x128xf32, #tpu.memory_space<vmem>>
        %parallel_loop3A_592 = tpu.memref_squeeze %parallel_loop3A_591 : memref<1x2x40x128xf32, #tpu.memory_space<vmem>> -> memref<2x40x128xf32, #tpu.memory_space<vmem>>
        %parallel_loop3A_593 = arith.index_cast %parallel_loop3A_587 : i32 to index
        %parallel_loop3A_594 = arith.index_cast %parallel_loop3A_484 : i32 to index
        %parallel_loop3A_595 = arith.constant 32 : index
        %parallel_loop3A_596 = tpu.vector_load %parallel_loop3A_592[%parallel_loop3A_593, %parallel_loop3A_594, %parallel_loop3A_595] {strides = array<i32>} : memref<2x40x128xf32, #tpu.memory_space<vmem>>, vector<1x1x16xf32>,
        %parallel_loop3A_597 = vector.shape_cast %parallel_loop3A_596 : vector<1x1x16xf32> to vector<16xf32>
        %parallel_loop3A_598 = vector.shape_cast %parallel_loop3A_586 : vector<16xf32> to vector<1x1x16xf32>
        tpu.vector_store %parallel_loop3A_592[%parallel_loop3A_593, %parallel_loop3A_594, %parallel_loop3A_595], %parallel_loop3A_598 {strides = array<i32>} : memref<2x40x128xf32, #tpu.memory_space<vmem>>, vector<1x1x16xf32>,
        %parallel_loop3A_599 = arith.constant 0 : i32
        %parallel_loop3A_600 = arith.constant 0 : i32
        %parallel_loop3A_601 = arith.constant 0 : i32
        %parallel_loop3A_602 = arith.constant 0 : i32
        %parallel_loop3A_603 = tpu.memref_slice %arg10[%scan3A_218, %parallel_loop3A_600, %parallel_loop3A_601, %parallel_loop3A_602] : memref<3x2x40x128xf32, #tpu.memory_space<vmem>> -> memref<1x2x40x128xf32, #tpu.memory_space<vmem>>
        %parallel_loop3A_604 = tpu.memref_squeeze %parallel_loop3A_603 : memref<1x2x40x128xf32, #tpu.memory_space<vmem>> -> memref<2x40x128xf32, #tpu.memory_space<vmem>>
        %parallel_loop3A_605 = arith.index_cast %parallel_loop3A_599 : i32 to index
        %parallel_loop3A_606 = arith.index_cast %parallel_loop3A_484 : i32 to index
        %parallel_loop3A_607 = arith.constant 48 : index
        %parallel_loop3A_608 = tpu.vector_load %parallel_loop3A_604[%parallel_loop3A_605, %parallel_loop3A_606, %parallel_loop3A_607] {strides = array<i32>} : memref<2x40x128xf32, #tpu.memory_space<vmem>>, vector<1x1x16xf32>,
        %parallel_loop3A_609 = vector.shape_cast %parallel_loop3A_608 : vector<1x1x16xf32> to vector<16xf32>
        %parallel_loop3A_610 = arith.constant 0 : i32
        %parallel_loop3A_611 = arith.constant 0 : i32
        %parallel_loop3A_612 = arith.constant 0 : i32
        %parallel_loop3A_613 = arith.constant 0 : i32
        %parallel_loop3A_614 = tpu.memref_slice %arg10[%scan3A, %parallel_loop3A_611, %parallel_loop3A_612, %parallel_loop3A_613] : memref<3x2x40x128xf32, #tpu.memory_space<vmem>> -> memref<1x2x40x128xf32, #tpu.memory_space<vmem>>
        %parallel_loop3A_615 = tpu.memref_squeeze %parallel_loop3A_614 : memref<1x2x40x128xf32, #tpu.memory_space<vmem>> -> memref<2x40x128xf32, #tpu.memory_space<vmem>>
        %parallel_loop3A_616 = arith.index_cast %parallel_loop3A_610 : i32 to index
        %parallel_loop3A_617 = arith.index_cast %parallel_loop3A_484 : i32 to index
        %parallel_loop3A_618 = arith.constant 48 : index
        %parallel_loop3A_619 = tpu.vector_load %parallel_loop3A_615[%parallel_loop3A_616, %parallel_loop3A_617, %parallel_loop3A_618] {strides = array<i32>} : memref<2x40x128xf32, #tpu.memory_space<vmem>>, vector<1x1x16xf32>,
        %parallel_loop3A_620 = vector.shape_cast %parallel_loop3A_619 : vector<1x1x16xf32> to vector<16xf32>
        %parallel_loop3A_621 = arith.addf %parallel_loop3A_609, %parallel_loop3A_620 : vector<16xf32>
        %parallel_loop3A_622 = arith.constant 0.000000e+00 : f32
        %parallel_loop3A_623 = vector.broadcast %parallel_loop3A_622 : f32 to vector<16xf32>
        %parallel_loop3A_624 = arith.maximumf %parallel_loop3A_621, %parallel_loop3A_623 : vector<16xf32>
        %parallel_loop3A_625 = arith.constant 0 : i32
        %parallel_loop3A_626 = arith.constant 0 : i32
        %parallel_loop3A_627 = arith.constant 0 : i32
        %parallel_loop3A_628 = arith.constant 0 : i32
        %parallel_loop3A_629 = tpu.memref_slice %arg10[%scan3A_219, %parallel_loop3A_626, %parallel_loop3A_627, %parallel_loop3A_628] : memref<3x2x40x128xf32, #tpu.memory_space<vmem>> -> memref<1x2x40x128xf32, #tpu.memory_space<vmem>>
        %parallel_loop3A_630 = tpu.memref_squeeze %parallel_loop3A_629 : memref<1x2x40x128xf32, #tpu.memory_space<vmem>> -> memref<2x40x128xf32, #tpu.memory_space<vmem>>
        %parallel_loop3A_631 = arith.index_cast %parallel_loop3A_625 : i32 to index
        %parallel_loop3A_632 = arith.index_cast %parallel_loop3A_484 : i32 to index
        %parallel_loop3A_633 = arith.constant 48 : index
        %parallel_loop3A_634 = tpu.vector_load %parallel_loop3A_630[%parallel_loop3A_631, %parallel_loop3A_632, %parallel_loop3A_633] {strides = array<i32>} : memref<2x40x128xf32, #tpu.memory_space<vmem>>, vector<1x1x16xf32>,
        %parallel_loop3A_635 = vector.shape_cast %parallel_loop3A_634 : vector<1x1x16xf32> to vector<16xf32>
        %parallel_loop3A_636 = vector.shape_cast %parallel_loop3A_624 : vector<16xf32> to vector<1x1x16xf32>
        tpu.vector_store %parallel_loop3A_630[%parallel_loop3A_631, %parallel_loop3A_632, %parallel_loop3A_633], %parallel_loop3A_636 {strides = array<i32>} : memref<2x40x128xf32, #tpu.memory_space<vmem>>, vector<1x1x16xf32>,
        %parallel_loop3A_637 = arith.constant 0 : i32
        %parallel_loop3A_638 = arith.constant 0 : i32
        %parallel_loop3A_639 = arith.constant 0 : i32
        %parallel_loop3A_640 = arith.constant 0 : i32
        %parallel_loop3A_641 = tpu.memref_slice %arg10[%scan3A_218, %parallel_loop3A_638, %parallel_loop3A_639, %parallel_loop3A_640] : memref<3x2x40x128xf32, #tpu.memory_space<vmem>> -> memref<1x2x40x128xf32, #tpu.memory_space<vmem>>
        %parallel_loop3A_642 = tpu.memref_squeeze %parallel_loop3A_641 : memref<1x2x40x128xf32, #tpu.memory_space<vmem>> -> memref<2x40x128xf32, #tpu.memory_space<vmem>>
        %parallel_loop3A_643 = arith.index_cast %parallel_loop3A_637 : i32 to index
        %parallel_loop3A_644 = arith.index_cast %parallel_loop3A_484 : i32 to index
        %parallel_loop3A_645 = arith.constant 64 : index
        %parallel_loop3A_646 = tpu.vector_load %parallel_loop3A_642[%parallel_loop3A_643, %parallel_loop3A_644, %parallel_loop3A_645] {strides = array<i32>} : memref<2x40x128xf32, #tpu.memory_space<vmem>>, vector<1x1x16xf32>,
        %parallel_loop3A_647 = vector.shape_cast %parallel_loop3A_646 : vector<1x1x16xf32> to vector<16xf32>
        %parallel_loop3A_648 = arith.constant 0 : i32
        %parallel_loop3A_649 = arith.constant 0 : i32
        %parallel_loop3A_650 = arith.constant 0 : i32
        %parallel_loop3A_651 = arith.constant 0 : i32
        %parallel_loop3A_652 = tpu.memref_slice %arg10[%scan3A, %parallel_loop3A_649, %parallel_loop3A_650, %parallel_loop3A_651] : memref<3x2x40x128xf32, #tpu.memory_space<vmem>> -> memref<1x2x40x128xf32, #tpu.memory_space<vmem>>
        %parallel_loop3A_653 = tpu.memref_squeeze %parallel_loop3A_652 : memref<1x2x40x128xf32, #tpu.memory_space<vmem>> -> memref<2x40x128xf32, #tpu.memory_space<vmem>>
        %parallel_loop3A_654 = arith.index_cast %parallel_loop3A_648 : i32 to index
        %parallel_loop3A_655 = arith.index_cast %parallel_loop3A_484 : i32 to index
        %parallel_loop3A_656 = arith.constant 64 : index
        %parallel_loop3A_657 = tpu.vector_load %parallel_loop3A_653[%parallel_loop3A_654, %parallel_loop3A_655, %parallel_loop3A_656] {strides = array<i32>} : memref<2x40x128xf32, #tpu.memory_space<vmem>>, vector<1x1x16xf32>,
        %parallel_loop3A_658 = vector.shape_cast %parallel_loop3A_657 : vector<1x1x16xf32> to vector<16xf32>
        %parallel_loop3A_659 = arith.addf %parallel_loop3A_647, %parallel_loop3A_658 : vector<16xf32>
        %parallel_loop3A_660 = arith.constant 0.000000e+00 : f32
        %parallel_loop3A_661 = vector.broadcast %parallel_loop3A_660 : f32 to vector<16xf32>
        %parallel_loop3A_662 = arith.maximumf %parallel_loop3A_659, %parallel_loop3A_661 : vector<16xf32>
        %parallel_loop3A_663 = arith.constant 0 : i32
        %parallel_loop3A_664 = arith.constant 0 : i32
        %parallel_loop3A_665 = arith.constant 0 : i32
        %parallel_loop3A_666 = arith.constant 0 : i32
        %parallel_loop3A_667 = tpu.memref_slice %arg10[%scan3A_219, %parallel_loop3A_664, %parallel_loop3A_665, %parallel_loop3A_666] : memref<3x2x40x128xf32, #tpu.memory_space<vmem>> -> memref<1x2x40x128xf32, #tpu.memory_space<vmem>>
        %parallel_loop3A_668 = tpu.memref_squeeze %parallel_loop3A_667 : memref<1x2x40x128xf32, #tpu.memory_space<vmem>> -> memref<2x40x128xf32, #tpu.memory_space<vmem>>
        %parallel_loop3A_669 = arith.index_cast %parallel_loop3A_663 : i32 to index
        %parallel_loop3A_670 = arith.index_cast %parallel_loop3A_484 : i32 to index
        %parallel_loop3A_671 = arith.constant 64 : index
        %parallel_loop3A_672 = tpu.vector_load %parallel_loop3A_668[%parallel_loop3A_669, %parallel_loop3A_670, %parallel_loop3A_671] {strides = array<i32>} : memref<2x40x128xf32, #tpu.memory_space<vmem>>, vector<1x1x16xf32>,
        %parallel_loop3A_673 = vector.shape_cast %parallel_loop3A_672 : vector<1x1x16xf32> to vector<16xf32>
        %parallel_loop3A_674 = vector.shape_cast %parallel_loop3A_662 : vector<16xf32> to vector<1x1x16xf32>
        tpu.vector_store %parallel_loop3A_668[%parallel_loop3A_669, %parallel_loop3A_670, %parallel_loop3A_671], %parallel_loop3A_674 {strides = array<i32>} : memref<2x40x128xf32, #tpu.memory_space<vmem>>, vector<1x1x16xf32>,
        %parallel_loop3A_675 = arith.constant 0 : i32
        %parallel_loop3A_676 = arith.constant 0 : i32
        %parallel_loop3A_677 = arith.constant 0 : i32
        %parallel_loop3A_678 = arith.constant 0 : i32
        %parallel_loop3A_679 = tpu.memref_slice %arg10[%scan3A_218, %parallel_loop3A_676, %parallel_loop3A_677, %parallel_loop3A_678] : memref<3x2x40x128xf32, #tpu.memory_space<vmem>> -> memref<1x2x40x128xf32, #tpu.memory_space<vmem>>
        %parallel_loop3A_680 = tpu.memref_squeeze %parallel_loop3A_679 : memref<1x2x40x128xf32, #tpu.memory_space<vmem>> -> memref<2x40x128xf32, #tpu.memory_space<vmem>>
        %parallel_loop3A_681 = arith.index_cast %parallel_loop3A_675 : i32 to index
        %parallel_loop3A_682 = arith.index_cast %parallel_loop3A_484 : i32 to index
        %parallel_loop3A_683 = arith.constant 80 : index
        %parallel_loop3A_684 = tpu.vector_load %parallel_loop3A_680[%parallel_loop3A_681, %parallel_loop3A_682, %parallel_loop3A_683] {strides = array<i32>} : memref<2x40x128xf32, #tpu.memory_space<vmem>>, vector<1x1x16xf32>,
        %parallel_loop3A_685 = vector.shape_cast %parallel_loop3A_684 : vector<1x1x16xf32> to vector<16xf32>
        %parallel_loop3A_686 = arith.constant 0 : i32
        %parallel_loop3A_687 = arith.constant 0 : i32
        %parallel_loop3A_688 = arith.constant 0 : i32
        %parallel_loop3A_689 = arith.constant 0 : i32
        %parallel_loop3A_690 = tpu.memref_slice %arg10[%scan3A, %parallel_loop3A_687, %parallel_loop3A_688, %parallel_loop3A_689] : memref<3x2x40x128xf32, #tpu.memory_space<vmem>> -> memref<1x2x40x128xf32, #tpu.memory_space<vmem>>
        %parallel_loop3A_691 = tpu.memref_squeeze %parallel_loop3A_690 : memref<1x2x40x128xf32, #tpu.memory_space<vmem>> -> memref<2x40x128xf32, #tpu.memory_space<vmem>>
        %parallel_loop3A_692 = arith.index_cast %parallel_loop3A_686 : i32 to index
        %parallel_loop3A_693 = arith.index_cast %parallel_loop3A_484 : i32 to index
        %parallel_loop3A_694 = arith.constant 80 : index
        %parallel_loop3A_695 = tpu.vector_load %parallel_loop3A_691[%parallel_loop3A_692, %parallel_loop3A_693, %parallel_loop3A_694] {strides = array<i32>} : memref<2x40x128xf32, #tpu.memory_space<vmem>>, vector<1x1x16xf32>,
        %parallel_loop3A_696 = vector.shape_cast %parallel_loop3A_695 : vector<1x1x16xf32> to vector<16xf32>
        %parallel_loop3A_697 = arith.addf %parallel_loop3A_685, %parallel_loop3A_696 : vector<16xf32>
        %parallel_loop3A_698 = arith.constant 0.000000e+00 : f32
        %parallel_loop3A_699 = vector.broadcast %parallel_loop3A_698 : f32 to vector<16xf32>
        %parallel_loop3A_700 = arith.maximumf %parallel_loop3A_697, %parallel_loop3A_699 : vector<16xf32>
        %parallel_loop3A_701 = arith.constant 0 : i32
        %parallel_loop3A_702 = arith.constant 0 : i32
        %parallel_loop3A_703 = arith.constant 0 : i32
        %parallel_loop3A_704 = arith.constant 0 : i32
        %parallel_loop3A_705 = tpu.memref_slice %arg10[%scan3A_219, %parallel_loop3A_702, %parallel_loop3A_703, %parallel_loop3A_704] : memref<3x2x40x128xf32, #tpu.memory_space<vmem>> -> memref<1x2x40x128xf32, #tpu.memory_space<vmem>>
        %parallel_loop3A_706 = tpu.memref_squeeze %parallel_loop3A_705 : memref<1x2x40x128xf32, #tpu.memory_space<vmem>> -> memref<2x40x128xf32, #tpu.memory_space<vmem>>
        %parallel_loop3A_707 = arith.index_cast %parallel_loop3A_701 : i32 to index
        %parallel_loop3A_708 = arith.index_cast %parallel_loop3A_484 : i32 to index
        %parallel_loop3A_709 = arith.constant 80 : index
        %parallel_loop3A_710 = tpu.vector_load %parallel_loop3A_706[%parallel_loop3A_707, %parallel_loop3A_708, %parallel_loop3A_709] {strides = array<i32>} : memref<2x40x128xf32, #tpu.memory_space<vmem>>, vector<1x1x16xf32>,
        %parallel_loop3A_711 = vector.shape_cast %parallel_loop3A_710 : vector<1x1x16xf32> to vector<16xf32>
        %parallel_loop3A_712 = vector.shape_cast %parallel_loop3A_700 : vector<16xf32> to vector<1x1x16xf32>
        tpu.vector_store %parallel_loop3A_706[%parallel_loop3A_707, %parallel_loop3A_708, %parallel_loop3A_709], %parallel_loop3A_712 {strides = array<i32>} : memref<2x40x128xf32, #tpu.memory_space<vmem>>, vector<1x1x16xf32>,
        %parallel_loop3A_713 = arith.constant 0 : i32
        %parallel_loop3A_714 = arith.constant 0 : i32
        %parallel_loop3A_715 = arith.constant 0 : i32
        %parallel_loop3A_716 = arith.constant 0 : i32
        %parallel_loop3A_717 = tpu.memref_slice %arg10[%scan3A_218, %parallel_loop3A_714, %parallel_loop3A_715, %parallel_loop3A_716] : memref<3x2x40x128xf32, #tpu.memory_space<vmem>> -> memref<1x2x40x128xf32, #tpu.memory_space<vmem>>
        %parallel_loop3A_718 = tpu.memref_squeeze %parallel_loop3A_717 : memref<1x2x40x128xf32, #tpu.memory_space<vmem>> -> memref<2x40x128xf32, #tpu.memory_space<vmem>>
        %parallel_loop3A_719 = arith.index_cast %parallel_loop3A_713 : i32 to index
        %parallel_loop3A_720 = arith.index_cast %parallel_loop3A_484 : i32 to index
        %parallel_loop3A_721 = arith.constant 96 : index
        %parallel_loop3A_722 = tpu.vector_load %parallel_loop3A_718[%parallel_loop3A_719, %parallel_loop3A_720, %parallel_loop3A_721] {strides = array<i32>} : memref<2x40x128xf32, #tpu.memory_space<vmem>>, vector<1x1x16xf32>,
        %parallel_loop3A_723 = vector.shape_cast %parallel_loop3A_722 : vector<1x1x16xf32> to vector<16xf32>
        %parallel_loop3A_724 = arith.constant 0 : i32
        %parallel_loop3A_725 = arith.constant 0 : i32
        %parallel_loop3A_726 = arith.constant 0 : i32
        %parallel_loop3A_727 = arith.constant 0 : i32
        %parallel_loop3A_728 = tpu.memref_slice %arg10[%scan3A, %parallel_loop3A_725, %parallel_loop3A_726, %parallel_loop3A_727] : memref<3x2x40x128xf32, #tpu.memory_space<vmem>> -> memref<1x2x40x128xf32, #tpu.memory_space<vmem>>
        %parallel_loop3A_729 = tpu.memref_squeeze %parallel_loop3A_728 : memref<1x2x40x128xf32, #tpu.memory_space<vmem>> -> memref<2x40x128xf32, #tpu.memory_space<vmem>>
        %parallel_loop3A_730 = arith.index_cast %parallel_loop3A_724 : i32 to index
        %parallel_loop3A_731 = arith.index_cast %parallel_loop3A_484 : i32 to index
        %parallel_loop3A_732 = arith.constant 96 : index
        %parallel_loop3A_733 = tpu.vector_load %parallel_loop3A_729[%parallel_loop3A_730, %parallel_loop3A_731, %parallel_loop3A_732] {strides = array<i32>} : memref<2x40x128xf32, #tpu.memory_space<vmem>>, vector<1x1x16xf32>,
        %parallel_loop3A_734 = vector.shape_cast %parallel_loop3A_733 : vector<1x1x16xf32> to vector<16xf32>
        %parallel_loop3A_735 = arith.addf %parallel_loop3A_723, %parallel_loop3A_734 : vector<16xf32>
        %parallel_loop3A_736 = arith.constant 0.000000e+00 : f32
        %parallel_loop3A_737 = vector.broadcast %parallel_loop3A_736 : f32 to vector<16xf32>
        %parallel_loop3A_738 = arith.maximumf %parallel_loop3A_735, %parallel_loop3A_737 : vector<16xf32>
        %parallel_loop3A_739 = arith.constant 0 : i32
        %parallel_loop3A_740 = arith.constant 0 : i32
        %parallel_loop3A_741 = arith.constant 0 : i32
        %parallel_loop3A_742 = arith.constant 0 : i32
        %parallel_loop3A_743 = tpu.memref_slice %arg10[%scan3A_219, %parallel_loop3A_740, %parallel_loop3A_741, %parallel_loop3A_742] : memref<3x2x40x128xf32, #tpu.memory_space<vmem>> -> memref<1x2x40x128xf32, #tpu.memory_space<vmem>>
        %parallel_loop3A_744 = tpu.memref_squeeze %parallel_loop3A_743 : memref<1x2x40x128xf32, #tpu.memory_space<vmem>> -> memref<2x40x128xf32, #tpu.memory_space<vmem>>
        %parallel_loop3A_745 = arith.index_cast %parallel_loop3A_739 : i32 to index
        %parallel_loop3A_746 = arith.index_cast %parallel_loop3A_484 : i32 to index
        %parallel_loop3A_747 = arith.constant 96 : index
        %parallel_loop3A_748 = tpu.vector_load %parallel_loop3A_744[%parallel_loop3A_745, %parallel_loop3A_746, %parallel_loop3A_747] {strides = array<i32>} : memref<2x40x128xf32, #tpu.memory_space<vmem>>, vector<1x1x16xf32>,
        %parallel_loop3A_749 = vector.shape_cast %parallel_loop3A_748 : vector<1x1x16xf32> to vector<16xf32>
        %parallel_loop3A_750 = vector.shape_cast %parallel_loop3A_738 : vector<16xf32> to vector<1x1x16xf32>
        tpu.vector_store %parallel_loop3A_744[%parallel_loop3A_745, %parallel_loop3A_746, %parallel_loop3A_747], %parallel_loop3A_750 {strides = array<i32>} : memref<2x40x128xf32, #tpu.memory_space<vmem>>, vector<1x1x16xf32>,
        %parallel_loop3A_751 = arith.constant 0 : i32
        %parallel_loop3A_752 = arith.constant 0 : i32
        %parallel_loop3A_753 = arith.constant 0 : i32
        %parallel_loop3A_754 = arith.constant 0 : i32
        %parallel_loop3A_755 = tpu.memref_slice %arg10[%scan3A_218, %parallel_loop3A_752, %parallel_loop3A_753, %parallel_loop3A_754] : memref<3x2x40x128xf32, #tpu.memory_space<vmem>> -> memref<1x2x40x128xf32, #tpu.memory_space<vmem>>
        %parallel_loop3A_756 = tpu.memref_squeeze %parallel_loop3A_755 : memref<1x2x40x128xf32, #tpu.memory_space<vmem>> -> memref<2x40x128xf32, #tpu.memory_space<vmem>>
        %parallel_loop3A_757 = arith.index_cast %parallel_loop3A_751 : i32 to index
        %parallel_loop3A_758 = arith.index_cast %parallel_loop3A_484 : i32 to index
        %parallel_loop3A_759 = arith.constant 112 : index
        %parallel_loop3A_760 = tpu.vector_load %parallel_loop3A_756[%parallel_loop3A_757, %parallel_loop3A_758, %parallel_loop3A_759] {strides = array<i32>} : memref<2x40x128xf32, #tpu.memory_space<vmem>>, vector<1x1x16xf32>,
        %parallel_loop3A_761 = vector.shape_cast %parallel_loop3A_760 : vector<1x1x16xf32> to vector<16xf32>
        %parallel_loop3A_762 = arith.constant 0 : i32
        %parallel_loop3A_763 = arith.constant 0 : i32
        %parallel_loop3A_764 = arith.constant 0 : i32
        %parallel_loop3A_765 = arith.constant 0 : i32
        %parallel_loop3A_766 = tpu.memref_slice %arg10[%scan3A, %parallel_loop3A_763, %parallel_loop3A_764, %parallel_loop3A_765] : memref<3x2x40x128xf32, #tpu.memory_space<vmem>> -> memref<1x2x40x128xf32, #tpu.memory_space<vmem>>
        %parallel_loop3A_767 = tpu.memref_squeeze %parallel_loop3A_766 : memref<1x2x40x128xf32, #tpu.memory_space<vmem>> -> memref<2x40x128xf32, #tpu.memory_space<vmem>>
        %parallel_loop3A_768 = arith.index_cast %parallel_loop3A_762 : i32 to index
        %parallel_loop3A_769 = arith.index_cast %parallel_loop3A_484 : i32 to index
        %parallel_loop3A_770 = arith.constant 112 : index
        %parallel_loop3A_771 = tpu.vector_load %parallel_loop3A_767[%parallel_loop3A_768, %parallel_loop3A_769, %parallel_loop3A_770] {strides = array<i32>} : memref<2x40x128xf32, #tpu.memory_space<vmem>>, vector<1x1x16xf32>,
        %parallel_loop3A_772 = vector.shape_cast %parallel_loop3A_771 : vector<1x1x16xf32> to vector<16xf32>
        %parallel_loop3A_773 = arith.addf %parallel_loop3A_761, %parallel_loop3A_772 : vector<16xf32>
        %parallel_loop3A_774 = arith.constant 0.000000e+00 : f32
        %parallel_loop3A_775 = vector.broadcast %parallel_loop3A_774 : f32 to vector<16xf32>
        %parallel_loop3A_776 = arith.maximumf %parallel_loop3A_773, %parallel_loop3A_775 : vector<16xf32>
        %parallel_loop3A_777 = arith.constant 0 : i32
        %parallel_loop3A_778 = arith.constant 0 : i32
        %parallel_loop3A_779 = arith.constant 0 : i32
        %parallel_loop3A_780 = arith.constant 0 : i32
        %parallel_loop3A_781 = tpu.memref_slice %arg10[%scan3A_219, %parallel_loop3A_778, %parallel_loop3A_779, %parallel_loop3A_780] : memref<3x2x40x128xf32, #tpu.memory_space<vmem>> -> memref<1x2x40x128xf32, #tpu.memory_space<vmem>>
        %parallel_loop3A_782 = tpu.memref_squeeze %parallel_loop3A_781 : memref<1x2x40x128xf32, #tpu.memory_space<vmem>> -> memref<2x40x128xf32, #tpu.memory_space<vmem>>
        %parallel_loop3A_783 = arith.index_cast %parallel_loop3A_777 : i32 to index
        %parallel_loop3A_784 = arith.index_cast %parallel_loop3A_484 : i32 to index
        %parallel_loop3A_785 = arith.constant 112 : index
        %parallel_loop3A_786 = tpu.vector_load %parallel_loop3A_782[%parallel_loop3A_783, %parallel_loop3A_784, %parallel_loop3A_785] {strides = array<i32>} : memref<2x40x128xf32, #tpu.memory_space<vmem>>, vector<1x1x16xf32>,
        %parallel_loop3A_787 = vector.shape_cast %parallel_loop3A_786 : vector<1x1x16xf32> to vector<16xf32>
        %parallel_loop3A_788 = vector.shape_cast %parallel_loop3A_776 : vector<16xf32> to vector<1x1x16xf32>
        tpu.vector_store %parallel_loop3A_782[%parallel_loop3A_783, %parallel_loop3A_784, %parallel_loop3A_785], %parallel_loop3A_788 {strides = array<i32>} : memref<2x40x128xf32, #tpu.memory_space<vmem>>, vector<1x1x16xf32>,
      } {sc.loop_unroll_factor = 4 : i64, sc.parallel_access}
      %eq3A_345 = arith.constant 0 : i32
      %eq3A_346 = arith.cmpi eq, %rem3A_286, %eq3A_345 : i32
      %convert_element_type3A_347 = arith.extui %eq3A_346 : i1 to i32
      %cond3A_348 = arith.constant 0 : i32
      %cond3A_349 = arith.cmpi ne, %convert_element_type3A_347, %cond3A_348 : i32
      scf.if %cond3A_349 {
        %dma_wait3A_484 = arith.constant 0 : i32
        %dma_wait3A_485 = arith.constant 0 : i32
        %dma_wait3A_486 = arith.constant 0 : i32
        %dma_wait3A_487 = tpu.memref_slice %arg9[%rem3A_289, %dma_wait3A_485, %dma_wait3A_486] : memref<2x10x40xi32, #tpu.memory_space<vmem>> -> memref<1x10x40xi32, #tpu.memory_space<vmem>>
        %dma_wait3A_488 = tpu.memref_squeeze %dma_wait3A_487 : memref<1x10x40xi32, #tpu.memory_space<vmem>> -> memref<10x40xi32, #tpu.memory_space<vmem>>
        %dma_wait3A_489 = arith.constant 0 : i32
        %dma_wait3A_490 = arith.constant 0 : i32
        %dma_wait3A_491 = tpu.memref_slice %arg4[%add3A, %dma_wait3A_484, %dma_wait3A_489, %dma_wait3A_490] : memref<32x25x10x40xi32, #tpu.memory_space<hbm>> -> memref<1x1x10x40xi32, #tpu.memory_space<hbm>>
        %dma_wait3A_492 = tpu.memref_squeeze %dma_wait3A_491 : memref<1x1x10x40xi32, #tpu.memory_space<hbm>> -> memref<10x40xi32, #tpu.memory_space<hbm>>
        %dma_wait3A_493 = tpu.memref_slice %arg13[%rem3A_289] : memref<2x!tpu.dma_semaphore, #tpu.memory_space<semaphore_mem>> -> memref<1x!tpu.dma_semaphore, #tpu.memory_space<semaphore_mem>>
        %dma_wait3A_494 = tpu.memref_squeeze %dma_wait3A_493 : memref<1x!tpu.dma_semaphore, #tpu.memory_space<semaphore_mem>> -> memref<!tpu.dma_semaphore, #tpu.memory_space<semaphore_mem>>
        %dma_wait3A_495 = arith.constant 0 : i32
        %dma_wait3A_496 = arith.constant 0 : i32
        %dma_wait3A_497 = tpu.memref_slice %arg9[%rem3A_289, %dma_wait3A_495, %dma_wait3A_496] : memref<2x10x40xi32, #tpu.memory_space<vmem>> -> memref<1x10x40xi32, #tpu.memory_space<vmem>>
        %dma_wait3A_498 = tpu.memref_squeeze %dma_wait3A_497 : memref<1x10x40xi32, #tpu.memory_space<vmem>> -> memref<10x40xi32, #tpu.memory_space<vmem>>
        %dma_wait3A_499 = arith.constant 0 : i32
        %dma_wait3A_500 = arith.constant 0 : i32
        %dma_wait3A_501 = tpu.memref_slice %arg4[%add3A, %dma_wait3A_484, %dma_wait3A_499, %dma_wait3A_500] : memref<32x25x10x40xi32, #tpu.memory_space<hbm>> -> memref<1x1x10x40xi32, #tpu.memory_space<hbm>>
        %dma_wait3A_502 = tpu.memref_squeeze %dma_wait3A_501 : memref<1x1x10x40xi32, #tpu.memory_space<hbm>> -> memref<10x40xi32, #tpu.memory_space<hbm>>
        tpu.wait_dma2 semaphore(%dma_wait3A_494 : memref<!tpu.dma_semaphore, #tpu.memory_space<semaphore_mem>>) src(%dma_wait3A_502 : memref<10x40xi32, #tpu.memory_space<hbm>>) dst(%dma_wait3A_498 : memref<10x40xi32, #tpu.memory_space<vmem>>)
      } else {
      }
      %dma_start3A_350 = arith.constant 0 : i32
      %dma_start3A_351 = arith.constant 0 : i32
      %dma_start3A_352 = arith.constant 0 : i32
      %dma_start3A_353 = arith.constant 0 : i32
      %dma_start3A_354 = arith.constant 0 : i32
      %dma_start3A_355 = tpu.memref_slice %arg10[%scan3A_219, %dma_start3A_352, %dma_start3A_353, %dma_start3A_354] : memref<3x2x40x128xf32, #tpu.memory_space<vmem>> -> memref<1x2x40x128xf32, #tpu.memory_space<vmem>>
      %dma_start3A_356 = tpu.memref_squeeze %dma_start3A_355 : memref<1x2x40x128xf32, #tpu.memory_space<vmem>> -> memref<2x40x128xf32, #tpu.memory_space<vmem>>
      %dma_start3A_357 = arith.constant 0 : i32
      %dma_start3A_358 = arith.constant 0 : i32
      %dma_start3A_359 = tpu.memref_slice %dma_start3A_356[%dma_start3A_350, %dma_start3A_357, %dma_start3A_358] : memref<2x40x128xf32, #tpu.memory_space<vmem>> -> memref<1x40x128xf32, #tpu.memory_space<vmem>>
      %dma_start3A_360 = tpu.memref_squeeze %dma_start3A_359 : memref<1x40x128xf32, #tpu.memory_space<vmem>> -> memref<40x128xf32, #tpu.memory_space<vmem>>
      %dma_start3A_361 = arith.constant 0 : i32
      %dma_start3A_362 = tpu.memref_slice %arg9[%rem3A_289, %rem3A_286, %dma_start3A_361] : memref<2x10x40xi32, #tpu.memory_space<vmem>> -> memref<1x1x40xi32, #tpu.memory_space<vmem>>
      %dma_start3A_363 = tpu.memref_squeeze %dma_start3A_362 : memref<1x1x40xi32, #tpu.memory_space<vmem>> -> memref<40xi32, #tpu.memory_space<vmem>>
      %dma_start3A_364 = arith.constant 0 : i32
      %dma_start3A_365 = arith.constant 0 : i32
      %dma_start3A_366 = tpu.memref_slice %arg11[%dma_start3A_364, %dma_start3A_365] : memref<10000x128xf32, #tpu.memory_space<vmem_shared>> -> memref<10000x128xf32, #tpu.memory_space<vmem_shared>>
      %dma_start3A_367 = tpu.memref_slice %arg16[%dma_start3A_351] : memref<2x!tpu.dma_semaphore, #tpu.memory_space<semaphore_mem>> -> memref<1x!tpu.dma_semaphore, #tpu.memory_space<semaphore_mem>>
      %dma_start3A_368 = tpu.memref_squeeze %dma_start3A_367 : memref<1x!tpu.dma_semaphore, #tpu.memory_space<semaphore_mem>> -> memref<!tpu.dma_semaphore, #tpu.memory_space<semaphore_mem>>
      tpu.enqueue_indirect_dma source(%dma_start3A_360 : memref<40x128xf32, #tpu.memory_space<vmem>>) target(%dma_start3A_366 : memref<10000x128xf32, #tpu.memory_space<vmem_shared>>) offsets(%dma_start3A_363 : memref<40xi32, #tpu.memory_space<vmem>>) semaphore(%dma_start3A_368 : memref<!tpu.dma_semaphore, #tpu.memory_space<semaphore_mem>>) {add = true}
      %add3A_369 = arith.constant 2 : i32
      %add3A_370 = arith.addi %add3A_285, %add3A_369 : i32
      %lt3A = arith.constant 250 : i32
      %lt3A_371 = arith.cmpi slt, %add3A_370, %lt3A : i32
      %convert_element_type3A_372 = arith.extui %lt3A_371 : i1 to i32
      %cond3A_373 = arith.constant 0 : i32
      %cond3A_374 = arith.cmpi ne, %convert_element_type3A_372, %cond3A_373 : i32
      scf.if %cond3A_374 {
        %add3A_484 = arith.constant 2 : i32
        %add3A_485 = arith.addi %add3A_285, %add3A_484 : i32
        %dma_start3A_486 = arith.constant 0 : i32
        %dma_start3A_487 = arith.constant 0 : i32
        %dma_start3A_488 = arith.constant 0 : i32
        %dma_start3A_489 = arith.constant 0 : i32
        %dma_start3A_490 = arith.constant 0 : i32
        %dma_start3A_491 = tpu.memref_slice %arg10[%scan3A, %dma_start3A_488, %dma_start3A_489, %dma_start3A_490] : memref<3x2x40x128xf32, #tpu.memory_space<vmem>> -> memref<1x2x40x128xf32, #tpu.memory_space<vmem>>
        %dma_start3A_492 = tpu.memref_squeeze %dma_start3A_491 : memref<1x2x40x128xf32, #tpu.memory_space<vmem>> -> memref<2x40x128xf32, #tpu.memory_space<vmem>>
        %dma_start3A_493 = arith.constant 0 : i32
        %dma_start3A_494 = arith.constant 0 : i32
        %dma_start3A_495 = tpu.memref_slice %dma_start3A_492[%dma_start3A_486, %dma_start3A_493, %dma_start3A_494] : memref<2x40x128xf32, #tpu.memory_space<vmem>> -> memref<1x40x128xf32, #tpu.memory_space<vmem>>
        %dma_start3A_496 = tpu.memref_squeeze %dma_start3A_495 : memref<1x40x128xf32, #tpu.memory_space<vmem>> -> memref<40x128xf32, #tpu.memory_space<vmem>>
        %dma_start3A_497 = arith.constant 0 : i32
        %dma_start3A_498 = arith.constant 0 : i32
        %dma_start3A_499 = tpu.memref_slice %arg5[%add3A, %add3A_485, %dma_start3A_497, %dma_start3A_498] : memref<32x250x40x128xf32, #tpu.memory_space<hbm>> -> memref<1x1x40x128xf32, #tpu.memory_space<hbm>>
        %dma_start3A_500 = tpu.memref_squeeze %dma_start3A_499 : memref<1x1x40x128xf32, #tpu.memory_space<hbm>> -> memref<40x128xf32, #tpu.memory_space<hbm>>
        %dma_start3A_501 = tpu.memref_slice %arg14[%dma_start3A_487] : memref<2x!tpu.dma_semaphore, #tpu.memory_space<semaphore_mem>> -> memref<1x!tpu.dma_semaphore, #tpu.memory_space<semaphore_mem>>
        %dma_start3A_502 = tpu.memref_squeeze %dma_start3A_501 : memref<1x!tpu.dma_semaphore, #tpu.memory_space<semaphore_mem>> -> memref<!tpu.dma_semaphore, #tpu.memory_space<semaphore_mem>>
        %dma_start3A_503 = arith.constant 0 : i32
        %dma_start3A_504 = arith.constant 0 : i32
        %dma_start3A_505 = arith.constant 0 : i32
        %dma_start3A_506 = tpu.memref_slice %arg10[%scan3A, %dma_start3A_503, %dma_start3A_504, %dma_start3A_505] : memref<3x2x40x128xf32, #tpu.memory_space<vmem>> -> memref<1x2x40x128xf32, #tpu.memory_space<vmem>>
        %dma_start3A_507 = tpu.memref_squeeze %dma_start3A_506 : memref<1x2x40x128xf32, #tpu.memory_space<vmem>> -> memref<2x40x128xf32, #tpu.memory_space<vmem>>
        %dma_start3A_508 = arith.constant 0 : i32
        %dma_start3A_509 = arith.constant 0 : i32
        %dma_start3A_510 = tpu.memref_slice %dma_start3A_507[%dma_start3A_486, %dma_start3A_508, %dma_start3A_509] : memref<2x40x128xf32, #tpu.memory_space<vmem>> -> memref<1x40x128xf32, #tpu.memory_space<vmem>>
        %dma_start3A_511 = tpu.memref_squeeze %dma_start3A_510 : memref<1x40x128xf32, #tpu.memory_space<vmem>> -> memref<40x128xf32, #tpu.memory_space<vmem>>
        %dma_start3A_512 = arith.constant 0 : i32
        %dma_start3A_513 = arith.constant 0 : i32
        %dma_start3A_514 = tpu.memref_slice %arg5[%add3A, %add3A_485, %dma_start3A_512, %dma_start3A_513] : memref<32x250x40x128xf32, #tpu.memory_space<hbm>> -> memref<1x1x40x128xf32, #tpu.memory_space<hbm>>
        %dma_start3A_515 = tpu.memref_squeeze %dma_start3A_514 : memref<1x1x40x128xf32, #tpu.memory_space<hbm>> -> memref<40x128xf32, #tpu.memory_space<hbm>>
        tpu.enqueue_dma source(%dma_start3A_515 : memref<40x128xf32, #tpu.memory_space<hbm>>) target(%dma_start3A_511 : memref<40x128xf32, #tpu.memory_space<vmem>>) target_semaphore(%dma_start3A_502 : memref<!tpu.dma_semaphore, #tpu.memory_space<semaphore_mem>>)
        %add3A_516 = arith.constant 2 : i32
        %add3A_517 = arith.addi %add3A_285, %add3A_516 : i32
        %rem3A_518 = arith.constant 10 : i32
        %rem3A_519 = arith.remsi %add3A_517, %rem3A_518 : i32
        %div3A_520 = arith.constant 10 : i32
        %div3A_521 = arith.divsi %add3A_517, %div3A_520 : i32
        %rem3A_522 = arith.constant 2 : i32
        %rem3A_523 = arith.remsi %div3A_521, %rem3A_522 : i32
        %eq3A_524 = arith.constant 0 : i32
        %eq3A_525 = arith.cmpi eq, %rem3A_519, %eq3A_524 : i32
        %convert_element_type3A_526 = arith.extui %eq3A_525 : i1 to i32
        %cond3A_527 = arith.constant 0 : i32
        %cond3A_528 = arith.cmpi ne, %convert_element_type3A_526, %cond3A_527 : i32
        scf.if %cond3A_528 {
          %dma_wait3A_548 = arith.constant 0 : i32
          %dma_wait3A_549 = arith.constant 0 : i32
          %dma_wait3A_550 = arith.constant 0 : i32
          %dma_wait3A_551 = tpu.memref_slice %arg8[%rem3A_523, %dma_wait3A_549, %dma_wait3A_550] : memref<2x10x40xi32, #tpu.memory_space<vmem>> -> memref<1x10x40xi32, #tpu.memory_space<vmem>>
          %dma_wait3A_552 = tpu.memref_squeeze %dma_wait3A_551 : memref<1x10x40xi32, #tpu.memory_space<vmem>> -> memref<10x40xi32, #tpu.memory_space<vmem>>
          %dma_wait3A_553 = arith.constant 0 : i32
          %dma_wait3A_554 = arith.constant 0 : i32
          %dma_wait3A_555 = tpu.memref_slice %arg3[%add3A, %dma_wait3A_548, %dma_wait3A_553, %dma_wait3A_554] : memref<32x25x10x40xi32, #tpu.memory_space<hbm>> -> memref<1x1x10x40xi32, #tpu.memory_space<hbm>>
          %dma_wait3A_556 = tpu.memref_squeeze %dma_wait3A_555 : memref<1x1x10x40xi32, #tpu.memory_space<hbm>> -> memref<10x40xi32, #tpu.memory_space<hbm>>
          %dma_wait3A_557 = tpu.memref_slice %arg12[%rem3A_523] : memref<2x!tpu.dma_semaphore, #tpu.memory_space<semaphore_mem>> -> memref<1x!tpu.dma_semaphore, #tpu.memory_space<semaphore_mem>>
          %dma_wait3A_558 = tpu.memref_squeeze %dma_wait3A_557 : memref<1x!tpu.dma_semaphore, #tpu.memory_space<semaphore_mem>> -> memref<!tpu.dma_semaphore, #tpu.memory_space<semaphore_mem>>
          %dma_wait3A_559 = arith.constant 0 : i32
          %dma_wait3A_560 = arith.constant 0 : i32
          %dma_wait3A_561 = tpu.memref_slice %arg8[%rem3A_523, %dma_wait3A_559, %dma_wait3A_560] : memref<2x10x40xi32, #tpu.memory_space<vmem>> -> memref<1x10x40xi32, #tpu.memory_space<vmem>>
          %dma_wait3A_562 = tpu.memref_squeeze %dma_wait3A_561 : memref<1x10x40xi32, #tpu.memory_space<vmem>> -> memref<10x40xi32, #tpu.memory_space<vmem>>
          %dma_wait3A_563 = arith.constant 0 : i32
          %dma_wait3A_564 = arith.constant 0 : i32
          %dma_wait3A_565 = tpu.memref_slice %arg3[%add3A, %dma_wait3A_548, %dma_wait3A_563, %dma_wait3A_564] : memref<32x25x10x40xi32, #tpu.memory_space<hbm>> -> memref<1x1x10x40xi32, #tpu.memory_space<hbm>>
          %dma_wait3A_566 = tpu.memref_squeeze %dma_wait3A_565 : memref<1x1x10x40xi32, #tpu.memory_space<hbm>> -> memref<10x40xi32, #tpu.memory_space<hbm>>
          tpu.wait_dma2 semaphore(%dma_wait3A_558 : memref<!tpu.dma_semaphore, #tpu.memory_space<semaphore_mem>>) src(%dma_wait3A_566 : memref<10x40xi32, #tpu.memory_space<hbm>>) dst(%dma_wait3A_562 : memref<10x40xi32, #tpu.memory_space<vmem>>)
        } else {
        }
        %dma_start3A_529 = arith.constant 0 : i32
        %dma_start3A_530 = arith.constant 0 : i32
        %dma_start3A_531 = arith.constant 0 : i32
        %dma_start3A_532 = arith.constant 0 : i32
        %dma_start3A_533 = arith.constant 0 : i32
        %dma_start3A_534 = tpu.memref_slice %arg10[%scan3A_218, %dma_start3A_531, %dma_start3A_532, %dma_start3A_533] : memref<3x2x40x128xf32, #tpu.memory_space<vmem>> -> memref<1x2x40x128xf32, #tpu.memory_space<vmem>>
        %dma_start3A_535 = tpu.memref_squeeze %dma_start3A_534 : memref<1x2x40x128xf32, #tpu.memory_space<vmem>> -> memref<2x40x128xf32, #tpu.memory_space<vmem>>
        %dma_start3A_536 = arith.constant 0 : i32
        %dma_start3A_537 = arith.constant 0 : i32
        %dma_start3A_538 = tpu.memref_slice %dma_start3A_535[%dma_start3A_529, %dma_start3A_536, %dma_start3A_537] : memref<2x40x128xf32, #tpu.memory_space<vmem>> -> memref<1x40x128xf32, #tpu.memory_space<vmem>>
        %dma_start3A_539 = tpu.memref_squeeze %dma_start3A_538 : memref<1x40x128xf32, #tpu.memory_space<vmem>> -> memref<40x128xf32, #tpu.memory_space<vmem>>
        %dma_start3A_540 = arith.constant 0 : i32
        %dma_start3A_541 = tpu.memref_slice %arg8[%rem3A_523, %rem3A_519, %dma_start3A_540] : memref<2x10x40xi32, #tpu.memory_space<vmem>> -> memref<1x1x40xi32, #tpu.memory_space<vmem>>
        %dma_start3A_542 = tpu.memref_squeeze %dma_start3A_541 : memref<1x1x40xi32, #tpu.memory_space<vmem>> -> memref<40xi32, #tpu.memory_space<vmem>>
        %dma_start3A_543 = arith.constant 0 : i32
        %dma_start3A_544 = arith.constant 0 : i32
        %dma_start3A_545 = tpu.memref_slice %arg2[%dma_start3A_543, %dma_start3A_544] : memref<10000x128xf32, #tpu.memory_space<hbm>> -> memref<10000x128xf32, #tpu.memory_space<hbm>>
        %dma_start3A_546 = tpu.memref_slice %arg15[%dma_start3A_530] : memref<2x!tpu.dma_semaphore, #tpu.memory_space<semaphore_mem>> -> memref<1x!tpu.dma_semaphore, #tpu.memory_space<semaphore_mem>>
        %dma_start3A_547 = tpu.memref_squeeze %dma_start3A_546 : memref<1x!tpu.dma_semaphore, #tpu.memory_space<semaphore_mem>> -> memref<!tpu.dma_semaphore, #tpu.memory_space<semaphore_mem>>
        tpu.enqueue_indirect_dma source(%dma_start3A_545 : memref<10000x128xf32, #tpu.memory_space<hbm>>) target(%dma_start3A_539 : memref<40x128xf32, #tpu.memory_space<vmem>>) offsets(%dma_start3A_542 : memref<40xi32, #tpu.memory_space<vmem>>) semaphore(%dma_start3A_547 : memref<!tpu.dma_semaphore, #tpu.memory_space<semaphore_mem>>)
      } else {
      }
      %add3A_375 = arith.constant 1 : i32
      %add3A_376 = arith.addi %add3A_283, %add3A_375 : i32
      %rem3A_377 = arith.constant 10 : i32
      %rem3A_378 = arith.remsi %add3A_376, %rem3A_377 : i32
      %div3A_379 = arith.constant 10 : i32
      %div3A_380 = arith.divsi %add3A_376, %div3A_379 : i32
      %rem3A_381 = arith.constant 2 : i32
      %rem3A_382 = arith.remsi %div3A_380, %rem3A_381 : i32
      %dma_wait3A_383 = arith.constant 1 : i32
      %dma_wait3A_384 = arith.constant 1 : i32
      %dma_wait3A_385 = arith.constant 0 : i32
      %dma_wait3A_386 = arith.constant 0 : i32
      %dma_wait3A_387 = arith.constant 0 : i32
      %dma_wait3A_388 = tpu.memref_slice %arg10[%scan3A, %dma_wait3A_385, %dma_wait3A_386, %dma_wait3A_387] : memref<3x2x40x128xf32, #tpu.memory_space<vmem>> -> memref<1x2x40x128xf32, #tpu.memory_space<vmem>>
      %dma_wait3A_389 = tpu.memref_squeeze %dma_wait3A_388 : memref<1x2x40x128xf32, #tpu.memory_space<vmem>> -> memref<2x40x128xf32, #tpu.memory_space<vmem>>
      %dma_wait3A_390 = arith.constant 0 : i32
      %dma_wait3A_391 = arith.constant 0 : i32
      %dma_wait3A_392 = tpu.memref_slice %dma_wait3A_389[%dma_wait3A_383, %dma_wait3A_390, %dma_wait3A_391] : memref<2x40x128xf32, #tpu.memory_space<vmem>> -> memref<1x40x128xf32, #tpu.memory_space<vmem>>
      %dma_wait3A_393 = tpu.memref_squeeze %dma_wait3A_392 : memref<1x40x128xf32, #tpu.memory_space<vmem>> -> memref<40x128xf32, #tpu.memory_space<vmem>>
      %dma_wait3A_394 = arith.constant 0 : i32
      %dma_wait3A_395 = arith.constant 0 : i32
      %dma_wait3A_396 = tpu.memref_slice %arg5[%add3A, %add3A_376, %dma_wait3A_394, %dma_wait3A_395] : memref<32x250x40x128xf32, #tpu.memory_space<hbm>> -> memref<1x1x40x128xf32, #tpu.memory_space<hbm>>
      %dma_wait3A_397 = tpu.memref_squeeze %dma_wait3A_396 : memref<1x1x40x128xf32, #tpu.memory_space<hbm>> -> memref<40x128xf32, #tpu.memory_space<hbm>>
      %dma_wait3A_398 = tpu.memref_slice %arg14[%dma_wait3A_384] : memref<2x!tpu.dma_semaphore, #tpu.memory_space<semaphore_mem>> -> memref<1x!tpu.dma_semaphore, #tpu.memory_space<semaphore_mem>>
      %dma_wait3A_399 = tpu.memref_squeeze %dma_wait3A_398 : memref<1x!tpu.dma_semaphore, #tpu.memory_space<semaphore_mem>> -> memref<!tpu.dma_semaphore, #tpu.memory_space<semaphore_mem>>
      %dma_wait3A_400 = arith.constant 0 : i32
      %dma_wait3A_401 = arith.constant 0 : i32
      %dma_wait3A_402 = arith.constant 0 : i32
      %dma_wait3A_403 = tpu.memref_slice %arg10[%scan3A, %dma_wait3A_400, %dma_wait3A_401, %dma_wait3A_402] : memref<3x2x40x128xf32, #tpu.memory_space<vmem>> -> memref<1x2x40x128xf32, #tpu.memory_space<vmem>>
      %dma_wait3A_404 = tpu.memref_squeeze %dma_wait3A_403 : memref<1x2x40x128xf32, #tpu.memory_space<vmem>> -> memref<2x40x128xf32, #tpu.memory_space<vmem>>
      %dma_wait3A_405 = arith.constant 0 : i32
      %dma_wait3A_406 = arith.constant 0 : i32
      %dma_wait3A_407 = tpu.memref_slice %dma_wait3A_404[%dma_wait3A_383, %dma_wait3A_405, %dma_wait3A_406] : memref<2x40x128xf32, #tpu.memory_space<vmem>> -> memref<1x40x128xf32, #tpu.memory_space<vmem>>
      %dma_wait3A_408 = tpu.memref_squeeze %dma_wait3A_407 : memref<1x40x128xf32, #tpu.memory_space<vmem>> -> memref<40x128xf32, #tpu.memory_space<vmem>>
      %dma_wait3A_409 = arith.constant 0 : i32
      %dma_wait3A_410 = arith.constant 0 : i32
      %dma_wait3A_411 = tpu.memref_slice %arg5[%add3A, %add3A_376, %dma_wait3A_409, %dma_wait3A_410] : memref<32x250x40x128xf32, #tpu.memory_space<hbm>> -> memref<1x1x40x128xf32, #tpu.memory_space<hbm>>
      %dma_wait3A_412 = tpu.memref_squeeze %dma_wait3A_411 : memref<1x1x40x128xf32, #tpu.memory_space<hbm>> -> memref<40x128xf32, #tpu.memory_space<hbm>>
      tpu.wait_dma2 semaphore(%dma_wait3A_399 : memref<!tpu.dma_semaphore, #tpu.memory_space<semaphore_mem>>) src(%dma_wait3A_412 : memref<40x128xf32, #tpu.memory_space<hbm>>) dst(%dma_wait3A_408 : memref<40x128xf32, #tpu.memory_space<vmem>>)
      %dma_wait3A_413 = arith.constant 1 : i32
      %dma_wait3A_414 = arith.constant 1 : i32
      %dma_wait3A_415 = arith.constant 0 : i32
      %dma_wait3A_416 = arith.constant 0 : i32
      %dma_wait3A_417 = arith.constant 0 : i32
      %dma_wait3A_418 = tpu.memref_slice %arg10[%scan3A_218, %dma_wait3A_415, %dma_wait3A_416, %dma_wait3A_417] : memref<3x2x40x128xf32, #tpu.memory_space<vmem>> -> memref<1x2x40x128xf32, #tpu.memory_space<vmem>>
      %dma_wait3A_419 = tpu.memref_squeeze %dma_wait3A_418 : memref<1x2x40x128xf32, #tpu.memory_space<vmem>> -> memref<2x40x128xf32, #tpu.memory_space<vmem>>
      %dma_wait3A_420 = arith.constant 0 : i32
      %dma_wait3A_421 = arith.constant 0 : i32
      %dma_wait3A_422 = tpu.memref_slice %dma_wait3A_419[%dma_wait3A_413, %dma_wait3A_420, %dma_wait3A_421] : memref<2x40x128xf32, #tpu.memory_space<vmem>> -> memref<1x40x128xf32, #tpu.memory_space<vmem>>
      %dma_wait3A_423 = tpu.memref_squeeze %dma_wait3A_422 : memref<1x40x128xf32, #tpu.memory_space<vmem>> -> memref<40x128xf32, #tpu.memory_space<vmem>>
      %dma_wait3A_424 = arith.constant 0 : i32
      %dma_wait3A_425 = tpu.memref_slice %arg8[%rem3A_382, %rem3A_378, %dma_wait3A_424] : memref<2x10x40xi32, #tpu.memory_space<vmem>> -> memref<1x1x40xi32, #tpu.memory_space<vmem>>
      %dma_wait3A_426 = tpu.memref_squeeze %dma_wait3A_425 : memref<1x1x40xi32, #tpu.memory_space<vmem>> -> memref<40xi32, #tpu.memory_space<vmem>>
      %dma_wait3A_427 = arith.constant 0 : i32
      %dma_wait3A_428 = arith.constant 0 : i32
      %dma_wait3A_429 = tpu.memref_slice %arg2[%dma_wait3A_427, %dma_wait3A_428] : memref<10000x128xf32, #tpu.memory_space<hbm>> -> memref<10000x128xf32, #tpu.memory_space<hbm>>
      %dma_wait3A_430 = tpu.memref_slice %arg15[%dma_wait3A_414] : memref<2x!tpu.dma_semaphore, #tpu.memory_space<semaphore_mem>> -> memref<1x!tpu.dma_semaphore, #tpu.memory_space<semaphore_mem>>
      %dma_wait3A_431 = tpu.memref_squeeze %dma_wait3A_430 : memref<1x!tpu.dma_semaphore, #tpu.memory_space<semaphore_mem>> -> memref<!tpu.dma_semaphore, #tpu.memory_space<semaphore_mem>>
      tpu.wait_indirect_dma semaphore(%dma_wait3A_431 : memref<!tpu.dma_semaphore, #tpu.memory_space<semaphore_mem>>) src(%dma_wait3A_429 : memref<10000x128xf32, #tpu.memory_space<hbm>>) dst(%dma_wait3A_423 : memref<40x128xf32, #tpu.memory_space<vmem>>)
      %ge3A_432 = arith.constant 2 : i32
      %ge3A_433 = arith.cmpi sge, %add3A_283, %ge3A_432 : i32
      %convert_element_type3A_434 = arith.extui %ge3A_433 : i1 to i32
      %cond3A_435 = arith.constant 0 : i32
      %cond3A_436 = arith.cmpi ne, %convert_element_type3A_434, %cond3A_435 : i32
      scf.if %cond3A_436 {
        %dma_wait3A_484 = arith.constant 1 : i32
        %dma_wait3A_485 = arith.constant 1 : i32
        %dma_wait3A_486 = arith.constant 0 : i32
        %dma_wait3A_487 = arith.constant 0 : i32
        %dma_wait3A_488 = arith.constant 0 : i32
        %dma_wait3A_489 = tpu.memref_slice %arg10[%scan3A_219, %dma_wait3A_486, %dma_wait3A_487, %dma_wait3A_488] : memref<3x2x40x128xf32, #tpu.memory_space<vmem>> -> memref<1x2x40x128xf32, #tpu.memory_space<vmem>>
        %dma_wait3A_490 = tpu.memref_squeeze %dma_wait3A_489 : memref<1x2x40x128xf32, #tpu.memory_space<vmem>> -> memref<2x40x128xf32, #tpu.memory_space<vmem>>
        %dma_wait3A_491 = arith.constant 0 : i32
        %dma_wait3A_492 = arith.constant 0 : i32
        %dma_wait3A_493 = tpu.memref_slice %dma_wait3A_490[%dma_wait3A_484, %dma_wait3A_491, %dma_wait3A_492] : memref<2x40x128xf32, #tpu.memory_space<vmem>> -> memref<1x40x128xf32, #tpu.memory_space<vmem>>
        %dma_wait3A_494 = tpu.memref_squeeze %dma_wait3A_493 : memref<1x40x128xf32, #tpu.memory_space<vmem>> -> memref<40x128xf32, #tpu.memory_space<vmem>>
        %dma_wait3A_495 = arith.constant 0 : i32
        %dma_wait3A_496 = tpu.memref_slice %arg9[%rem3A_382, %rem3A_378, %dma_wait3A_495] : memref<2x10x40xi32, #tpu.memory_space<vmem>> -> memref<1x1x40xi32, #tpu.memory_space<vmem>>
        %dma_wait3A_497 = tpu.memref_squeeze %dma_wait3A_496 : memref<1x1x40xi32, #tpu.memory_space<vmem>> -> memref<40xi32, #tpu.memory_space<vmem>>
        %dma_wait3A_498 = arith.constant 0 : i32
        %dma_wait3A_499 = arith.constant 0 : i32
        %dma_wait3A_500 = tpu.memref_slice %arg11[%dma_wait3A_498, %dma_wait3A_499] : memref<10000x128xf32, #tpu.memory_space<vmem_shared>> -> memref<10000x128xf32, #tpu.memory_space<vmem_shared>>
        %dma_wait3A_501 = tpu.memref_slice %arg16[%dma_wait3A_485] : memref<2x!tpu.dma_semaphore, #tpu.memory_space<semaphore_mem>> -> memref<1x!tpu.dma_semaphore, #tpu.memory_space<semaphore_mem>>
        %dma_wait3A_502 = tpu.memref_squeeze %dma_wait3A_501 : memref<1x!tpu.dma_semaphore, #tpu.memory_space<semaphore_mem>> -> memref<!tpu.dma_semaphore, #tpu.memory_space<semaphore_mem>>
        tpu.wait_indirect_dma semaphore(%dma_wait3A_502 : memref<!tpu.dma_semaphore, #tpu.memory_space<semaphore_mem>>) src(%dma_wait3A_494 : memref<40x128xf32, #tpu.memory_space<vmem>>) dst(%dma_wait3A_500 : memref<10000x128xf32, #tpu.memory_space<vmem_shared>>)
      } else {
      }
      %eq3A_437 = arith.constant 1 : i32
      %eq3A_438 = arith.cmpi eq, %rem3A_378, %eq3A_437 : i32
      %add3A_439 = arith.constant 20 : i32
      %add3A_440 = arith.addi %add3A_283, %add3A_439 : i32
      %sub3A = arith.constant 1 : i32
      %sub3A_441 = arith.subi %add3A_440, %sub3A : i32
      %lt3A_442 = arith.constant 250 : i32
      %lt3A_443 = arith.cmpi slt, %sub3A_441, %lt3A_442 : i32
      %and3A = arith.andi %eq3A_438, %lt3A_443 : i1
      %ge3A_444 = arith.constant 2 : i32
      %ge3A_445 = arith.cmpi sge, %add3A_283, %ge3A_444 : i32
      %and3A_446 = arith.andi %and3A, %ge3A_445 : i1
      %convert_element_type3A_447 = arith.extui %and3A_446 : i1 to i32
      %cond3A_448 = arith.constant 0 : i32
      %cond3A_449 = arith.cmpi ne, %convert_element_type3A_447, %cond3A_448 : i32
      scf.if %cond3A_449 {
        %sub3A_484 = arith.constant 1 : i32
        %sub3A_485 = arith.subi %sub3A_484, %rem3A_382 : i32
        %div3A_486 = arith.constant 10 : i32
        %div3A_487 = arith.divsi %add3A_376, %div3A_486 : i32
        %add3A_488 = arith.constant 1 : i32
        %add3A_489 = arith.addi %div3A_487, %add3A_488 : i32
        %dma_start3A_490 = arith.constant 0 : i32
        %dma_start3A_491 = arith.constant 0 : i32
        %dma_start3A_492 = tpu.memref_slice %arg8[%sub3A_485, %dma_start3A_490, %dma_start3A_491] : memref<2x10x40xi32, #tpu.memory_space<vmem>> -> memref<1x10x40xi32, #tpu.memory_space<vmem>>
        %dma_start3A_493 = tpu.memref_squeeze %dma_start3A_492 : memref<1x10x40xi32, #tpu.memory_space<vmem>> -> memref<10x40xi32, #tpu.memory_space<vmem>>
        %dma_start3A_494 = arith.constant 0 : i32
        %dma_start3A_495 = arith.constant 0 : i32
        %dma_start3A_496 = tpu.memref_slice %arg3[%add3A, %add3A_489, %dma_start3A_494, %dma_start3A_495] : memref<32x25x10x40xi32, #tpu.memory_space<hbm>> -> memref<1x1x10x40xi32, #tpu.memory_space<hbm>>
        %dma_start3A_497 = tpu.memref_squeeze %dma_start3A_496 : memref<1x1x10x40xi32, #tpu.memory_space<hbm>> -> memref<10x40xi32, #tpu.memory_space<hbm>>
        %dma_start3A_498 = tpu.memref_slice %arg12[%sub3A_485] : memref<2x!tpu.dma_semaphore, #tpu.memory_space<semaphore_mem>> -> memref<1x!tpu.dma_semaphore, #tpu.memory_space<semaphore_mem>>
        %dma_start3A_499 = tpu.memref_squeeze %dma_start3A_498 : memref<1x!tpu.dma_semaphore, #tpu.memory_space<semaphore_mem>> -> memref<!tpu.dma_semaphore, #tpu.memory_space<semaphore_mem>>
        %dma_start3A_500 = arith.constant 0 : i32
        %dma_start3A_501 = arith.constant 0 : i32
        %dma_start3A_502 = tpu.memref_slice %arg8[%sub3A_485, %dma_start3A_500, %dma_start3A_501] : memref<2x10x40xi32, #tpu.memory_space<vmem>> -> memref<1x10x40xi32, #tpu.memory_space<vmem>>
        %dma_start3A_503 = tpu.memref_squeeze %dma_start3A_502 : memref<1x10x40xi32, #tpu.memory_space<vmem>> -> memref<10x40xi32, #tpu.memory_space<vmem>>
        %dma_start3A_504 = arith.constant 0 : i32
        %dma_start3A_505 = arith.constant 0 : i32
        %dma_start3A_506 = tpu.memref_slice %arg3[%add3A, %add3A_489, %dma_start3A_504, %dma_start3A_505] : memref<32x25x10x40xi32, #tpu.memory_space<hbm>> -> memref<1x1x10x40xi32, #tpu.memory_space<hbm>>
        %dma_start3A_507 = tpu.memref_squeeze %dma_start3A_506 : memref<1x1x10x40xi32, #tpu.memory_space<hbm>> -> memref<10x40xi32, #tpu.memory_space<hbm>>
        tpu.enqueue_dma source(%dma_start3A_507 : memref<10x40xi32, #tpu.memory_space<hbm>>) target(%dma_start3A_503 : memref<10x40xi32, #tpu.memory_space<vmem>>) target_semaphore(%dma_start3A_499 : memref<!tpu.dma_semaphore, #tpu.memory_space<semaphore_mem>>)
        %dma_start3A_508 = arith.constant 0 : i32
        %dma_start3A_509 = arith.constant 0 : i32
        %dma_start3A_510 = tpu.memref_slice %arg9[%sub3A_485, %dma_start3A_508, %dma_start3A_509] : memref<2x10x40xi32, #tpu.memory_space<vmem>> -> memref<1x10x40xi32, #tpu.memory_space<vmem>>
        %dma_start3A_511 = tpu.memref_squeeze %dma_start3A_510 : memref<1x10x40xi32, #tpu.memory_space<vmem>> -> memref<10x40xi32, #tpu.memory_space<vmem>>
        %dma_start3A_512 = arith.constant 0 : i32
        %dma_start3A_513 = arith.constant 0 : i32
        %dma_start3A_514 = tpu.memref_slice %arg4[%add3A, %add3A_489, %dma_start3A_512, %dma_start3A_513] : memref<32x25x10x40xi32, #tpu.memory_space<hbm>> -> memref<1x1x10x40xi32, #tpu.memory_space<hbm>>
        %dma_start3A_515 = tpu.memref_squeeze %dma_start3A_514 : memref<1x1x10x40xi32, #tpu.memory_space<hbm>> -> memref<10x40xi32, #tpu.memory_space<hbm>>
        %dma_start3A_516 = tpu.memref_slice %arg13[%sub3A_485] : memref<2x!tpu.dma_semaphore, #tpu.memory_space<semaphore_mem>> -> memref<1x!tpu.dma_semaphore, #tpu.memory_space<semaphore_mem>>
        %dma_start3A_517 = tpu.memref_squeeze %dma_start3A_516 : memref<1x!tpu.dma_semaphore, #tpu.memory_space<semaphore_mem>> -> memref<!tpu.dma_semaphore, #tpu.memory_space<semaphore_mem>>
        %dma_start3A_518 = arith.constant 0 : i32
        %dma_start3A_519 = arith.constant 0 : i32
        %dma_start3A_520 = tpu.memref_slice %arg9[%sub3A_485, %dma_start3A_518, %dma_start3A_519] : memref<2x10x40xi32, #tpu.memory_space<vmem>> -> memref<1x10x40xi32, #tpu.memory_space<vmem>>
        %dma_start3A_521 = tpu.memref_squeeze %dma_start3A_520 : memref<1x10x40xi32, #tpu.memory_space<vmem>> -> memref<10x40xi32, #tpu.memory_space<vmem>>
        %dma_start3A_522 = arith.constant 0 : i32
        %dma_start3A_523 = arith.constant 0 : i32
        %dma_start3A_524 = tpu.memref_slice %arg4[%add3A, %add3A_489, %dma_start3A_522, %dma_start3A_523] : memref<32x25x10x40xi32, #tpu.memory_space<hbm>> -> memref<1x1x10x40xi32, #tpu.memory_space<hbm>>
        %dma_start3A_525 = tpu.memref_squeeze %dma_start3A_524 : memref<1x1x10x40xi32, #tpu.memory_space<hbm>> -> memref<10x40xi32, #tpu.memory_space<hbm>>
        tpu.enqueue_dma source(%dma_start3A_525 : memref<10x40xi32, #tpu.memory_space<hbm>>) target(%dma_start3A_521 : memref<10x40xi32, #tpu.memory_space<vmem>>) target_semaphore(%dma_start3A_517 : memref<!tpu.dma_semaphore, #tpu.memory_space<semaphore_mem>>)
      } else {
      }
      %parallel_loop3A_450 = arith.constant 0 : i32
      %parallel_loop3A_451 = arith.constant 40 : i32
      %parallel_loop3A_452 = arith.constant 1 : i32
      scf.for %parallel_loop3A_484 = %parallel_loop3A_450 to %parallel_loop3A_451 step %parallel_loop3A_452  : i32 {
        %parallel_loop3A_485 = arith.constant 1 : i32
        %parallel_loop3A_486 = arith.constant 0 : i32
        %parallel_loop3A_487 = arith.constant 0 : i32
        %parallel_loop3A_488 = arith.constant 0 : i32
        %parallel_loop3A_489 = tpu.memref_slice %arg10[%scan3A_218, %parallel_loop3A_486, %parallel_loop3A_487, %parallel_loop3A_488] : memref<3x2x40x128xf32, #tpu.memory_space<vmem>> -> memref<1x2x40x128xf32, #tpu.memory_space<vmem>>
        %parallel_loop3A_490 = tpu.memref_squeeze %parallel_loop3A_489 : memref<1x2x40x128xf32, #tpu.memory_space<vmem>> -> memref<2x40x128xf32, #tpu.memory_space<vmem>>
        %parallel_loop3A_491 = arith.index_cast %parallel_loop3A_485 : i32 to index
        %parallel_loop3A_492 = arith.index_cast %parallel_loop3A_484 : i32 to index
        %parallel_loop3A_493 = arith.constant 0 : index
        %parallel_loop3A_494 = tpu.vector_load %parallel_loop3A_490[%parallel_loop3A_491, %parallel_loop3A_492, %parallel_loop3A_493] {strides = array<i32>} : memref<2x40x128xf32, #tpu.memory_space<vmem>>, vector<1x1x16xf32>,
        %parallel_loop3A_495 = vector.shape_cast %parallel_loop3A_494 : vector<1x1x16xf32> to vector<16xf32>
        %parallel_loop3A_496 = arith.constant 1 : i32
        %parallel_loop3A_497 = arith.constant 0 : i32
        %parallel_loop3A_498 = arith.constant 0 : i32
        %parallel_loop3A_499 = arith.constant 0 : i32
        %parallel_loop3A_500 = tpu.memref_slice %arg10[%scan3A, %parallel_loop3A_497, %parallel_loop3A_498, %parallel_loop3A_499] : memref<3x2x40x128xf32, #tpu.memory_space<vmem>> -> memref<1x2x40x128xf32, #tpu.memory_space<vmem>>
        %parallel_loop3A_501 = tpu.memref_squeeze %parallel_loop3A_500 : memref<1x2x40x128xf32, #tpu.memory_space<vmem>> -> memref<2x40x128xf32, #tpu.memory_space<vmem>>
        %parallel_loop3A_502 = arith.index_cast %parallel_loop3A_496 : i32 to index
        %parallel_loop3A_503 = arith.index_cast %parallel_loop3A_484 : i32 to index
        %parallel_loop3A_504 = arith.constant 0 : index
        %parallel_loop3A_505 = tpu.vector_load %parallel_loop3A_501[%parallel_loop3A_502, %parallel_loop3A_503, %parallel_loop3A_504] {strides = array<i32>} : memref<2x40x128xf32, #tpu.memory_space<vmem>>, vector<1x1x16xf32>,
        %parallel_loop3A_506 = vector.shape_cast %parallel_loop3A_505 : vector<1x1x16xf32> to vector<16xf32>
        %parallel_loop3A_507 = arith.addf %parallel_loop3A_495, %parallel_loop3A_506 : vector<16xf32>
        %parallel_loop3A_508 = arith.constant 0.000000e+00 : f32
        %parallel_loop3A_509 = vector.broadcast %parallel_loop3A_508 : f32 to vector<16xf32>
        %parallel_loop3A_510 = arith.maximumf %parallel_loop3A_507, %parallel_loop3A_509 : vector<16xf32>
        %parallel_loop3A_511 = arith.constant 1 : i32
        %parallel_loop3A_512 = arith.constant 0 : i32
        %parallel_loop3A_513 = arith.constant 0 : i32
        %parallel_loop3A_514 = arith.constant 0 : i32
        %parallel_loop3A_515 = tpu.memref_slice %arg10[%scan3A_219, %parallel_loop3A_512, %parallel_loop3A_513, %parallel_loop3A_514] : memref<3x2x40x128xf32, #tpu.memory_space<vmem>> -> memref<1x2x40x128xf32, #tpu.memory_space<vmem>>
        %parallel_loop3A_516 = tpu.memref_squeeze %parallel_loop3A_515 : memref<1x2x40x128xf32, #tpu.memory_space<vmem>> -> memref<2x40x128xf32, #tpu.memory_space<vmem>>
        %parallel_loop3A_517 = arith.index_cast %parallel_loop3A_511 : i32 to index
        %parallel_loop3A_518 = arith.index_cast %parallel_loop3A_484 : i32 to index
        %parallel_loop3A_519 = arith.constant 0 : index
        %parallel_loop3A_520 = tpu.vector_load %parallel_loop3A_516[%parallel_loop3A_517, %parallel_loop3A_518, %parallel_loop3A_519] {strides = array<i32>} : memref<2x40x128xf32, #tpu.memory_space<vmem>>, vector<1x1x16xf32>,
        %parallel_loop3A_521 = vector.shape_cast %parallel_loop3A_520 : vector<1x1x16xf32> to vector<16xf32>
        %parallel_loop3A_522 = vector.shape_cast %parallel_loop3A_510 : vector<16xf32> to vector<1x1x16xf32>
        tpu.vector_store %parallel_loop3A_516[%parallel_loop3A_517, %parallel_loop3A_518, %parallel_loop3A_519], %parallel_loop3A_522 {strides = array<i32>} : memref<2x40x128xf32, #tpu.memory_space<vmem>>, vector<1x1x16xf32>,
        %parallel_loop3A_523 = arith.constant 1 : i32
        %parallel_loop3A_524 = arith.constant 0 : i32
        %parallel_loop3A_525 = arith.constant 0 : i32
        %parallel_loop3A_526 = arith.constant 0 : i32
        %parallel_loop3A_527 = tpu.memref_slice %arg10[%scan3A_218, %parallel_loop3A_524, %parallel_loop3A_525, %parallel_loop3A_526] : memref<3x2x40x128xf32, #tpu.memory_space<vmem>> -> memref<1x2x40x128xf32, #tpu.memory_space<vmem>>
        %parallel_loop3A_528 = tpu.memref_squeeze %parallel_loop3A_527 : memref<1x2x40x128xf32, #tpu.memory_space<vmem>> -> memref<2x40x128xf32, #tpu.memory_space<vmem>>
        %parallel_loop3A_529 = arith.index_cast %parallel_loop3A_523 : i32 to index
        %parallel_loop3A_530 = arith.index_cast %parallel_loop3A_484 : i32 to index
        %parallel_loop3A_531 = arith.constant 16 : index
        %parallel_loop3A_532 = tpu.vector_load %parallel_loop3A_528[%parallel_loop3A_529, %parallel_loop3A_530, %parallel_loop3A_531] {strides = array<i32>} : memref<2x40x128xf32, #tpu.memory_space<vmem>>, vector<1x1x16xf32>,
        %parallel_loop3A_533 = vector.shape_cast %parallel_loop3A_532 : vector<1x1x16xf32> to vector<16xf32>
        %parallel_loop3A_534 = arith.constant 1 : i32
        %parallel_loop3A_535 = arith.constant 0 : i32
        %parallel_loop3A_536 = arith.constant 0 : i32
        %parallel_loop3A_537 = arith.constant 0 : i32
        %parallel_loop3A_538 = tpu.memref_slice %arg10[%scan3A, %parallel_loop3A_535, %parallel_loop3A_536, %parallel_loop3A_537] : memref<3x2x40x128xf32, #tpu.memory_space<vmem>> -> memref<1x2x40x128xf32, #tpu.memory_space<vmem>>
        %parallel_loop3A_539 = tpu.memref_squeeze %parallel_loop3A_538 : memref<1x2x40x128xf32, #tpu.memory_space<vmem>> -> memref<2x40x128xf32, #tpu.memory_space<vmem>>
        %parallel_loop3A_540 = arith.index_cast %parallel_loop3A_534 : i32 to index
        %parallel_loop3A_541 = arith.index_cast %parallel_loop3A_484 : i32 to index
        %parallel_loop3A_542 = arith.constant 16 : index
        %parallel_loop3A_543 = tpu.vector_load %parallel_loop3A_539[%parallel_loop3A_540, %parallel_loop3A_541, %parallel_loop3A_542] {strides = array<i32>} : memref<2x40x128xf32, #tpu.memory_space<vmem>>, vector<1x1x16xf32>,
        %parallel_loop3A_544 = vector.shape_cast %parallel_loop3A_543 : vector<1x1x16xf32> to vector<16xf32>
        %parallel_loop3A_545 = arith.addf %parallel_loop3A_533, %parallel_loop3A_544 : vector<16xf32>
        %parallel_loop3A_546 = arith.constant 0.000000e+00 : f32
        %parallel_loop3A_547 = vector.broadcast %parallel_loop3A_546 : f32 to vector<16xf32>
        %parallel_loop3A_548 = arith.maximumf %parallel_loop3A_545, %parallel_loop3A_547 : vector<16xf32>
        %parallel_loop3A_549 = arith.constant 1 : i32
        %parallel_loop3A_550 = arith.constant 0 : i32
        %parallel_loop3A_551 = arith.constant 0 : i32
        %parallel_loop3A_552 = arith.constant 0 : i32
        %parallel_loop3A_553 = tpu.memref_slice %arg10[%scan3A_219, %parallel_loop3A_550, %parallel_loop3A_551, %parallel_loop3A_552] : memref<3x2x40x128xf32, #tpu.memory_space<vmem>> -> memref<1x2x40x128xf32, #tpu.memory_space<vmem>>
        %parallel_loop3A_554 = tpu.memref_squeeze %parallel_loop3A_553 : memref<1x2x40x128xf32, #tpu.memory_space<vmem>> -> memref<2x40x128xf32, #tpu.memory_space<vmem>>
        %parallel_loop3A_555 = arith.index_cast %parallel_loop3A_549 : i32 to index
        %parallel_loop3A_556 = arith.index_cast %parallel_loop3A_484 : i32 to index
        %parallel_loop3A_557 = arith.constant 16 : index
        %parallel_loop3A_558 = tpu.vector_load %parallel_loop3A_554[%parallel_loop3A_555, %parallel_loop3A_556, %parallel_loop3A_557] {strides = array<i32>} : memref<2x40x128xf32, #tpu.memory_space<vmem>>, vector<1x1x16xf32>,
        %parallel_loop3A_559 = vector.shape_cast %parallel_loop3A_558 : vector<1x1x16xf32> to vector<16xf32>
        %parallel_loop3A_560 = vector.shape_cast %parallel_loop3A_548 : vector<16xf32> to vector<1x1x16xf32>
        tpu.vector_store %parallel_loop3A_554[%parallel_loop3A_555, %parallel_loop3A_556, %parallel_loop3A_557], %parallel_loop3A_560 {strides = array<i32>} : memref<2x40x128xf32, #tpu.memory_space<vmem>>, vector<1x1x16xf32>,
        %parallel_loop3A_561 = arith.constant 1 : i32
        %parallel_loop3A_562 = arith.constant 0 : i32
        %parallel_loop3A_563 = arith.constant 0 : i32
        %parallel_loop3A_564 = arith.constant 0 : i32
        %parallel_loop3A_565 = tpu.memref_slice %arg10[%scan3A_218, %parallel_loop3A_562, %parallel_loop3A_563, %parallel_loop3A_564] : memref<3x2x40x128xf32, #tpu.memory_space<vmem>> -> memref<1x2x40x128xf32, #tpu.memory_space<vmem>>
        %parallel_loop3A_566 = tpu.memref_squeeze %parallel_loop3A_565 : memref<1x2x40x128xf32, #tpu.memory_space<vmem>> -> memref<2x40x128xf32, #tpu.memory_space<vmem>>
        %parallel_loop3A_567 = arith.index_cast %parallel_loop3A_561 : i32 to index
        %parallel_loop3A_568 = arith.index_cast %parallel_loop3A_484 : i32 to index
        %parallel_loop3A_569 = arith.constant 32 : index
        %parallel_loop3A_570 = tpu.vector_load %parallel_loop3A_566[%parallel_loop3A_567, %parallel_loop3A_568, %parallel_loop3A_569] {strides = array<i32>} : memref<2x40x128xf32, #tpu.memory_space<vmem>>, vector<1x1x16xf32>,
        %parallel_loop3A_571 = vector.shape_cast %parallel_loop3A_570 : vector<1x1x16xf32> to vector<16xf32>
        %parallel_loop3A_572 = arith.constant 1 : i32
        %parallel_loop3A_573 = arith.constant 0 : i32
        %parallel_loop3A_574 = arith.constant 0 : i32
        %parallel_loop3A_575 = arith.constant 0 : i32
        %parallel_loop3A_576 = tpu.memref_slice %arg10[%scan3A, %parallel_loop3A_573, %parallel_loop3A_574, %parallel_loop3A_575] : memref<3x2x40x128xf32, #tpu.memory_space<vmem>> -> memref<1x2x40x128xf32, #tpu.memory_space<vmem>>
        %parallel_loop3A_577 = tpu.memref_squeeze %parallel_loop3A_576 : memref<1x2x40x128xf32, #tpu.memory_space<vmem>> -> memref<2x40x128xf32, #tpu.memory_space<vmem>>
        %parallel_loop3A_578 = arith.index_cast %parallel_loop3A_572 : i32 to index
        %parallel_loop3A_579 = arith.index_cast %parallel_loop3A_484 : i32 to index
        %parallel_loop3A_580 = arith.constant 32 : index
        %parallel_loop3A_581 = tpu.vector_load %parallel_loop3A_577[%parallel_loop3A_578, %parallel_loop3A_579, %parallel_loop3A_580] {strides = array<i32>} : memref<2x40x128xf32, #tpu.memory_space<vmem>>, vector<1x1x16xf32>,
        %parallel_loop3A_582 = vector.shape_cast %parallel_loop3A_581 : vector<1x1x16xf32> to vector<16xf32>
        %parallel_loop3A_583 = arith.addf %parallel_loop3A_571, %parallel_loop3A_582 : vector<16xf32>
        %parallel_loop3A_584 = arith.constant 0.000000e+00 : f32
        %parallel_loop3A_585 = vector.broadcast %parallel_loop3A_584 : f32 to vector<16xf32>
        %parallel_loop3A_586 = arith.maximumf %parallel_loop3A_583, %parallel_loop3A_585 : vector<16xf32>
        %parallel_loop3A_587 = arith.constant 1 : i32
        %parallel_loop3A_588 = arith.constant 0 : i32
        %parallel_loop3A_589 = arith.constant 0 : i32
        %parallel_loop3A_590 = arith.constant 0 : i32
        %parallel_loop3A_591 = tpu.memref_slice %arg10[%scan3A_219, %parallel_loop3A_588, %parallel_loop3A_589, %parallel_loop3A_590] : memref<3x2x40x128xf32, #tpu.memory_space<vmem>> -> memref<1x2x40x128xf32, #tpu.memory_space<vmem>>
        %parallel_loop3A_592 = tpu.memref_squeeze %parallel_loop3A_591 : memref<1x2x40x128xf32, #tpu.memory_space<vmem>> -> memref<2x40x128xf32, #tpu.memory_space<vmem>>
        %parallel_loop3A_593 = arith.index_cast %parallel_loop3A_587 : i32 to index
        %parallel_loop3A_594 = arith.index_cast %parallel_loop3A_484 : i32 to index
        %parallel_loop3A_595 = arith.constant 32 : index
        %parallel_loop3A_596 = tpu.vector_load %parallel_loop3A_592[%parallel_loop3A_593, %parallel_loop3A_594, %parallel_loop3A_595] {strides = array<i32>} : memref<2x40x128xf32, #tpu.memory_space<vmem>>, vector<1x1x16xf32>,
        %parallel_loop3A_597 = vector.shape_cast %parallel_loop3A_596 : vector<1x1x16xf32> to vector<16xf32>
        %parallel_loop3A_598 = vector.shape_cast %parallel_loop3A_586 : vector<16xf32> to vector<1x1x16xf32>
        tpu.vector_store %parallel_loop3A_592[%parallel_loop3A_593, %parallel_loop3A_594, %parallel_loop3A_595], %parallel_loop3A_598 {strides = array<i32>} : memref<2x40x128xf32, #tpu.memory_space<vmem>>, vector<1x1x16xf32>,
        %parallel_loop3A_599 = arith.constant 1 : i32
        %parallel_loop3A_600 = arith.constant 0 : i32
        %parallel_loop3A_601 = arith.constant 0 : i32
        %parallel_loop3A_602 = arith.constant 0 : i32
        %parallel_loop3A_603 = tpu.memref_slice %arg10[%scan3A_218, %parallel_loop3A_600, %parallel_loop3A_601, %parallel_loop3A_602] : memref<3x2x40x128xf32, #tpu.memory_space<vmem>> -> memref<1x2x40x128xf32, #tpu.memory_space<vmem>>
        %parallel_loop3A_604 = tpu.memref_squeeze %parallel_loop3A_603 : memref<1x2x40x128xf32, #tpu.memory_space<vmem>> -> memref<2x40x128xf32, #tpu.memory_space<vmem>>
        %parallel_loop3A_605 = arith.index_cast %parallel_loop3A_599 : i32 to index
        %parallel_loop3A_606 = arith.index_cast %parallel_loop3A_484 : i32 to index
        %parallel_loop3A_607 = arith.constant 48 : index
        %parallel_loop3A_608 = tpu.vector_load %parallel_loop3A_604[%parallel_loop3A_605, %parallel_loop3A_606, %parallel_loop3A_607] {strides = array<i32>} : memref<2x40x128xf32, #tpu.memory_space<vmem>>, vector<1x1x16xf32>,
        %parallel_loop3A_609 = vector.shape_cast %parallel_loop3A_608 : vector<1x1x16xf32> to vector<16xf32>
        %parallel_loop3A_610 = arith.constant 1 : i32
        %parallel_loop3A_611 = arith.constant 0 : i32
        %parallel_loop3A_612 = arith.constant 0 : i32
        %parallel_loop3A_613 = arith.constant 0 : i32
        %parallel_loop3A_614 = tpu.memref_slice %arg10[%scan3A, %parallel_loop3A_611, %parallel_loop3A_612, %parallel_loop3A_613] : memref<3x2x40x128xf32, #tpu.memory_space<vmem>> -> memref<1x2x40x128xf32, #tpu.memory_space<vmem>>
        %parallel_loop3A_615 = tpu.memref_squeeze %parallel_loop3A_614 : memref<1x2x40x128xf32, #tpu.memory_space<vmem>> -> memref<2x40x128xf32, #tpu.memory_space<vmem>>
        %parallel_loop3A_616 = arith.index_cast %parallel_loop3A_610 : i32 to index
        %parallel_loop3A_617 = arith.index_cast %parallel_loop3A_484 : i32 to index
        %parallel_loop3A_618 = arith.constant 48 : index
        %parallel_loop3A_619 = tpu.vector_load %parallel_loop3A_615[%parallel_loop3A_616, %parallel_loop3A_617, %parallel_loop3A_618] {strides = array<i32>} : memref<2x40x128xf32, #tpu.memory_space<vmem>>, vector<1x1x16xf32>,
        %parallel_loop3A_620 = vector.shape_cast %parallel_loop3A_619 : vector<1x1x16xf32> to vector<16xf32>
        %parallel_loop3A_621 = arith.addf %parallel_loop3A_609, %parallel_loop3A_620 : vector<16xf32>
        %parallel_loop3A_622 = arith.constant 0.000000e+00 : f32
        %parallel_loop3A_623 = vector.broadcast %parallel_loop3A_622 : f32 to vector<16xf32>
        %parallel_loop3A_624 = arith.maximumf %parallel_loop3A_621, %parallel_loop3A_623 : vector<16xf32>
        %parallel_loop3A_625 = arith.constant 1 : i32
        %parallel_loop3A_626 = arith.constant 0 : i32
        %parallel_loop3A_627 = arith.constant 0 : i32
        %parallel_loop3A_628 = arith.constant 0 : i32
        %parallel_loop3A_629 = tpu.memref_slice %arg10[%scan3A_219, %parallel_loop3A_626, %parallel_loop3A_627, %parallel_loop3A_628] : memref<3x2x40x128xf32, #tpu.memory_space<vmem>> -> memref<1x2x40x128xf32, #tpu.memory_space<vmem>>
        %parallel_loop3A_630 = tpu.memref_squeeze %parallel_loop3A_629 : memref<1x2x40x128xf32, #tpu.memory_space<vmem>> -> memref<2x40x128xf32, #tpu.memory_space<vmem>>
        %parallel_loop3A_631 = arith.index_cast %parallel_loop3A_625 : i32 to index
        %parallel_loop3A_632 = arith.index_cast %parallel_loop3A_484 : i32 to index
        %parallel_loop3A_633 = arith.constant 48 : index
        %parallel_loop3A_634 = tpu.vector_load %parallel_loop3A_630[%parallel_loop3A_631, %parallel_loop3A_632, %parallel_loop3A_633] {strides = array<i32>} : memref<2x40x128xf32, #tpu.memory_space<vmem>>, vector<1x1x16xf32>,
        %parallel_loop3A_635 = vector.shape_cast %parallel_loop3A_634 : vector<1x1x16xf32> to vector<16xf32>
        %parallel_loop3A_636 = vector.shape_cast %parallel_loop3A_624 : vector<16xf32> to vector<1x1x16xf32>
        tpu.vector_store %parallel_loop3A_630[%parallel_loop3A_631, %parallel_loop3A_632, %parallel_loop3A_633], %parallel_loop3A_636 {strides = array<i32>} : memref<2x40x128xf32, #tpu.memory_space<vmem>>, vector<1x1x16xf32>,
        %parallel_loop3A_637 = arith.constant 1 : i32
        %parallel_loop3A_638 = arith.constant 0 : i32
        %parallel_loop3A_639 = arith.constant 0 : i32
        %parallel_loop3A_640 = arith.constant 0 : i32
        %parallel_loop3A_641 = tpu.memref_slice %arg10[%scan3A_218, %parallel_loop3A_638, %parallel_loop3A_639, %parallel_loop3A_640] : memref<3x2x40x128xf32, #tpu.memory_space<vmem>> -> memref<1x2x40x128xf32, #tpu.memory_space<vmem>>
        %parallel_loop3A_642 = tpu.memref_squeeze %parallel_loop3A_641 : memref<1x2x40x128xf32, #tpu.memory_space<vmem>> -> memref<2x40x128xf32, #tpu.memory_space<vmem>>
        %parallel_loop3A_643 = arith.index_cast %parallel_loop3A_637 : i32 to index
        %parallel_loop3A_644 = arith.index_cast %parallel_loop3A_484 : i32 to index
        %parallel_loop3A_645 = arith.constant 64 : index
        %parallel_loop3A_646 = tpu.vector_load %parallel_loop3A_642[%parallel_loop3A_643, %parallel_loop3A_644, %parallel_loop3A_645] {strides = array<i32>} : memref<2x40x128xf32, #tpu.memory_space<vmem>>, vector<1x1x16xf32>,
        %parallel_loop3A_647 = vector.shape_cast %parallel_loop3A_646 : vector<1x1x16xf32> to vector<16xf32>
        %parallel_loop3A_648 = arith.constant 1 : i32
        %parallel_loop3A_649 = arith.constant 0 : i32
        %parallel_loop3A_650 = arith.constant 0 : i32
        %parallel_loop3A_651 = arith.constant 0 : i32
        %parallel_loop3A_652 = tpu.memref_slice %arg10[%scan3A, %parallel_loop3A_649, %parallel_loop3A_650, %parallel_loop3A_651] : memref<3x2x40x128xf32, #tpu.memory_space<vmem>> -> memref<1x2x40x128xf32, #tpu.memory_space<vmem>>
        %parallel_loop3A_653 = tpu.memref_squeeze %parallel_loop3A_652 : memref<1x2x40x128xf32, #tpu.memory_space<vmem>> -> memref<2x40x128xf32, #tpu.memory_space<vmem>>
        %parallel_loop3A_654 = arith.index_cast %parallel_loop3A_648 : i32 to index
        %parallel_loop3A_655 = arith.index_cast %parallel_loop3A_484 : i32 to index
        %parallel_loop3A_656 = arith.constant 64 : index
        %parallel_loop3A_657 = tpu.vector_load %parallel_loop3A_653[%parallel_loop3A_654, %parallel_loop3A_655, %parallel_loop3A_656] {strides = array<i32>} : memref<2x40x128xf32, #tpu.memory_space<vmem>>, vector<1x1x16xf32>,
        %parallel_loop3A_658 = vector.shape_cast %parallel_loop3A_657 : vector<1x1x16xf32> to vector<16xf32>
        %parallel_loop3A_659 = arith.addf %parallel_loop3A_647, %parallel_loop3A_658 : vector<16xf32>
        %parallel_loop3A_660 = arith.constant 0.000000e+00 : f32
        %parallel_loop3A_661 = vector.broadcast %parallel_loop3A_660 : f32 to vector<16xf32>
        %parallel_loop3A_662 = arith.maximumf %parallel_loop3A_659, %parallel_loop3A_661 : vector<16xf32>
        %parallel_loop3A_663 = arith.constant 1 : i32
        %parallel_loop3A_664 = arith.constant 0 : i32
        %parallel_loop3A_665 = arith.constant 0 : i32
        %parallel_loop3A_666 = arith.constant 0 : i32
        %parallel_loop3A_667 = tpu.memref_slice %arg10[%scan3A_219, %parallel_loop3A_664, %parallel_loop3A_665, %parallel_loop3A_666] : memref<3x2x40x128xf32, #tpu.memory_space<vmem>> -> memref<1x2x40x128xf32, #tpu.memory_space<vmem>>
        %parallel_loop3A_668 = tpu.memref_squeeze %parallel_loop3A_667 : memref<1x2x40x128xf32, #tpu.memory_space<vmem>> -> memref<2x40x128xf32, #tpu.memory_space<vmem>>
        %parallel_loop3A_669 = arith.index_cast %parallel_loop3A_663 : i32 to index
        %parallel_loop3A_670 = arith.index_cast %parallel_loop3A_484 : i32 to index
        %parallel_loop3A_671 = arith.constant 64 : index
        %parallel_loop3A_672 = tpu.vector_load %parallel_loop3A_668[%parallel_loop3A_669, %parallel_loop3A_670, %parallel_loop3A_671] {strides = array<i32>} : memref<2x40x128xf32, #tpu.memory_space<vmem>>, vector<1x1x16xf32>,
        %parallel_loop3A_673 = vector.shape_cast %parallel_loop3A_672 : vector<1x1x16xf32> to vector<16xf32>
        %parallel_loop3A_674 = vector.shape_cast %parallel_loop3A_662 : vector<16xf32> to vector<1x1x16xf32>
        tpu.vector_store %parallel_loop3A_668[%parallel_loop3A_669, %parallel_loop3A_670, %parallel_loop3A_671], %parallel_loop3A_674 {strides = array<i32>} : memref<2x40x128xf32, #tpu.memory_space<vmem>>, vector<1x1x16xf32>,
        %parallel_loop3A_675 = arith.constant 1 : i32
        %parallel_loop3A_676 = arith.constant 0 : i32
        %parallel_loop3A_677 = arith.constant 0 : i32
        %parallel_loop3A_678 = arith.constant 0 : i32
        %parallel_loop3A_679 = tpu.memref_slice %arg10[%scan3A_218, %parallel_loop3A_676, %parallel_loop3A_677, %parallel_loop3A_678] : memref<3x2x40x128xf32, #tpu.memory_space<vmem>> -> memref<1x2x40x128xf32, #tpu.memory_space<vmem>>
        %parallel_loop3A_680 = tpu.memref_squeeze %parallel_loop3A_679 : memref<1x2x40x128xf32, #tpu.memory_space<vmem>> -> memref<2x40x128xf32, #tpu.memory_space<vmem>>
        %parallel_loop3A_681 = arith.index_cast %parallel_loop3A_675 : i32 to index
        %parallel_loop3A_682 = arith.index_cast %parallel_loop3A_484 : i32 to index
        %parallel_loop3A_683 = arith.constant 80 : index
        %parallel_loop3A_684 = tpu.vector_load %parallel_loop3A_680[%parallel_loop3A_681, %parallel_loop3A_682, %parallel_loop3A_683] {strides = array<i32>} : memref<2x40x128xf32, #tpu.memory_space<vmem>>, vector<1x1x16xf32>,
        %parallel_loop3A_685 = vector.shape_cast %parallel_loop3A_684 : vector<1x1x16xf32> to vector<16xf32>
        %parallel_loop3A_686 = arith.constant 1 : i32
        %parallel_loop3A_687 = arith.constant 0 : i32
        %parallel_loop3A_688 = arith.constant 0 : i32
        %parallel_loop3A_689 = arith.constant 0 : i32
        %parallel_loop3A_690 = tpu.memref_slice %arg10[%scan3A, %parallel_loop3A_687, %parallel_loop3A_688, %parallel_loop3A_689] : memref<3x2x40x128xf32, #tpu.memory_space<vmem>> -> memref<1x2x40x128xf32, #tpu.memory_space<vmem>>
        %parallel_loop3A_691 = tpu.memref_squeeze %parallel_loop3A_690 : memref<1x2x40x128xf32, #tpu.memory_space<vmem>> -> memref<2x40x128xf32, #tpu.memory_space<vmem>>
        %parallel_loop3A_692 = arith.index_cast %parallel_loop3A_686 : i32 to index
        %parallel_loop3A_693 = arith.index_cast %parallel_loop3A_484 : i32 to index
        %parallel_loop3A_694 = arith.constant 80 : index
        %parallel_loop3A_695 = tpu.vector_load %parallel_loop3A_691[%parallel_loop3A_692, %parallel_loop3A_693, %parallel_loop3A_694] {strides = array<i32>} : memref<2x40x128xf32, #tpu.memory_space<vmem>>, vector<1x1x16xf32>,
        %parallel_loop3A_696 = vector.shape_cast %parallel_loop3A_695 : vector<1x1x16xf32> to vector<16xf32>
        %parallel_loop3A_697 = arith.addf %parallel_loop3A_685, %parallel_loop3A_696 : vector<16xf32>
        %parallel_loop3A_698 = arith.constant 0.000000e+00 : f32
        %parallel_loop3A_699 = vector.broadcast %parallel_loop3A_698 : f32 to vector<16xf32>
        %parallel_loop3A_700 = arith.maximumf %parallel_loop3A_697, %parallel_loop3A_699 : vector<16xf32>
        %parallel_loop3A_701 = arith.constant 1 : i32
        %parallel_loop3A_702 = arith.constant 0 : i32
        %parallel_loop3A_703 = arith.constant 0 : i32
        %parallel_loop3A_704 = arith.constant 0 : i32
        %parallel_loop3A_705 = tpu.memref_slice %arg10[%scan3A_219, %parallel_loop3A_702, %parallel_loop3A_703, %parallel_loop3A_704] : memref<3x2x40x128xf32, #tpu.memory_space<vmem>> -> memref<1x2x40x128xf32, #tpu.memory_space<vmem>>
        %parallel_loop3A_706 = tpu.memref_squeeze %parallel_loop3A_705 : memref<1x2x40x128xf32, #tpu.memory_space<vmem>> -> memref<2x40x128xf32, #tpu.memory_space<vmem>>
        %parallel_loop3A_707 = arith.index_cast %parallel_loop3A_701 : i32 to index
        %parallel_loop3A_708 = arith.index_cast %parallel_loop3A_484 : i32 to index
        %parallel_loop3A_709 = arith.constant 80 : index
        %parallel_loop3A_710 = tpu.vector_load %parallel_loop3A_706[%parallel_loop3A_707, %parallel_loop3A_708, %parallel_loop3A_709] {strides = array<i32>} : memref<2x40x128xf32, #tpu.memory_space<vmem>>, vector<1x1x16xf32>,
        %parallel_loop3A_711 = vector.shape_cast %parallel_loop3A_710 : vector<1x1x16xf32> to vector<16xf32>
        %parallel_loop3A_712 = vector.shape_cast %parallel_loop3A_700 : vector<16xf32> to vector<1x1x16xf32>
        tpu.vector_store %parallel_loop3A_706[%parallel_loop3A_707, %parallel_loop3A_708, %parallel_loop3A_709], %parallel_loop3A_712 {strides = array<i32>} : memref<2x40x128xf32, #tpu.memory_space<vmem>>, vector<1x1x16xf32>,
        %parallel_loop3A_713 = arith.constant 1 : i32
        %parallel_loop3A_714 = arith.constant 0 : i32
        %parallel_loop3A_715 = arith.constant 0 : i32
        %parallel_loop3A_716 = arith.constant 0 : i32
        %parallel_loop3A_717 = tpu.memref_slice %arg10[%scan3A_218, %parallel_loop3A_714, %parallel_loop3A_715, %parallel_loop3A_716] : memref<3x2x40x128xf32, #tpu.memory_space<vmem>> -> memref<1x2x40x128xf32, #tpu.memory_space<vmem>>
        %parallel_loop3A_718 = tpu.memref_squeeze %parallel_loop3A_717 : memref<1x2x40x128xf32, #tpu.memory_space<vmem>> -> memref<2x40x128xf32, #tpu.memory_space<vmem>>
        %parallel_loop3A_719 = arith.index_cast %parallel_loop3A_713 : i32 to index
        %parallel_loop3A_720 = arith.index_cast %parallel_loop3A_484 : i32 to index
        %parallel_loop3A_721 = arith.constant 96 : index
        %parallel_loop3A_722 = tpu.vector_load %parallel_loop3A_718[%parallel_loop3A_719, %parallel_loop3A_720, %parallel_loop3A_721] {strides = array<i32>} : memref<2x40x128xf32, #tpu.memory_space<vmem>>, vector<1x1x16xf32>,
        %parallel_loop3A_723 = vector.shape_cast %parallel_loop3A_722 : vector<1x1x16xf32> to vector<16xf32>
        %parallel_loop3A_724 = arith.constant 1 : i32
        %parallel_loop3A_725 = arith.constant 0 : i32
        %parallel_loop3A_726 = arith.constant 0 : i32
        %parallel_loop3A_727 = arith.constant 0 : i32
        %parallel_loop3A_728 = tpu.memref_slice %arg10[%scan3A, %parallel_loop3A_725, %parallel_loop3A_726, %parallel_loop3A_727] : memref<3x2x40x128xf32, #tpu.memory_space<vmem>> -> memref<1x2x40x128xf32, #tpu.memory_space<vmem>>
        %parallel_loop3A_729 = tpu.memref_squeeze %parallel_loop3A_728 : memref<1x2x40x128xf32, #tpu.memory_space<vmem>> -> memref<2x40x128xf32, #tpu.memory_space<vmem>>
        %parallel_loop3A_730 = arith.index_cast %parallel_loop3A_724 : i32 to index
        %parallel_loop3A_731 = arith.index_cast %parallel_loop3A_484 : i32 to index
        %parallel_loop3A_732 = arith.constant 96 : index
        %parallel_loop3A_733 = tpu.vector_load %parallel_loop3A_729[%parallel_loop3A_730, %parallel_loop3A_731, %parallel_loop3A_732] {strides = array<i32>} : memref<2x40x128xf32, #tpu.memory_space<vmem>>, vector<1x1x16xf32>,
        %parallel_loop3A_734 = vector.shape_cast %parallel_loop3A_733 : vector<1x1x16xf32> to vector<16xf32>
        %parallel_loop3A_735 = arith.addf %parallel_loop3A_723, %parallel_loop3A_734 : vector<16xf32>
        %parallel_loop3A_736 = arith.constant 0.000000e+00 : f32
        %parallel_loop3A_737 = vector.broadcast %parallel_loop3A_736 : f32 to vector<16xf32>
        %parallel_loop3A_738 = arith.maximumf %parallel_loop3A_735, %parallel_loop3A_737 : vector<16xf32>
        %parallel_loop3A_739 = arith.constant 1 : i32
        %parallel_loop3A_740 = arith.constant 0 : i32
        %parallel_loop3A_741 = arith.constant 0 : i32
        %parallel_loop3A_742 = arith.constant 0 : i32
        %parallel_loop3A_743 = tpu.memref_slice %arg10[%scan3A_219, %parallel_loop3A_740, %parallel_loop3A_741, %parallel_loop3A_742] : memref<3x2x40x128xf32, #tpu.memory_space<vmem>> -> memref<1x2x40x128xf32, #tpu.memory_space<vmem>>
        %parallel_loop3A_744 = tpu.memref_squeeze %parallel_loop3A_743 : memref<1x2x40x128xf32, #tpu.memory_space<vmem>> -> memref<2x40x128xf32, #tpu.memory_space<vmem>>
        %parallel_loop3A_745 = arith.index_cast %parallel_loop3A_739 : i32 to index
        %parallel_loop3A_746 = arith.index_cast %parallel_loop3A_484 : i32 to index
        %parallel_loop3A_747 = arith.constant 96 : index
        %parallel_loop3A_748 = tpu.vector_load %parallel_loop3A_744[%parallel_loop3A_745, %parallel_loop3A_746, %parallel_loop3A_747] {strides = array<i32>} : memref<2x40x128xf32, #tpu.memory_space<vmem>>, vector<1x1x16xf32>,
        %parallel_loop3A_749 = vector.shape_cast %parallel_loop3A_748 : vector<1x1x16xf32> to vector<16xf32>
        %parallel_loop3A_750 = vector.shape_cast %parallel_loop3A_738 : vector<16xf32> to vector<1x1x16xf32>
        tpu.vector_store %parallel_loop3A_744[%parallel_loop3A_745, %parallel_loop3A_746, %parallel_loop3A_747], %parallel_loop3A_750 {strides = array<i32>} : memref<2x40x128xf32, #tpu.memory_space<vmem>>, vector<1x1x16xf32>,
        %parallel_loop3A_751 = arith.constant 1 : i32
        %parallel_loop3A_752 = arith.constant 0 : i32
        %parallel_loop3A_753 = arith.constant 0 : i32
        %parallel_loop3A_754 = arith.constant 0 : i32
        %parallel_loop3A_755 = tpu.memref_slice %arg10[%scan3A_218, %parallel_loop3A_752, %parallel_loop3A_753, %parallel_loop3A_754] : memref<3x2x40x128xf32, #tpu.memory_space<vmem>> -> memref<1x2x40x128xf32, #tpu.memory_space<vmem>>
        %parallel_loop3A_756 = tpu.memref_squeeze %parallel_loop3A_755 : memref<1x2x40x128xf32, #tpu.memory_space<vmem>> -> memref<2x40x128xf32, #tpu.memory_space<vmem>>
        %parallel_loop3A_757 = arith.index_cast %parallel_loop3A_751 : i32 to index
        %parallel_loop3A_758 = arith.index_cast %parallel_loop3A_484 : i32 to index
        %parallel_loop3A_759 = arith.constant 112 : index
        %parallel_loop3A_760 = tpu.vector_load %parallel_loop3A_756[%parallel_loop3A_757, %parallel_loop3A_758, %parallel_loop3A_759] {strides = array<i32>} : memref<2x40x128xf32, #tpu.memory_space<vmem>>, vector<1x1x16xf32>,
        %parallel_loop3A_761 = vector.shape_cast %parallel_loop3A_760 : vector<1x1x16xf32> to vector<16xf32>
        %parallel_loop3A_762 = arith.constant 1 : i32
        %parallel_loop3A_763 = arith.constant 0 : i32
        %parallel_loop3A_764 = arith.constant 0 : i32
        %parallel_loop3A_765 = arith.constant 0 : i32
        %parallel_loop3A_766 = tpu.memref_slice %arg10[%scan3A, %parallel_loop3A_763, %parallel_loop3A_764, %parallel_loop3A_765] : memref<3x2x40x128xf32, #tpu.memory_space<vmem>> -> memref<1x2x40x128xf32, #tpu.memory_space<vmem>>
        %parallel_loop3A_767 = tpu.memref_squeeze %parallel_loop3A_766 : memref<1x2x40x128xf32, #tpu.memory_space<vmem>> -> memref<2x40x128xf32, #tpu.memory_space<vmem>>
        %parallel_loop3A_768 = arith.index_cast %parallel_loop3A_762 : i32 to index
        %parallel_loop3A_769 = arith.index_cast %parallel_loop3A_484 : i32 to index
        %parallel_loop3A_770 = arith.constant 112 : index
        %parallel_loop3A_771 = tpu.vector_load %parallel_loop3A_767[%parallel_loop3A_768, %parallel_loop3A_769, %parallel_loop3A_770] {strides = array<i32>} : memref<2x40x128xf32, #tpu.memory_space<vmem>>, vector<1x1x16xf32>,
        %parallel_loop3A_772 = vector.shape_cast %parallel_loop3A_771 : vector<1x1x16xf32> to vector<16xf32>
        %parallel_loop3A_773 = arith.addf %parallel_loop3A_761, %parallel_loop3A_772 : vector<16xf32>
        %parallel_loop3A_774 = arith.constant 0.000000e+00 : f32
        %parallel_loop3A_775 = vector.broadcast %parallel_loop3A_774 : f32 to vector<16xf32>
        %parallel_loop3A_776 = arith.maximumf %parallel_loop3A_773, %parallel_loop3A_775 : vector<16xf32>
        %parallel_loop3A_777 = arith.constant 1 : i32
        %parallel_loop3A_778 = arith.constant 0 : i32
        %parallel_loop3A_779 = arith.constant 0 : i32
        %parallel_loop3A_780 = arith.constant 0 : i32
        %parallel_loop3A_781 = tpu.memref_slice %arg10[%scan3A_219, %parallel_loop3A_778, %parallel_loop3A_779, %parallel_loop3A_780] : memref<3x2x40x128xf32, #tpu.memory_space<vmem>> -> memref<1x2x40x128xf32, #tpu.memory_space<vmem>>
        %parallel_loop3A_782 = tpu.memref_squeeze %parallel_loop3A_781 : memref<1x2x40x128xf32, #tpu.memory_space<vmem>> -> memref<2x40x128xf32, #tpu.memory_space<vmem>>
        %parallel_loop3A_783 = arith.index_cast %parallel_loop3A_777 : i32 to index
        %parallel_loop3A_784 = arith.index_cast %parallel_loop3A_484 : i32 to index
        %parallel_loop3A_785 = arith.constant 112 : index
        %parallel_loop3A_786 = tpu.vector_load %parallel_loop3A_782[%parallel_loop3A_783, %parallel_loop3A_784, %parallel_loop3A_785] {strides = array<i32>} : memref<2x40x128xf32, #tpu.memory_space<vmem>>, vector<1x1x16xf32>,
        %parallel_loop3A_787 = vector.shape_cast %parallel_loop3A_786 : vector<1x1x16xf32> to vector<16xf32>
        %parallel_loop3A_788 = vector.shape_cast %parallel_loop3A_776 : vector<16xf32> to vector<1x1x16xf32>
        tpu.vector_store %parallel_loop3A_782[%parallel_loop3A_783, %parallel_loop3A_784, %parallel_loop3A_785], %parallel_loop3A_788 {strides = array<i32>} : memref<2x40x128xf32, #tpu.memory_space<vmem>>, vector<1x1x16xf32>,
      } {sc.loop_unroll_factor = 4 : i64, sc.parallel_access}
      %eq3A_453 = arith.constant 0 : i32
      %eq3A_454 = arith.cmpi eq, %rem3A_378, %eq3A_453 : i32
      %convert_element_type3A_455 = arith.extui %eq3A_454 : i1 to i32
      %cond3A_456 = arith.constant 0 : i32
      %cond3A_457 = arith.cmpi ne, %convert_element_type3A_455, %cond3A_456 : i32
      scf.if %cond3A_457 {
        %dma_wait3A_484 = arith.constant 0 : i32
        %dma_wait3A_485 = arith.constant 0 : i32
        %dma_wait3A_486 = arith.constant 0 : i32
        %dma_wait3A_487 = tpu.memref_slice %arg9[%rem3A_382, %dma_wait3A_485, %dma_wait3A_486] : memref<2x10x40xi32, #tpu.memory_space<vmem>> -> memref<1x10x40xi32, #tpu.memory_space<vmem>>
        %dma_wait3A_488 = tpu.memref_squeeze %dma_wait3A_487 : memref<1x10x40xi32, #tpu.memory_space<vmem>> -> memref<10x40xi32, #tpu.memory_space<vmem>>
        %dma_wait3A_489 = arith.constant 0 : i32
        %dma_wait3A_490 = arith.constant 0 : i32
        %dma_wait3A_491 = tpu.memref_slice %arg4[%add3A, %dma_wait3A_484, %dma_wait3A_489, %dma_wait3A_490] : memref<32x25x10x40xi32, #tpu.memory_space<hbm>> -> memref<1x1x10x40xi32, #tpu.memory_space<hbm>>
        %dma_wait3A_492 = tpu.memref_squeeze %dma_wait3A_491 : memref<1x1x10x40xi32, #tpu.memory_space<hbm>> -> memref<10x40xi32, #tpu.memory_space<hbm>>
        %dma_wait3A_493 = tpu.memref_slice %arg13[%rem3A_382] : memref<2x!tpu.dma_semaphore, #tpu.memory_space<semaphore_mem>> -> memref<1x!tpu.dma_semaphore, #tpu.memory_space<semaphore_mem>>
        %dma_wait3A_494 = tpu.memref_squeeze %dma_wait3A_493 : memref<1x!tpu.dma_semaphore, #tpu.memory_space<semaphore_mem>> -> memref<!tpu.dma_semaphore, #tpu.memory_space<semaphore_mem>>
        %dma_wait3A_495 = arith.constant 0 : i32
        %dma_wait3A_496 = arith.constant 0 : i32
        %dma_wait3A_497 = tpu.memref_slice %arg9[%rem3A_382, %dma_wait3A_495, %dma_wait3A_496] : memref<2x10x40xi32, #tpu.memory_space<vmem>> -> memref<1x10x40xi32, #tpu.memory_space<vmem>>
        %dma_wait3A_498 = tpu.memref_squeeze %dma_wait3A_497 : memref<1x10x40xi32, #tpu.memory_space<vmem>> -> memref<10x40xi32, #tpu.memory_space<vmem>>
        %dma_wait3A_499 = arith.constant 0 : i32
        %dma_wait3A_500 = arith.constant 0 : i32
        %dma_wait3A_501 = tpu.memref_slice %arg4[%add3A, %dma_wait3A_484, %dma_wait3A_499, %dma_wait3A_500] : memref<32x25x10x40xi32, #tpu.memory_space<hbm>> -> memref<1x1x10x40xi32, #tpu.memory_space<hbm>>
        %dma_wait3A_502 = tpu.memref_squeeze %dma_wait3A_501 : memref<1x1x10x40xi32, #tpu.memory_space<hbm>> -> memref<10x40xi32, #tpu.memory_space<hbm>>
        tpu.wait_dma2 semaphore(%dma_wait3A_494 : memref<!tpu.dma_semaphore, #tpu.memory_space<semaphore_mem>>) src(%dma_wait3A_502 : memref<10x40xi32, #tpu.memory_space<hbm>>) dst(%dma_wait3A_498 : memref<10x40xi32, #tpu.memory_space<vmem>>)
      } else {
      }
      %dma_start3A_458 = arith.constant 1 : i32
      %dma_start3A_459 = arith.constant 1 : i32
      %dma_start3A_460 = arith.constant 0 : i32
      %dma_start3A_461 = arith.constant 0 : i32
      %dma_start3A_462 = arith.constant 0 : i32
      %dma_start3A_463 = tpu.memref_slice %arg10[%scan3A_219, %dma_start3A_460, %dma_start3A_461, %dma_start3A_462] : memref<3x2x40x128xf32, #tpu.memory_space<vmem>> -> memref<1x2x40x128xf32, #tpu.memory_space<vmem>>
      %dma_start3A_464 = tpu.memref_squeeze %dma_start3A_463 : memref<1x2x40x128xf32, #tpu.memory_space<vmem>> -> memref<2x40x128xf32, #tpu.memory_space<vmem>>
      %dma_start3A_465 = arith.constant 0 : i32
      %dma_start3A_466 = arith.constant 0 : i32
      %dma_start3A_467 = tpu.memref_slice %dma_start3A_464[%dma_start3A_458, %dma_start3A_465, %dma_start3A_466] : memref<2x40x128xf32, #tpu.memory_space<vmem>> -> memref<1x40x128xf32, #tpu.memory_space<vmem>>
      %dma_start3A_468 = tpu.memref_squeeze %dma_start3A_467 : memref<1x40x128xf32, #tpu.memory_space<vmem>> -> memref<40x128xf32, #tpu.memory_space<vmem>>
      %dma_start3A_469 = arith.constant 0 : i32
      %dma_start3A_470 = tpu.memref_slice %arg9[%rem3A_382, %rem3A_378, %dma_start3A_469] : memref<2x10x40xi32, #tpu.memory_space<vmem>> -> memref<1x1x40xi32, #tpu.memory_space<vmem>>
      %dma_start3A_471 = tpu.memref_squeeze %dma_start3A_470 : memref<1x1x40xi32, #tpu.memory_space<vmem>> -> memref<40xi32, #tpu.memory_space<vmem>>
      %dma_start3A_472 = arith.constant 0 : i32
      %dma_start3A_473 = arith.constant 0 : i32
      %dma_start3A_474 = tpu.memref_slice %arg11[%dma_start3A_472, %dma_start3A_473] : memref<10000x128xf32, #tpu.memory_space<vmem_shared>> -> memref<10000x128xf32, #tpu.memory_space<vmem_shared>>
      %dma_start3A_475 = tpu.memref_slice %arg16[%dma_start3A_459] : memref<2x!tpu.dma_semaphore, #tpu.memory_space<semaphore_mem>> -> memref<1x!tpu.dma_semaphore, #tpu.memory_space<semaphore_mem>>
      %dma_start3A_476 = tpu.memref_squeeze %dma_start3A_475 : memref<1x!tpu.dma_semaphore, #tpu.memory_space<semaphore_mem>> -> memref<!tpu.dma_semaphore, #tpu.memory_space<semaphore_mem>>
      tpu.enqueue_indirect_dma source(%dma_start3A_468 : memref<40x128xf32, #tpu.memory_space<vmem>>) target(%dma_start3A_474 : memref<10000x128xf32, #tpu.memory_space<vmem_shared>>) offsets(%dma_start3A_471 : memref<40xi32, #tpu.memory_space<vmem>>) semaphore(%dma_start3A_476 : memref<!tpu.dma_semaphore, #tpu.memory_space<semaphore_mem>>) {add = true}
      %add3A_477 = arith.constant 2 : i32
      %add3A_478 = arith.addi %add3A_376, %add3A_477 : i32
      %lt3A_479 = arith.constant 250 : i32
      %lt3A_480 = arith.cmpi slt, %add3A_478, %lt3A_479 : i32
      %convert_element_type3A_481 = arith.extui %lt3A_480 : i1 to i32
      %cond3A_482 = arith.constant 0 : i32
      %cond3A_483 = arith.cmpi ne, %convert_element_type3A_481, %cond3A_482 : i32
      scf.if %cond3A_483 {
        %add3A_484 = arith.constant 2 : i32
        %add3A_485 = arith.addi %add3A_376, %add3A_484 : i32
        %dma_start3A_486 = arith.constant 1 : i32
        %dma_start3A_487 = arith.constant 1 : i32
        %dma_start3A_488 = arith.constant 0 : i32
        %dma_start3A_489 = arith.constant 0 : i32
        %dma_start3A_490 = arith.constant 0 : i32
        %dma_start3A_491 = tpu.memref_slice %arg10[%scan3A, %dma_start3A_488, %dma_start3A_489, %dma_start3A_490] : memref<3x2x40x128xf32, #tpu.memory_space<vmem>> -> memref<1x2x40x128xf32, #tpu.memory_space<vmem>>
        %dma_start3A_492 = tpu.memref_squeeze %dma_start3A_491 : memref<1x2x40x128xf32, #tpu.memory_space<vmem>> -> memref<2x40x128xf32, #tpu.memory_space<vmem>>
        %dma_start3A_493 = arith.constant 0 : i32
        %dma_start3A_494 = arith.constant 0 : i32
        %dma_start3A_495 = tpu.memref_slice %dma_start3A_492[%dma_start3A_486, %dma_start3A_493, %dma_start3A_494] : memref<2x40x128xf32, #tpu.memory_space<vmem>> -> memref<1x40x128xf32, #tpu.memory_space<vmem>>
        %dma_start3A_496 = tpu.memref_squeeze %dma_start3A_495 : memref<1x40x128xf32, #tpu.memory_space<vmem>> -> memref<40x128xf32, #tpu.memory_space<vmem>>
        %dma_start3A_497 = arith.constant 0 : i32
        %dma_start3A_498 = arith.constant 0 : i32
        %dma_start3A_499 = tpu.memref_slice %arg5[%add3A, %add3A_485, %dma_start3A_497, %dma_start3A_498] : memref<32x250x40x128xf32, #tpu.memory_space<hbm>> -> memref<1x1x40x128xf32, #tpu.memory_space<hbm>>
        %dma_start3A_500 = tpu.memref_squeeze %dma_start3A_499 : memref<1x1x40x128xf32, #tpu.memory_space<hbm>> -> memref<40x128xf32, #tpu.memory_space<hbm>>
        %dma_start3A_501 = tpu.memref_slice %arg14[%dma_start3A_487] : memref<2x!tpu.dma_semaphore, #tpu.memory_space<semaphore_mem>> -> memref<1x!tpu.dma_semaphore, #tpu.memory_space<semaphore_mem>>
        %dma_start3A_502 = tpu.memref_squeeze %dma_start3A_501 : memref<1x!tpu.dma_semaphore, #tpu.memory_space<semaphore_mem>> -> memref<!tpu.dma_semaphore, #tpu.memory_space<semaphore_mem>>
        %dma_start3A_503 = arith.constant 0 : i32
        %dma_start3A_504 = arith.constant 0 : i32
        %dma_start3A_505 = arith.constant 0 : i32
        %dma_start3A_506 = tpu.memref_slice %arg10[%scan3A, %dma_start3A_503, %dma_start3A_504, %dma_start3A_505] : memref<3x2x40x128xf32, #tpu.memory_space<vmem>> -> memref<1x2x40x128xf32, #tpu.memory_space<vmem>>
        %dma_start3A_507 = tpu.memref_squeeze %dma_start3A_506 : memref<1x2x40x128xf32, #tpu.memory_space<vmem>> -> memref<2x40x128xf32, #tpu.memory_space<vmem>>
        %dma_start3A_508 = arith.constant 0 : i32
        %dma_start3A_509 = arith.constant 0 : i32
        %dma_start3A_510 = tpu.memref_slice %dma_start3A_507[%dma_start3A_486, %dma_start3A_508, %dma_start3A_509] : memref<2x40x128xf32, #tpu.memory_space<vmem>> -> memref<1x40x128xf32, #tpu.memory_space<vmem>>
        %dma_start3A_511 = tpu.memref_squeeze %dma_start3A_510 : memref<1x40x128xf32, #tpu.memory_space<vmem>> -> memref<40x128xf32, #tpu.memory_space<vmem>>
        %dma_start3A_512 = arith.constant 0 : i32
        %dma_start3A_513 = arith.constant 0 : i32
        %dma_start3A_514 = tpu.memref_slice %arg5[%add3A, %add3A_485, %dma_start3A_512, %dma_start3A_513] : memref<32x250x40x128xf32, #tpu.memory_space<hbm>> -> memref<1x1x40x128xf32, #tpu.memory_space<hbm>>
        %dma_start3A_515 = tpu.memref_squeeze %dma_start3A_514 : memref<1x1x40x128xf32, #tpu.memory_space<hbm>> -> memref<40x128xf32, #tpu.memory_space<hbm>>
        tpu.enqueue_dma source(%dma_start3A_515 : memref<40x128xf32, #tpu.memory_space<hbm>>) target(%dma_start3A_511 : memref<40x128xf32, #tpu.memory_space<vmem>>) target_semaphore(%dma_start3A_502 : memref<!tpu.dma_semaphore, #tpu.memory_space<semaphore_mem>>)
        %add3A_516 = arith.constant 2 : i32
        %add3A_517 = arith.addi %add3A_376, %add3A_516 : i32
        %rem3A_518 = arith.constant 10 : i32
        %rem3A_519 = arith.remsi %add3A_517, %rem3A_518 : i32
        %div3A_520 = arith.constant 10 : i32
        %div3A_521 = arith.divsi %add3A_517, %div3A_520 : i32
        %rem3A_522 = arith.constant 2 : i32
        %rem3A_523 = arith.remsi %div3A_521, %rem3A_522 : i32
        %eq3A_524 = arith.constant 0 : i32
        %eq3A_525 = arith.cmpi eq, %rem3A_519, %eq3A_524 : i32
        %convert_element_type3A_526 = arith.extui %eq3A_525 : i1 to i32
        %cond3A_527 = arith.constant 0 : i32
        %cond3A_528 = arith.cmpi ne, %convert_element_type3A_526, %cond3A_527 : i32
        scf.if %cond3A_528 {
          %dma_wait3A_548 = arith.constant 0 : i32
          %dma_wait3A_549 = arith.constant 0 : i32
          %dma_wait3A_550 = arith.constant 0 : i32
          %dma_wait3A_551 = tpu.memref_slice %arg8[%rem3A_523, %dma_wait3A_549, %dma_wait3A_550] : memref<2x10x40xi32, #tpu.memory_space<vmem>> -> memref<1x10x40xi32, #tpu.memory_space<vmem>>
          %dma_wait3A_552 = tpu.memref_squeeze %dma_wait3A_551 : memref<1x10x40xi32, #tpu.memory_space<vmem>> -> memref<10x40xi32, #tpu.memory_space<vmem>>
          %dma_wait3A_553 = arith.constant 0 : i32
          %dma_wait3A_554 = arith.constant 0 : i32
          %dma_wait3A_555 = tpu.memref_slice %arg3[%add3A, %dma_wait3A_548, %dma_wait3A_553, %dma_wait3A_554] : memref<32x25x10x40xi32, #tpu.memory_space<hbm>> -> memref<1x1x10x40xi32, #tpu.memory_space<hbm>>
          %dma_wait3A_556 = tpu.memref_squeeze %dma_wait3A_555 : memref<1x1x10x40xi32, #tpu.memory_space<hbm>> -> memref<10x40xi32, #tpu.memory_space<hbm>>
          %dma_wait3A_557 = tpu.memref_slice %arg12[%rem3A_523] : memref<2x!tpu.dma_semaphore, #tpu.memory_space<semaphore_mem>> -> memref<1x!tpu.dma_semaphore, #tpu.memory_space<semaphore_mem>>
          %dma_wait3A_558 = tpu.memref_squeeze %dma_wait3A_557 : memref<1x!tpu.dma_semaphore, #tpu.memory_space<semaphore_mem>> -> memref<!tpu.dma_semaphore, #tpu.memory_space<semaphore_mem>>
          %dma_wait3A_559 = arith.constant 0 : i32
          %dma_wait3A_560 = arith.constant 0 : i32
          %dma_wait3A_561 = tpu.memref_slice %arg8[%rem3A_523, %dma_wait3A_559, %dma_wait3A_560] : memref<2x10x40xi32, #tpu.memory_space<vmem>> -> memref<1x10x40xi32, #tpu.memory_space<vmem>>
          %dma_wait3A_562 = tpu.memref_squeeze %dma_wait3A_561 : memref<1x10x40xi32, #tpu.memory_space<vmem>> -> memref<10x40xi32, #tpu.memory_space<vmem>>
          %dma_wait3A_563 = arith.constant 0 : i32
          %dma_wait3A_564 = arith.constant 0 : i32
          %dma_wait3A_565 = tpu.memref_slice %arg3[%add3A, %dma_wait3A_548, %dma_wait3A_563, %dma_wait3A_564] : memref<32x25x10x40xi32, #tpu.memory_space<hbm>> -> memref<1x1x10x40xi32, #tpu.memory_space<hbm>>
          %dma_wait3A_566 = tpu.memref_squeeze %dma_wait3A_565 : memref<1x1x10x40xi32, #tpu.memory_space<hbm>> -> memref<10x40xi32, #tpu.memory_space<hbm>>
          tpu.wait_dma2 semaphore(%dma_wait3A_558 : memref<!tpu.dma_semaphore, #tpu.memory_space<semaphore_mem>>) src(%dma_wait3A_566 : memref<10x40xi32, #tpu.memory_space<hbm>>) dst(%dma_wait3A_562 : memref<10x40xi32, #tpu.memory_space<vmem>>)
        } else {
        }
        %dma_start3A_529 = arith.constant 1 : i32
        %dma_start3A_530 = arith.constant 1 : i32
        %dma_start3A_531 = arith.constant 0 : i32
        %dma_start3A_532 = arith.constant 0 : i32
        %dma_start3A_533 = arith.constant 0 : i32
        %dma_start3A_534 = tpu.memref_slice %arg10[%scan3A_218, %dma_start3A_531, %dma_start3A_532, %dma_start3A_533] : memref<3x2x40x128xf32, #tpu.memory_space<vmem>> -> memref<1x2x40x128xf32, #tpu.memory_space<vmem>>
        %dma_start3A_535 = tpu.memref_squeeze %dma_start3A_534 : memref<1x2x40x128xf32, #tpu.memory_space<vmem>> -> memref<2x40x128xf32, #tpu.memory_space<vmem>>
        %dma_start3A_536 = arith.constant 0 : i32
        %dma_start3A_537 = arith.constant 0 : i32
        %dma_start3A_538 = tpu.memref_slice %dma_start3A_535[%dma_start3A_529, %dma_start3A_536, %dma_start3A_537] : memref<2x40x128xf32, #tpu.memory_space<vmem>> -> memref<1x40x128xf32, #tpu.memory_space<vmem>>
        %dma_start3A_539 = tpu.memref_squeeze %dma_start3A_538 : memref<1x40x128xf32, #tpu.memory_space<vmem>> -> memref<40x128xf32, #tpu.memory_space<vmem>>
        %dma_start3A_540 = arith.constant 0 : i32
        %dma_start3A_541 = tpu.memref_slice %arg8[%rem3A_523, %rem3A_519, %dma_start3A_540] : memref<2x10x40xi32, #tpu.memory_space<vmem>> -> memref<1x1x40xi32, #tpu.memory_space<vmem>>
        %dma_start3A_542 = tpu.memref_squeeze %dma_start3A_541 : memref<1x1x40xi32, #tpu.memory_space<vmem>> -> memref<40xi32, #tpu.memory_space<vmem>>
        %dma_start3A_543 = arith.constant 0 : i32
        %dma_start3A_544 = arith.constant 0 : i32
        %dma_start3A_545 = tpu.memref_slice %arg2[%dma_start3A_543, %dma_start3A_544] : memref<10000x128xf32, #tpu.memory_space<hbm>> -> memref<10000x128xf32, #tpu.memory_space<hbm>>
        %dma_start3A_546 = tpu.memref_slice %arg15[%dma_start3A_530] : memref<2x!tpu.dma_semaphore, #tpu.memory_space<semaphore_mem>> -> memref<1x!tpu.dma_semaphore, #tpu.memory_space<semaphore_mem>>
        %dma_start3A_547 = tpu.memref_squeeze %dma_start3A_546 : memref<1x!tpu.dma_semaphore, #tpu.memory_space<semaphore_mem>> -> memref<!tpu.dma_semaphore, #tpu.memory_space<semaphore_mem>>
        tpu.enqueue_indirect_dma source(%dma_start3A_545 : memref<10000x128xf32, #tpu.memory_space<hbm>>) target(%dma_start3A_539 : memref<40x128xf32, #tpu.memory_space<vmem>>) offsets(%dma_start3A_542 : memref<40xi32, #tpu.memory_space<vmem>>) semaphore(%dma_start3A_547 : memref<!tpu.dma_semaphore, #tpu.memory_space<semaphore_mem>>)
      } else {
      }
    }
    %scan3A_224 = arith.constant 125 : i32
    %dma_wait3A_225 = arith.constant 2 : i32
    %dma_wait3A_226 = arith.constant 0 : i32
    %dma_wait3A_227 = arith.constant 0 : i32
    %dma_wait3A_228 = arith.constant 8 : i32
    %dma_wait3A_229 = arith.constant 0 : i32
    %dma_wait3A_230 = arith.constant 0 : i32
    %dma_wait3A_231 = arith.constant 0 : i32
    %dma_wait3A_232 = arith.constant 0 : i32
    %dma_wait3A_233 = tpu.memref_slice %arg10[%dma_wait3A_225, %dma_wait3A_230, %dma_wait3A_231, %dma_wait3A_232] : memref<3x2x40x128xf32, #tpu.memory_space<vmem>> -> memref<1x2x40x128xf32, #tpu.memory_space<vmem>>
    %dma_wait3A_234 = tpu.memref_squeeze %dma_wait3A_233 : memref<1x2x40x128xf32, #tpu.memory_space<vmem>> -> memref<2x40x128xf32, #tpu.memory_space<vmem>>
    %dma_wait3A_235 = arith.constant 0 : i32
    %dma_wait3A_236 = arith.constant 0 : i32
    %dma_wait3A_237 = tpu.memref_slice %dma_wait3A_234[%dma_wait3A_226, %dma_wait3A_235, %dma_wait3A_236] : memref<2x40x128xf32, #tpu.memory_space<vmem>> -> memref<1x40x128xf32, #tpu.memory_space<vmem>>
    %dma_wait3A_238 = tpu.memref_squeeze %dma_wait3A_237 : memref<1x40x128xf32, #tpu.memory_space<vmem>> -> memref<40x128xf32, #tpu.memory_space<vmem>>
    %dma_wait3A_239 = arith.constant 0 : i32
    %dma_wait3A_240 = tpu.memref_slice %arg9[%dma_wait3A_227, %dma_wait3A_228, %dma_wait3A_239] : memref<2x10x40xi32, #tpu.memory_space<vmem>> -> memref<1x1x40xi32, #tpu.memory_space<vmem>>
    %dma_wait3A_241 = tpu.memref_squeeze %dma_wait3A_240 : memref<1x1x40xi32, #tpu.memory_space<vmem>> -> memref<40xi32, #tpu.memory_space<vmem>>
    %dma_wait3A_242 = arith.constant 0 : i32
    %dma_wait3A_243 = arith.constant 0 : i32
    %dma_wait3A_244 = tpu.memref_slice %arg11[%dma_wait3A_242, %dma_wait3A_243] : memref<10000x128xf32, #tpu.memory_space<vmem_shared>> -> memref<10000x128xf32, #tpu.memory_space<vmem_shared>>
    %dma_wait3A_245 = tpu.memref_slice %arg16[%dma_wait3A_229] : memref<2x!tpu.dma_semaphore, #tpu.memory_space<semaphore_mem>> -> memref<1x!tpu.dma_semaphore, #tpu.memory_space<semaphore_mem>>
    %dma_wait3A_246 = tpu.memref_squeeze %dma_wait3A_245 : memref<1x!tpu.dma_semaphore, #tpu.memory_space<semaphore_mem>> -> memref<!tpu.dma_semaphore, #tpu.memory_space<semaphore_mem>>
    tpu.wait_indirect_dma semaphore(%dma_wait3A_246 : memref<!tpu.dma_semaphore, #tpu.memory_space<semaphore_mem>>) src(%dma_wait3A_238 : memref<40x128xf32, #tpu.memory_space<vmem>>) dst(%dma_wait3A_244 : memref<10000x128xf32, #tpu.memory_space<vmem_shared>>)
    %dma_wait3A_247 = arith.constant 2 : i32
    %dma_wait3A_248 = arith.constant 1 : i32
    %dma_wait3A_249 = arith.constant 0 : i32
    %dma_wait3A_250 = arith.constant 9 : i32
    %dma_wait3A_251 = arith.constant 1 : i32
    %dma_wait3A_252 = arith.constant 0 : i32
    %dma_wait3A_253 = arith.constant 0 : i32
    %dma_wait3A_254 = arith.constant 0 : i32
    %dma_wait3A_255 = tpu.memref_slice %arg10[%dma_wait3A_247, %dma_wait3A_252, %dma_wait3A_253, %dma_wait3A_254] : memref<3x2x40x128xf32, #tpu.memory_space<vmem>> -> memref<1x2x40x128xf32, #tpu.memory_space<vmem>>
    %dma_wait3A_256 = tpu.memref_squeeze %dma_wait3A_255 : memref<1x2x40x128xf32, #tpu.memory_space<vmem>> -> memref<2x40x128xf32, #tpu.memory_space<vmem>>
    %dma_wait3A_257 = arith.constant 0 : i32
    %dma_wait3A_258 = arith.constant 0 : i32
    %dma_wait3A_259 = tpu.memref_slice %dma_wait3A_256[%dma_wait3A_248, %dma_wait3A_257, %dma_wait3A_258] : memref<2x40x128xf32, #tpu.memory_space<vmem>> -> memref<1x40x128xf32, #tpu.memory_space<vmem>>
    %dma_wait3A_260 = tpu.memref_squeeze %dma_wait3A_259 : memref<1x40x128xf32, #tpu.memory_space<vmem>> -> memref<40x128xf32, #tpu.memory_space<vmem>>
    %dma_wait3A_261 = arith.constant 0 : i32
    %dma_wait3A_262 = tpu.memref_slice %arg9[%dma_wait3A_249, %dma_wait3A_250, %dma_wait3A_261] : memref<2x10x40xi32, #tpu.memory_space<vmem>> -> memref<1x1x40xi32, #tpu.memory_space<vmem>>
    %dma_wait3A_263 = tpu.memref_squeeze %dma_wait3A_262 : memref<1x1x40xi32, #tpu.memory_space<vmem>> -> memref<40xi32, #tpu.memory_space<vmem>>
    %dma_wait3A_264 = arith.constant 0 : i32
    %dma_wait3A_265 = arith.constant 0 : i32
    %dma_wait3A_266 = tpu.memref_slice %arg11[%dma_wait3A_264, %dma_wait3A_265] : memref<10000x128xf32, #tpu.memory_space<vmem_shared>> -> memref<10000x128xf32, #tpu.memory_space<vmem_shared>>
    %dma_wait3A_267 = tpu.memref_slice %arg16[%dma_wait3A_251] : memref<2x!tpu.dma_semaphore, #tpu.memory_space<semaphore_mem>> -> memref<1x!tpu.dma_semaphore, #tpu.memory_space<semaphore_mem>>
    %dma_wait3A_268 = tpu.memref_squeeze %dma_wait3A_267 : memref<1x!tpu.dma_semaphore, #tpu.memory_space<semaphore_mem>> -> memref<!tpu.dma_semaphore, #tpu.memory_space<semaphore_mem>>
    tpu.wait_indirect_dma semaphore(%dma_wait3A_268 : memref<!tpu.dma_semaphore, #tpu.memory_space<semaphore_mem>>) src(%dma_wait3A_260 : memref<40x128xf32, #tpu.memory_space<vmem>>) dst(%dma_wait3A_266 : memref<10000x128xf32, #tpu.memory_space<vmem_shared>>)
    %barrier3A_269 = arith.constant 0 : index
    tpu.barrier barrier_id(%barrier3A_269)
    %mul3A_270 = arith.constant 624 : i32
    %mul3A_271 = arith.muli %arg1, %mul3A_270 : i32
    %mul3A_272 = arith.constant 624 : i32
    %mul3A_273 = arith.muli %arg1, %mul3A_272 : i32
    "tpu.region"() ({
      %run_scoped3A = tpu.sem_alloc : memref<!tpu.dma_semaphore, #tpu.memory_space<semaphore_mem>>
      %dma_start3A_279 = arith.constant 0 : i32
      %dma_start3A_280 = tpu.memref_slice %arg7[%arg0, %mul3A_273, %dma_start3A_279] : memref<2x10000x128xf32, #tpu.memory_space<hbm>> -> memref<1x624x128xf32, #tpu.memory_space<hbm>>
      %dma_start3A_281 = tpu.memref_squeeze %dma_start3A_280 : memref<1x624x128xf32, #tpu.memory_space<hbm>> -> memref<624x128xf32, #tpu.memory_space<hbm>>
      %dma_start3A_282 = arith.constant 0 : i32
      %dma_start3A_283 = tpu.memref_slice %arg11[%mul3A_271, %dma_start3A_282] : memref<10000x128xf32, #tpu.memory_space<vmem_shared>> -> memref<624x128xf32, #tpu.memory_space<vmem_shared>>
      tpu.enqueue_dma source(%dma_start3A_283 : memref<624x128xf32, #tpu.memory_space<vmem_shared>>) target(%dma_start3A_281 : memref<624x128xf32, #tpu.memory_space<hbm>>) target_semaphore(%run_scoped3A : memref<!tpu.dma_semaphore, #tpu.memory_space<semaphore_mem>>)
      %dma_wait3A_284 = arith.constant 0 : i32
      %dma_wait3A_285 = tpu.memref_slice %arg7[%arg0, %mul3A_273, %dma_wait3A_284] : memref<2x10000x128xf32, #tpu.memory_space<hbm>> -> memref<1x624x128xf32, #tpu.memory_space<hbm>>
      %dma_wait3A_286 = tpu.memref_squeeze %dma_wait3A_285 : memref<1x624x128xf32, #tpu.memory_space<hbm>> -> memref<624x128xf32, #tpu.memory_space<hbm>>
      %dma_wait3A_287 = arith.constant 0 : i32
      %dma_wait3A_288 = tpu.memref_slice %arg11[%mul3A_271, %dma_wait3A_287] : memref<10000x128xf32, #tpu.memory_space<vmem_shared>> -> memref<624x128xf32, #tpu.memory_space<vmem_shared>>
      tpu.wait_dma2 semaphore(%run_scoped3A : memref<!tpu.dma_semaphore, #tpu.memory_space<semaphore_mem>>) src(%dma_wait3A_288 : memref<624x128xf32, #tpu.memory_space<vmem_shared>>) dst(%dma_wait3A_286 : memref<624x128xf32, #tpu.memory_space<hbm>>)
      tpu.yield
    }) : () -> ()
    %eq3A_274 = arith.constant 0 : i32
    %eq3A_275 = arith.cmpi eq, %arg1, %eq3A_274 : i32
    %convert_element_type3A_276 = arith.extui %eq3A_275 : i1 to i32
    %cond3A_277 = arith.constant 0 : i32
    %cond3A_278 = arith.cmpi ne, %convert_element_type3A_276, %cond3A_277 : i32
    scf.if %cond3A_278 {
      "tpu.region"() ({
        %run_scoped3A = tpu.sem_alloc : memref<!tpu.dma_semaphore, #tpu.memory_space<semaphore_mem>>
        %dma_start3A_279 = arith.constant 9984 : i32
        %dma_start3A_280 = arith.constant 0 : i32
        %dma_start3A_281 = tpu.memref_slice %arg7[%arg0, %dma_start3A_279, %dma_start3A_280] : memref<2x10000x128xf32, #tpu.memory_space<hbm>> -> memref<1x16x128xf32, #tpu.memory_space<hbm>>
        %dma_start3A_282 = tpu.memref_squeeze %dma_start3A_281 : memref<1x16x128xf32, #tpu.memory_space<hbm>> -> memref<16x128xf32, #tpu.memory_space<hbm>>
        %dma_start3A_283 = arith.constant 9984 : i32
        %dma_start3A_284 = arith.constant 0 : i32
        %dma_start3A_285 = tpu.memref_slice %arg11[%dma_start3A_283, %dma_start3A_284] : memref<10000x128xf32, #tpu.memory_space<vmem_shared>> -> memref<16x128xf32, #tpu.memory_space<vmem_shared>>
        tpu.enqueue_dma source(%dma_start3A_285 : memref<16x128xf32, #tpu.memory_space<vmem_shared>>) target(%dma_start3A_282 : memref<16x128xf32, #tpu.memory_space<hbm>>) target_semaphore(%run_scoped3A : memref<!tpu.dma_semaphore, #tpu.memory_space<semaphore_mem>>)
        %dma_wait3A_286 = arith.constant 9984 : i32
        %dma_wait3A_287 = arith.constant 0 : i32
        %dma_wait3A_288 = tpu.memref_slice %arg7[%arg0, %dma_wait3A_286, %dma_wait3A_287] : memref<2x10000x128xf32, #tpu.memory_space<hbm>> -> memref<1x16x128xf32, #tpu.memory_space<hbm>>
        %dma_wait3A_289 = tpu.memref_squeeze %dma_wait3A_288 : memref<1x16x128xf32, #tpu.memory_space<hbm>> -> memref<16x128xf32, #tpu.memory_space<hbm>>
        %dma_wait3A_290 = arith.constant 9984 : i32
        %dma_wait3A_291 = arith.constant 0 : i32
        %dma_wait3A_292 = tpu.memref_slice %arg11[%dma_wait3A_290, %dma_wait3A_291] : memref<10000x128xf32, #tpu.memory_space<vmem_shared>> -> memref<16x128xf32, #tpu.memory_space<vmem_shared>>
        tpu.wait_dma2 semaphore(%run_scoped3A : memref<!tpu.dma_semaphore, #tpu.memory_space<semaphore_mem>>) src(%dma_wait3A_292 : memref<16x128xf32, #tpu.memory_space<vmem_shared>>) dst(%dma_wait3A_289 : memref<16x128xf32, #tpu.memory_space<hbm>>)
        tpu.yield
      }) : () -> ()
    } else {
    }
    return
  }
}

module attributes {stable_mosaic.version = 14 : i64} {
  func.func @body(%arg0: i32, %arg1: memref<1xf32, #tpu.memory_space<smem>>, %arg2: memref<1000x128xf32, #tpu.memory_space<vmem>>, %arg3: memref<1000x128xf32, #tpu.memory_space<vmem>>, %arg4: memref<1000x128xf32, #tpu.memory_space<vmem>>, %arg5: memref<128x64xf32, #tpu.memory_space<vmem>>, %arg6: memref<1x64xf32, #tpu.memory_space<vmem>>, %arg7: memref<64x256xf32, #tpu.memory_space<vmem>>, %arg8: memref<1x256xf32, #tpu.memory_space<vmem>>, %arg9: memref<1000x256xf32, #tpu.memory_space<vmem>>) attributes {dimension_semantics = [#tpu.dimension_semantics<arbitrary>], iteration_bounds = array<i64: 10>, scalar_prefetch = 0 : i64, scratch_operands = 0 : i64, tpu.core_type = #tpu.core_type<tc>, window_params = [{transform_indices = @transform_0, window_bounds = array<i64: 1>}, {transform_indices = @transform_1, window_bounds = array<i64: 1000, 128>}, {transform_indices = @transform_2, window_bounds = array<i64: 1000, 128>}, {transform_indices = @transform_3, window_bounds = array<i64: 1000, 128>}, {pipeline_mode = #tpu.pipeline_mode<synchronous>, transform_indices = @transform_4, window_bounds = array<i64: 128, 64>}, {pipeline_mode = #tpu.pipeline_mode<synchronous>, transform_indices = @transform_5, window_bounds = array<i64: 1, 64>}, {pipeline_mode = #tpu.pipeline_mode<synchronous>, transform_indices = @transform_6, window_bounds = array<i64: 64, 256>}, {pipeline_mode = #tpu.pipeline_mode<synchronous>, transform_indices = @transform_7, window_bounds = array<i64: 1, 256>}, {transform_indices = @transform_8, window_bounds = array<i64: 1000, 256>}]} {
    %get3A = arith.constant 0 : index
    %get3A_0 = memref.load %arg1[%get3A] : memref<1xf32, #tpu.memory_space<smem>>
    %add3A = arith.constant 1.000000e+00 : f32
    %add3A_1 = arith.addf %add3A, %get3A_0 : f32
    %get3A_2 = arith.constant 0 : index
    %get3A_3 = arith.constant 0 : index
    %get3A_4 = vector.load %arg2[%get3A_2, %get3A_3] : memref<1000x128xf32, #tpu.memory_space<vmem>>, vector<1000x128xf32>
    %mul3A = vector.broadcast %add3A_1 : f32 to vector<1000x128xf32>
    %mul3A_5 = arith.mulf %mul3A, %get3A_4 : vector<1000x128xf32>
    %get3A_6 = arith.constant 0 : index
    %get3A_7 = arith.constant 0 : index
    %get3A_8 = vector.load %arg3[%get3A_6, %get3A_7] : memref<1000x128xf32, #tpu.memory_space<vmem>>, vector<1000x128xf32>
    %add3A_9 = arith.addf %mul3A_5, %get3A_8 : vector<1000x128xf32>
    %get3A_10 = arith.constant 0 : index
    %get3A_11 = arith.constant 0 : index
    %get3A_12 = vector.load %arg4[%get3A_10, %get3A_11] : memref<1000x128xf32, #tpu.memory_space<vmem>>, vector<1000x128xf32>
    %add3A_13 = arith.addf %add3A_9, %get3A_12 : vector<1000x128xf32>
    %get3A_14 = arith.constant 0 : index
    %get3A_15 = arith.constant 0 : index
    %get3A_16 = vector.load %arg5[%get3A_14, %get3A_15] : memref<128x64xf32, #tpu.memory_space<vmem>>, vector<128x64xf32>
    %dot_general3A = arith.constant dense<0.000000e+00> : vector<1000x64xf32>
    %dot_general3A_17 = tpu.matmul %add3A_13, %get3A_16, %dot_general3A {dimension_numbers = #tpu.dot_dimension_numbers<[1], [0], [0], [1], [0, 0, 1, 1], [], []>, transpose_lhs_hint = false} : vector<1000x128xf32>, vector<128x64xf32>, vector<1000x64xf32> -> vector<1000x64xf32>
    %get3A_18 = arith.constant 0 : index
    %get3A_19 = arith.constant 0 : index
    %get3A_20 = vector.load %arg6[%get3A_18, %get3A_19] : memref<1x64xf32, #tpu.memory_space<vmem>>, vector<1x64xf32>
    %add3A_21 = vector.broadcast %get3A_20 : vector<1x64xf32> to vector<1000x64xf32>
    %add3A_22 = arith.addf %dot_general3A_17, %add3A_21 : vector<1000x64xf32>
    %max3A = arith.constant 0.000000e+00 : f32
    %max3A_23 = vector.broadcast %max3A : f32 to vector<1000x64xf32>
    %max3A_24 = arith.maximumf %add3A_22, %max3A_23 : vector<1000x64xf32>
    %get3A_25 = arith.constant 0 : index
    %get3A_26 = arith.constant 0 : index
    %get3A_27 = vector.load %arg7[%get3A_25, %get3A_26] : memref<64x256xf32, #tpu.memory_space<vmem>>, vector<64x256xf32>
    %dot_general3A_28 = arith.constant dense<0.000000e+00> : vector<1000x256xf32>
    %dot_general3A_29 = tpu.matmul %max3A_24, %get3A_27, %dot_general3A_28 {dimension_numbers = #tpu.dot_dimension_numbers<[1], [0], [0], [1], [0, 0, 1, 1], [], []>, transpose_lhs_hint = false} : vector<1000x64xf32>, vector<64x256xf32>, vector<1000x256xf32> -> vector<1000x256xf32>
    %get3A_30 = arith.constant 0 : index
    %get3A_31 = arith.constant 0 : index
    %get3A_32 = vector.load %arg8[%get3A_30, %get3A_31] : memref<1x256xf32, #tpu.memory_space<vmem>>, vector<1x256xf32>
    %add3A_33 = vector.broadcast %get3A_32 : vector<1x256xf32> to vector<1000x256xf32>
    %add3A_34 = arith.addf %dot_general3A_29, %add3A_33 : vector<1000x256xf32>
    %max3A_35 = arith.constant 0.000000e+00 : f32
    %max3A_36 = vector.broadcast %max3A_35 : f32 to vector<1000x256xf32>
    %max3A_37 = arith.maximumf %add3A_34, %max3A_36 : vector<1000x256xf32>
    %swap3A = arith.constant 0 : index
    %swap3A_38 = arith.constant 0 : index
    %swap3A_39 = vector.load %arg9[%swap3A, %swap3A_38] : memref<1000x256xf32, #tpu.memory_space<vmem>>, vector<1000x256xf32>
    tpu.vector_store %arg9[%swap3A, %swap3A_38], %max3A_37 {strides = array<i32>} : memref<1000x256xf32, #tpu.memory_space<vmem>>, vector<1000x256xf32>,
    return
  }
  func.func @transform_0(%arg0: i32) -> i32 {
    %c0_i32 = arith.constant 0 : i32
    %c0_i32_0 = arith.constant 0 : i32
    return %c0_i32 : i32
  }
  func.func @transform_1(%arg0: i32) -> (i32, i32) {
    %c0_i32 = arith.constant 0 : i32
    %c0_i32_0 = arith.constant 0 : i32
    return %arg0, %c0_i32 : i32, i32
  }
  func.func @transform_2(%arg0: i32) -> (i32, i32) {
    %c0_i32 = arith.constant 0 : i32
    %c0_i32_0 = arith.constant 0 : i32
    return %arg0, %c0_i32 : i32, i32
  }
  func.func @transform_3(%arg0: i32) -> (i32, i32) {
    %c0_i32 = arith.constant 0 : i32
    %c0_i32_0 = arith.constant 0 : i32
    return %arg0, %c0_i32 : i32, i32
  }
  func.func @transform_4(%arg0: i32) -> (i32, i32) {
    %c0_i32 = arith.constant 0 : i32
    %c0_i32_0 = arith.constant 0 : i32
    %c0_i32_1 = arith.constant 0 : i32
    return %c0_i32, %c0_i32_0 : i32, i32
  }
  func.func @transform_5(%arg0: i32) -> (i32, i32) {
    %c0_i32 = arith.constant 0 : i32
    %c0_i32_0 = arith.constant 0 : i32
    %c0_i32_1 = arith.constant 0 : i32
    return %c0_i32, %c0_i32_0 : i32, i32
  }
  func.func @transform_6(%arg0: i32) -> (i32, i32) {
    %c0_i32 = arith.constant 0 : i32
    %c0_i32_0 = arith.constant 0 : i32
    %c0_i32_1 = arith.constant 0 : i32
    return %c0_i32, %c0_i32_0 : i32, i32
  }
  func.func @transform_7(%arg0: i32) -> (i32, i32) {
    %c0_i32 = arith.constant 0 : i32
    %c0_i32_0 = arith.constant 0 : i32
    %c0_i32_1 = arith.constant 0 : i32
    return %c0_i32, %c0_i32_0 : i32, i32
  }
  func.func @transform_8(%arg0: i32) -> (i32, i32) {
    %c0_i32 = arith.constant 0 : i32
    %c0_i32_0 = arith.constant 0 : i32
    return %arg0, %c0_i32 : i32, i32
  }
}

</mosaic_0001>

<sc_bundles>
// kernel: kernel.4.cloned.1.call-start
scs
__scs_entry_jumppad:
0x0: {  	(pc) =	sbr.rel $0x88, $3  }
0x1: {  	(tag) =	ssettag $0x0;
	lr =	simm.s32 $0x1  }
0x2: {  	[smem:$0x3F99] =	sst lr;
	_ =	strace $0xD0000000  }
0x3: {  	_ = 	snop  }
0x4: {  	_ = 	snop  }
0x5: {  	_ = 	snop  }
0x6: {  	_ = 	snop  }
0x7: {  	_ = 	snop  }
__scs_overlays_trampoline_lowered:
0x8: {  	[smem:$0x3FA8] =	sst s0  }
0x9: {  	[smem:$0x3FA9] =	sst s1  }
0xa: {  	[smem:$0x3FAA] =	sst s2  }
0xb: {  	[smem:$0x3FAB] =	sst s3  }
0xc: {  	[smem:$0x3FAC] =	sst s4  }
0xd: {  	[smem:$0x3FAD] =	sst s5  }
0xe: {  	[smem:$0x3FAE] =	sst s6  }
0xf: {  	[smem:$0x3FAF] =	sst s7  }
0x10: {  	[smem:$0x3FB0] =	sst s8  }
0x11: {  	[smem:$0x3FB1] =	sst s9;
	s0 =	simm.s32 @!p0 $0x0  }
0x12: {  	s1 =	sld [smem:$0x3F97];
	s0 =	simm.s32 @p0 $0x1  }
0x13: {  	[smem:$0x3FB2] =	sst s0;
	s0 =	simm.s32 @!p1 $0x0  }
0x14: {  	s2 =	sld [smem:$0x3F96];
	s0 =	simm.s32 @p1 $0x1  }
0x15: {  	[smem:$0x3FB3] =	sst s0;
	s0 =	simm.s32 @!p2 $0x0  }
0x16: {  	s3 =	sld [smem:$0x3FDB];
	s0 =	simm.s32 @p2 $0x1  }
0x17: {  	s4 =	simm.s32 $0x1BF5;
	[smem:$0x3FB5] =	sst s0  }
0x18: {  	s0 =	sld [smem:$0x3F98];
	_ =	swait.ge [sflag:s4], $0x0  }
0x19: {  	s7 =	sld [smem:$0x3F99]  }
0x1a: {  	s8 =	sadd.s32 $0xFFFFE003, lr  }
0x1b: {  	s9 =	sadd.s32 $0xFFFFFEF7, lr;
	s5 =	simm.s32 $0xFFFFFFFF;
	p2 =	slt.u32 s8, $0xFFFFF086  }
0x1c: {  	p1 =	slt.u32 s9, $0xF7A;
	s5 =	simm.s32 @!p2 $0x0  }
0x1d: {  	s5 =	simm.s32 @p1 $0x1;
	p0 =	seq.s32 s7, s2  }
0x1e: {  	s7 =	smul.u32 @!p0 $0xF7A, s2;
	p2 =	seq.s32 @!p0 s5, $0x0  }
0x1f: {  	s9 =	smul.u32 $0xF7A, s1;
	s8 =	simm.s32 @!p0 $0x1BF5;
	p2 =	por !p2, p0  }
0x20: {  	[sflag:s8] =	ssyncset.s32 @!p0 $0xFFFFF086;
	s6 =	sadd.s32 @!p0 s3, s7;
	s7 =	simm.s32 @!p0 $0x108  }
0x21: {  	s3 =	sadd.s32 s3, s9;
	s6 =	sadd.s32 @!p0 $0x88, s6;
	s7 =	simm.s32 @p2 $0x1082  }
0x22: {  	[simem:s7], [sflag:s8] =	dma.local @!p0 [hbm:s6], $0xF7A  }
0x23: {  	s9 =	sor.u32 $0xD0000000, s2;
	s6 =	simm.s32 $0x108;
	_ =	swait.ge @!p0 [sflag:s8], $0x0  }
0x24: {  	s3 =	sadd.s32 $0x88, s3;
	s6 =	simm.s32 @!p1 $0x1082;
	[sflag:s4] =	ssyncset.s32 $0xFFFFF086  }
0x25: {  	[simem:s6], [sflag:s4] =	dma.local [hbm:s3], $0xF7A  }
0x26: {  	[smem:$0x3F99] =	sst s1;
	(tag) =	ssettag s2;
	_ =	strace s9  }
0x27: {  	s1 =	sld [smem:$0x3FA9]  }
0x28: {  	s2 =	sld [smem:$0x3FAA]  }
0x29: {  	s4 =	sld [smem:$0x3FAC]  }
0x2a: {  	p0 =	seq.s32 s5, $0x0;
	s5 =	sld [smem:$0x3FAD]  }
0x2b: {  	s6 =	sld [smem:$0x3FAE]  }
0x2c: {  	s7 =	sld [smem:$0x3FAF]  }
0x2d: {  	s3 =	simm.s32 $0x108;
	s8 =	sld [smem:$0x3FB0]  }
0x2e: {  	s3 =	simm.s32 @!p0 $0x1082;
	s9 =	sld [smem:$0x3FB1]  }
0x2f: {  	lr =	sadd.s32 s0, s3;
	s0 =	sld [smem:$0x3FA8]  }
0x30: {  	s3 =	sld [smem:$0x3FAB]  }
0x31: {  	[smem:$0x3FB4] =	sst s10  }
0x32: {  	s10 =	sld [smem:$0x3FB2];
	_ =	sdelay $0x3  }
0x33: {  	p0 =	seq.s32 s10, $0x1;
	s10 =	sld [smem:$0x3FB4];
	_ =	sdelay $0x3  }
0x34: {  	[smem:$0x3FB4] =	sst s10  }
0x35: {  	s10 =	sld [smem:$0x3FB3];
	_ =	sdelay $0x3  }
0x36: {  	p1 =	seq.s32 s10, $0x1;
	s10 =	sld [smem:$0x3FB4];
	_ =	sdelay $0x3  }
0x37: {  	[smem:$0x3FB4] =	sst s10  }
0x38: {  	s10 =	sld [smem:$0x3FB5]  }
0x39: {  	_ = 	snop;
	(pc) =	sbr.ind lr, $3  }
0x3a: {  	_ = 	snop  }
0x3b: {  	_ = 	snop  }
0x3c: {  	p2 =	seq.s32 s10, $0x1;
	s10 =	sld [smem:$0x3FB4]  }
0x3d: {  	_ =	shalt  }
0x3e: {  	_ =	shalt  }
0x3f: {  	_ =	shalt  }
0x40: {  	_ =	shalt  }
0x41: {  	_ =	shalt  }
0x42: {  	_ =	shalt  }
0x43: {  	_ =	shalt  }
0x44: {  	_ =	shalt  }
0x45: {  	_ =	shalt  }
0x46: {  	_ =	shalt  }
0x47: {  	_ =	shalt  }
0x48: {  	_ =	shalt  }
0x49: {  	_ =	shalt  }
0x4a: {  	_ =	shalt  }
0x4b: {  	_ =	shalt  }
0x4c: {  	_ =	shalt  }
0x4d: {  	_ =	shalt  }
0x4e: {  	_ =	shalt  }
0x4f: {  	_ =	shalt  }
0x50: {  	_ =	shalt  }
0x51: {  	_ =	shalt  }
0x52: {  	_ =	shalt  }
0x53: {  	_ =	shalt  }
0x54: {  	_ =	shalt  }
0x55: {  	_ =	shalt  }
0x56: {  	_ =	shalt  }
0x57: {  	_ =	shalt  }
0x58: {  	_ =	shalt  }
0x59: {  	_ =	shalt  }
0x5a: {  	_ =	shalt  }
0x5b: {  	_ =	shalt  }
0x5c: {  	_ =	shalt  }
0x5d: {  	_ =	shalt  }
0x5e: {  	_ =	shalt  }
0x5f: {  	_ =	shalt  }
0x60: {  	_ =	shalt  }
0x61: {  	_ =	shalt  }
0x62: {  	_ =	shalt  }
0x63: {  	_ =	shalt  }
0x64: {  	_ =	shalt  }
0x65: {  	_ =	shalt  }
0x66: {  	_ =	shalt  }
0x67: {  	_ =	shalt  }
0x68: {  	_ =	shalt  }
0x69: {  	_ =	shalt  }
0x6a: {  	_ =	shalt  }
0x6b: {  	_ =	shalt  }
0x6c: {  	_ =	shalt  }
0x6d: {  	_ =	shalt  }
0x6e: {  	_ =	shalt  }
0x6f: {  	_ =	shalt  }
0x70: {  	_ =	shalt  }
0x71: {  	_ =	shalt  }
0x72: {  	_ =	shalt  }
0x73: {  	_ =	shalt  }
0x74: {  	_ =	shalt  }
0x75: {  	_ =	shalt  }
0x76: {  	_ =	shalt  }
0x77: {  	_ =	shalt  }
0x78: {  	_ =	shalt  }
0x79: {  	_ =	shalt  }
0x7a: {  	_ =	shalt  }
0x7b: {  	_ =	shalt  }
0x7c: {  	_ =	shalt  }
0x7d: {  	_ =	shalt  }
0x7e: {  	_ =	shalt  }
0x7f: {  	_ =	shalt  }
0x80: {  	_ =	shalt  }
0x81: {  	_ =	shalt  }
0x82: {  	_ =	shalt  }
0x83: {  	_ =	shalt  }
0x84: {  	_ =	shalt  }
0x85: {  	_ =	shalt  }
0x86: {  	_ =	shalt  }
0x87: {  	_ =	shalt  }
.Lfunc_end0:
.L_simem_size_0:
called_computation_lowered:
.L_overlay_start_0:
0x88: {  	s2 =	sld [smem:$0x3FD9]  }
0x89: {  	s3 =	sld [smem:$0x3FFE];
	_ =	sdelay $0x1  }
0x8a: {  	s1 =	srdreg.scid  }
0x8b: {  	s0 =	sand.u32 $0x1, s1  }
0x8c: {  	s17 =	sshll.u32 s0, $0xA;
	s2 =	sadd.s32 s3, s2  }
0x8d: {  	s2 =	sadd.s32 s2, s17  }
0x8e: {  	[smem:$0x3FC0] =	sst s2  }
0x8f: {  	_ = 	snop  }
0x90: {  	s2 =	sld [smem:$0x3FC9]  }
0x91: {  	s18 =	sld [smem:$0x3FC7]  }
0x92: {  	s4 =	sld [smem:$0x3FD0];
	(tm) =	ssettm $0x1  }
0x93: {  	s5 =	sld [smem:$0x3FFB];
	_ =	sdelay $0x3  }
0x94: {  	_ =	strace s5  }
0x95: {  	s5 =	sld [smem:$0x3FFC];
	_ =	sdelay $0x3  }
0x96: {  	_ =	strace s5  }
0x97: {  	s5 =	sld [smem:$0x3FFD];
	_ =	sdelay $0x3  }
0x98: {  	_ =	strace s5  }
0x99: {  	_ =	strace $0x8FFFFFFF  }
0x9a: {  	s19 =	sld [smem:$0x3FDB];
	_ =	sdelay $0x1  }
0x9b: {  	s6 =	simm.s32 $_scs_section_size  }
0x9c: {  	s7 =	simm.s32 $_size__tile_overlayer_lowered;
	s8 =	simm.s32 $_tile_overlayer_lowered  }
0x9d: {  	s22 =	simm.s32 $0x1BFF;
	s21 =	sshll.u32 s8, $0x1;
	s5 =	sadd.s32 s6, s19  }
0x9e: {  	s9 =	simm.s32 $0x0;
	s20 =	sshll.u32 s7, $0x1;
	s7 =	sadd.s32 s21, s5  }
0x9f: {  	[timem:s9], [sflag:s22] =	dma.local [hbm:s7], s20  }
0xa0: {  	_ =	swait.ge [sflag:s22], s20  }
0xa1: {  	s6 =	ssub.s32 $0x0, s20;
	[sflag:s22] =	ssyncset.done $0x0  }
0xa2: {  	[sflag:s22] =	ssyncadd.s32 s6;
	_ =	sdelay $0x1  }
0xa3: {  	s23 =	simm.s32 $0x1B8B  }
0xa4: {  	_ =	swait.ge [sflag:s23], $0x1  }
0xa5: {  	[sflag:s23] =	ssyncset.done $0x0  }
0xa6: {  	s25 =	simm.s32 $0x1B8E;
	s24 =	sld [smem:$0x3FFE];
	[sflag:s23] =	ssyncadd.s32 $0xFFFFFFFF  }
0xa7: {  	s26 =	simm.s32 $execute0_lowered;
	[smem:$0x3FD2] =	sst s25  }
0xa8: {  	s7 =	sshll.u32 s26, $0x1;
	_ =	strace $0x80000046;
	[dreg:$0x1] =	wrdreg $0xFFFFFFFF  }
0xa9: {  	s28 =	simm.s32 $_size_execute0_lowered;
	s5 =	sadd.s32 s5, s7;
	[dreg:$0x0] =	wrdreg $0x0  }
0xaa: {  	s7 =	sshll.u32 s28, $0x1;
	[dreg:$0x2] =	wrdreg s5  }
0xab: {  	[dreg:$0x3] =	wrdreg s7  }
0xac: {  	[dreg:$0x4] =	wrdreg $0xC0  }
0xad: {  	_ =	task [dreg:s9], $0x5FFFF  }
0xae: {  	[dreg:$0x1] =	wrdreg $0xFFFFFFFF  }
0xaf: {  	[dreg:$0x0] =	wrdreg $0x60  }
0xb0: {  	[dreg:$0x2] =	wrdreg s2  }
0xb1: {  	[dreg:$0x3] =	wrdreg s24  }
0xb2: {  	[dreg:$0x4] =	wrdreg s18  }
0xb3: {  	[dreg:$0x5] =	wrdreg s4  }
0xb4: {  	[dreg:$0x6] =	wrdreg $0x98000  }
0xb5: {  	[dreg:$0x7] =	wrdreg $0x9  }
0xb6: {  	_ =	task.clear_ibuf [dreg:s9], $0x8FFFF;
	_ =	strace $0x90000046  }
0xb7: {  	s29 =	simm.s32 $0x9;
	_ =	strace $0x80000048  }
0xb8: {  	_ =	swait.ge [sflag:s29], $0x1  }
0xb9: {  	[sflag:s29] =	ssyncadd.s32 $0xFFFFFFFF  }
0xba: {  	_ =	strace $0x90000048  }
0xbb: {  	_ =	sfence  }
0xbc: {  	s30 =	sld [smem:$0x0];
	_ =	sdelay $0x2  }
0xbd: {  	s31 =	sshll.u32 s1, $0xD;
	s1 =	sshrl.u32 s1, $0x2  }
0xbe: {  	s3 =	sand.u32 $0x4000, s31;
	s1 =	sadd.s32 s1, s30  }
0xbf: {  	s0 =	sor.u32 s3, s0;
	s1 =	sshll.u32 s1, $0x11  }
0xc0: {  	s0 =	sor.u32 s1, s0  }
0xc1: {  	s0 =	sadd.s32 $0x8F2B, s0  }
0xc2: {  	[sflag:s0] =	ssyncadd.remote.s32 $0x1  }
0xc3: {  	_ =	sfence.sel $0xFFFF  }
0xc4: {  	[dreg:$0x0] =	wrdreg $0xFFFFFFFF;
	(pc) =	sbr.abs _section_cstart, $3  }
0xc5: {  	[dreg:$0x1] =	wrdreg $0xFFFFFFFF  }
0xc6: {  	_ =	task.clear_ibuf [dreg:s9], $0x2FFFF;
	_ =	strace $0x9FFFFFFF  }
0xc7: {  	(tm) =	ssettm $0x7FFFFFFF  }
tec
execute0_lowered:
.L_overlay_start_1:
0x0: {  	(tag) =	ssettag $0x1  }
0x1: {  	s1 =	rddreg [dreg:$0x0]  }
0x2: {  	s0 =	rddreg [dreg:$0x1]  }
0x3: {  	s2 =	rddreg [dreg:$0x2]  }
0x4: {  	s7 =	rddreg [dreg:$0x3]  }
0x5: {  	s3 =	rddreg [dreg:$0x4];
	s4 =	simm.s32 $0x0  }
0x6: {  	s8 =	stileid.u32;
	s6 =	srdreg.scid;
	s29 =	simm.s32 $0x5C00  }
0x7: {  	s31 =	simm.s32 $0x28;
	s28 =	simm.s32 $0x7;
	[smem:$0x7FF] =	sst s4  }
0x8: {  	s10 =	smul.u32 $0x13800, s8;
	s5 =	sadd.s32 $0xE00, s0;
	s11 =	sand.u32 $0x1, s6  }
0x9: {  	s6 =	sadd.s32 $0x32E00, s0;
	s15 =	smul.u32 $0x4E000, s8;
	s30 =	sshll.u32 s8, $0x6  }
0xa: {  	p0 =	sne.s32 s8, $0x0;
	_ =	strace $0x80000047;
	s12 =	ssub.s32 $0x2, s11  }
0xb: {  	s14 =	sshll.u32 s11, $0x4;
	s11 =	smul.u32 $0x138800, s11;
	s9 =	sshrl.u32 s10, $0x3  }
0xc: {  	s13 =	sshrl.u32 s12, $0x1;
	s14 =	sor.u32 s8, s14;
	s26 =	sshrl.u32 s15, $0x2  }
0xd: {  	s15 =	sadd.s32 $0x138000, s3;
	s8 =	simm.s32 $0x8400;
	s9 =	sadd.s32 s9, s0  }
0xe: {  	s12 =	ssub.s32 s12, s13;
	s16 =	smul.u32 $0xC800, s14;
	s13 =	sadd.s32 s26, s3  }
0xf: {  	[dreg:$0x8] =	wrdreg s15;
	s0 =	sadd.s32 $0x8BE00, s0;
	s14 =	smul.u32 $0x138800, s14  }
0x10: {  	s23 =	sadd.s32 s10, s11;
	s24 =	sshrl.u32 s11, $0x3;
	[dreg:$0x6] =	wrdreg s13  }
0x11: {  	s15 =	simm.s32 $0xB;
	s9 =	sadd.s32 $0x64E00, s9;
	[dreg:$0x9] =	wrdreg s0  }
0x12: {  	s10 =	sadd.s32 s7, s24;
	s24 =	simm.s32 $0x6;
	[dreg:$0x7] =	wrdreg s9  }
0x13: {  	s9 =	sor.u32 $0x1C0B, s30;
	s17 =	sshrl.u32 s16, $0x3;
	s26 =	sadd.s32 $0x27000, s10  }
0x14: {  	s13 =	sadd.s32 $0x800, s16;
	s30 =	smax.u32 s12, $0x1;
	[dreg:$0x11] =	wrdreg s26  }
0x15: {  	s21 =	sshrl.u32 s14, $0x3;
	s18 =	sadd.s32 s5, s17;
	[dreg:$0x12] =	wrdreg s30  }
0x16: {  	s12 =	simm.s32 $0x0;
	s0 =	sadd.s32 s6, s17;
	[dreg:$0xa] =	wrdreg s18  }
0x17: {  	s19 =	sshrl.u32 s13, $0x3;
	s22 =	sadd.s32 s2, s21;
	[dreg:$0xb] =	wrdreg s0  }
.Ltmp0:
0x18: {  	s20 =	sadd.s32 s5, s19;
	[dreg:$0xe] =	wrdreg s22;
	(pc) =	sbr.rel .LBB2_1-.Ltmp0, $4  }
0x19: {  	s26 =	simm.s32 $0x5;
	s0 =	sadd.s32 s6, s19;
	[dreg:$0xc] =	wrdreg s20  }
0x1a: {  	s25 =	sadd.s32 $0x280, s22;
	[dreg:$0xd] =	wrdreg s0;
	s0 =	sshrl.u32 s23, $0x3  }
0x1b: {  	[dreg:$0xf] =	wrdreg s25;
	s25 =	simm.s32 $0x3400;
	s0 =	sadd.s32 s7, s0  }
0x1c: {  	s7 =	simm.s32 $0x8;
	[dreg:$0x10] =	wrdreg s0;
	s0 =	simm.s32 $0x7000  }
.LBB2_8:
0x1d: {  	s10 =	simm.s32 $0x9  }
0x1e: {  	_ =	swait.ge [sflag:s10], $0x1400  }
0x1f: {  	[sflag:s10] =	ssyncset.done $0x0  }
0x20: {  	s22 =	simm.s32 $0xA;
	[sflag:s10] =	ssyncadd.s32 $0xFFFFEC00  }
0x21: {  	_ =	swait.ge [sflag:s22], $0x1400  }
0x22: {  	[sflag:s22] =	ssyncset.done $0x0  }
0x23: {  	[sflag:s22] =	ssyncadd.s32 $0xFFFFEC00  }
0x24: {  	[bflag:$0x0] =	sbarrier.arrive $0xFFFF  }
0x25: {  	s23 =	rddreg [dreg:$0x10]  }
0x26: {  	s15 =	simm.s32 $0xB;
	s11 =	rddreg [dreg:$0x13]  }
0x27: {  	[hbm:s23], [sflag:s9] =	dma.local [spmem:s11], $0x2700  }
0x28: {  	_ =	swait.ge [sflag:s15], $0x2700  }
0x29: {  	[sflag:s15] =	ssyncset.done $0x0  }
0x2a: {  	s10 =	rddreg [dreg:$0x11];
	[sflag:s15] =	ssyncadd.s32 $0xFFFFD900  }
0x2b: {  	[hbm:s10], [sflag:s9] =	dma.local @!p0 [spmem:s16], $0x100  }
0x2c: {  	s10 =	simm.s32 @!p0 $0xB  }
0x2d: {  	_ =	swait.ge @!p0 [sflag:s10], $0x100  }
0x2e: {  	s12 =	sadd.s32 $0x1, s12;
	s30 =	rddreg [dreg:$0x12]  }
0x2f: {  	p1 =	sne.s32 s12, s30  }
.Ltmp1:
0x30: {  	_ = 	snop;
	(pc) =	sbr.rel @!p1 .LBB2_9-.Ltmp1, $3  }
0x31: {  	_ =	sdelay $0x1  }
0x32: {  	[sflag:s10] =	ssyncset.done @!p0 $0x0  }
0x33: {  	[sflag:s10] =	ssyncadd.s32 @!p0 $0xFFFFFF00  }
.LBB2_1:
0x34: {  	s10 =	rddreg [dreg:$0x6]  }
0x35: {  	s21 =	rddreg [dreg:$0x7];
	s11 =	sshrl.u32 s10, $0x3  }
0x36: {  	[dreg:$0x13] =	wrdreg s11  }
0x37: {  	[spmem:s11], [sflag:s9] =	dma.local [hbm:s21], $0x2700  }
0x38: {  	_ =	swait.ge [sflag:s15], $0x2700  }
0x39: {  	[sflag:s15] =	ssyncset.done $0x0;
	s10 =	rddreg [dreg:$0x8]  }
0x3a: {  	[sflag:s15] =	ssyncadd.s32 $0xFFFFD900;
	s16 =	sshrl.u32 @!p0 s10, $0x3;
	s10 =	rddreg [dreg:$0x9]  }
0x3b: {  	[spmem:s16], [sflag:s9] =	dma.local @!p0 [hbm:s10], $0x100  }
0x3c: {  	s10 =	simm.s32 @!p0 $0xB  }
0x3d: {  	_ =	swait.ge @!p0 [sflag:s10], $0x100  }
0x3e: {  	[sflag:s10] =	ssyncset.done @!p0 $0x0  }
0x3f: {  	[sflag:s10] =	ssyncadd.s32 @!p0 $0xFFFFFF00  }
0x40: {  	[bflag:$0x0] =	sbarrier.arrive $0xFFFF  }
0x41: {  	s22 =	rddreg [dreg:$0xa]  }
0x42: {  	[tilespmem:s4], [sflag:$0x1] =	stream.linear.gather [hbm4b:s22+s4], $0x500, $0x38;
	[tilespmem:$0x1D080] =	vst v63  }
0x43: {  	s30 =	simm.s32 $0x1000;
	s23 =	rddreg [dreg:$0xb]  }
0x44: {  	[tilespmem:s30], [sflag:$0x3] =	stream.linear.gather [hbm4b:s23+s4], $0x500, $0x38;
	[tilespmem:$0x1D080] =	vst v63  }
0x45: {  	s15 =	simm.s32 $0x800;
	s11 =	rddreg [dreg:$0xc]  }
0x46: {  	[tilespmem:s15], [sflag:$0x2] =	stream.linear.gather [hbm4b:s11+s4], $0x500, $0x38;
	[tilespmem:$0x1D080] =	vst v63  }
0x47: {  	s18 =	simm.s32 $0x1800;
	s17 =	rddreg [dreg:$0xd]  }
0x48: {  	[tilespmem:s18], [sflag:$0x4] =	stream.linear.gather [hbm4b:s17+s4], $0x500, $0x38;
	[tilespmem:$0x1D080] =	vst v63  }
0x49: {  	s20 =	simm.s32 $0x4800;
	s19 =	rddreg [dreg:$0xe]  }
0x4a: {  	[tilespmem:s20], [sflag:$0x5] =	stream.linear.gather [hbm4b:s19+s4], $0x1400, $0x38;
	[tilespmem:$0x1D080] =	vst v63  }
0x4b: {  	s21 =	rddreg [dreg:$0xf];
	s22 =	simm.s32 $0x1  }
0x4c: {  	[tilespmem:s29], [sflag:$0x6] =	stream.linear.gather [hbm4b:s21+s4], $0x1400, $0x38;
	[tilespmem:$0x1D080] =	vst v63  }
0x4d: {  	_ =	swait.ge [sflag:s22], $0x500  }
0x4e: {  	[sflag:s22] =	ssyncset.done $0x0  }
0x4f: {  	s23 =	simm.s32 $0x2000;
	[sflag:s22] =	ssyncadd.s32 $0xFFFFFB00  }
0x50: {  	[tilespmem:s23], [sflag:$0x7] =	stream.indirect.gather [hbm4b:s1+s31], $0x80, s4, s31, $0xb8;
	[tilespmem:$0x1D080] =	vst v63  }
0x51: {  	s30 =	simm.s32 $0x80;
	s17 =	simm.s32 $0x0  }
0x52: {  	[tilespmem:s25], [sflag:$0x8] =	stream.indirect.gather [hbm4b:s1+s31], $0x80, s30, s31, $0xb8;
	[tilespmem:$0x1D080] =	vst v63  }
.LBB2_2:
0x53: {  	_ =	swait.ge [sflag:s26], $0x1400  }
0x54: {  	[sflag:s26] =	ssyncset.done $0x0  }
0x55: {  	[sflag:s26] =	ssyncadd.s32 $0xFFFFEC00  }
0x56: {  	_ =	swait.ge [sflag:s28], $0x1400  }
0x57: {  	p1 =	seq.s32 s17, $0x0;
	[sflag:s28] =	ssyncset.done $0x0  }
0x58: {  	s10 =	simm.s32 @!p1 $0x9;
	[sflag:s28] =	ssyncadd.s32 $0xFFFFEC00  }
0x59: {  	_ =	swait.ge @!p1 [sflag:s10], $0x1400  }
0x5a: {  	[sflag:s10] =	ssyncset.done @!p1 $0x0  }
0x5b: {  	s20 =	simm.s32 $0x2000;
	[sflag:s10] =	ssyncadd.s32 @!p1 $0xFFFFEC00  }
0x5c: {  	v0 =	vld [tilespmem:s20+$0x2800]  }
0x5d: {  	v1 =	vld [tilespmem:s20+$0x10]  }
0x5e: {  	v2 =	vld [tilespmem:s20+$0x2810]  }
0x5f: {  	v3 =	vld [tilespmem:s20+$0x20]  }
0x60: {  	v4 =	vld [tilespmem:s20+$0x2820]  }
0x61: {  	v5 =	vld [tilespmem:s20+$0x30]  }
0x62: {  	v6 =	vld [tilespmem:s20+$0x2830]  }
0x63: {  	v7 =	vld [tilespmem:s20+$0x2840]  }
0x64: {  	v8 =	vld [tilespmem:s20+$0x50]  }
0x65: {  	v9 =	vld [tilespmem:s20+$0x1F0]  }
0x66: {  	v10 =	vld [tilespmem:s20+$0x29F0]  }
0x67: {  	v11 =	vld [tilespmem:s20+$0x80]  }
0x68: {  	v12 =	vld [tilespmem:s20+$0x2880]  }
0x69: {  	v13 =	vld [tilespmem:s20+$0x90]  }
0x6a: {  	v14 =	vld [tilespmem:s20+$0x2890]  }
0x6b: {  	v15 =	vld [tilespmem:s20+$0xA0]  }
0x6c: {  	v16 =	vld [tilespmem:s20+$0x28A0]  }
0x6d: {  	v40 =	vld [tilespmem:s20+$0xB0]  }
0x6e: {  	v17 =	vld [tilespmem:s20+$0x28B0]  }
0x6f: {  	v41 =	vld [tilespmem:s20+$0xC0]  }
0x70: {  	v18 =	vld [tilespmem:s20+$0x70]  }
0x71: {  	v42 =	vld [tilespmem:s20+$0xD0]  }
0x72: {  	v43 =	vld [tilespmem:s20+$0x2870]  }
0x73: {  	v19 =	vld [tilespmem:s20+$0xE0]  }
0x74: {  	v20 =	vld [tilespmem:s20+$0x100]  }
0x75: {  	v21 =	vld [tilespmem:s20+$0x2900]  }
0x76: {  	v22 =	vld [tilespmem:s20+$0x110]  }
0x77: {  	v23 =	vld [tilespmem:s20+$0x2910]  }
0x78: {  	v24 =	vld [tilespmem:s20+$0x120]  }
0x79: {  	v44 =	vld [tilespmem:s20+$0x2920]  }
0x7a: {  	v45 =	vld [tilespmem:s20+$0x130]  }
0x7b: {  	v25 =	vld [tilespmem:s20+$0x2930]  }
0x7c: {  	v47 =	vld [tilespmem:s20+$0x140]  }
0x7d: {  	v48 =	vld [tilespmem:s20+$0x28E0]  }
0x7e: {  	v49 =	vld [tilespmem:s20+$0x2940];
	v1 =	vadd.f32 v2, v1  }
0x7f: {  	v51 =	vld [tilespmem:s20+$0x150];
	v3 =	vadd.f32 v4, v3  }
0x80: {  	v52 =	vld [tilespmem:s20+$0xF0];
	v11 =	vadd.f32 v12, v11;
	v1 =	vmax.f32 v1, $0.0e+00  }
0x81: {  	v53 =	vld [tilespmem:s20+$0x2950];
	v5 =	vadd.f32 v6, v5;
	v3 =	vmax.f32 v3, $0.0e+00;
	[tilespmem:s20+$0x5010] =	vst v1  }
0x82: {  	v55 =	vld [tilespmem:s20+$0x160];
	v15 =	vadd.f32 v16, v15;
	v6 =	vmax.f32 v11, $0.0e+00;
	[tilespmem:s20+$0x5020] =	vst v3  }
0x83: {  	v2 =	vld [tilespmem:s20+$0x40];
	v20 =	vadd.f32 v21, v20;
	v5 =	vmax.f32 v5, $0.0e+00;
	[tilespmem:s20+$0x5080] =	vst v6  }
0x84: {  	v4 =	vld [tilespmem:s20+$0x60];
	v22 =	vadd.f32 v23, v22;
	v15 =	vmax.f32 v15, $0.0e+00;
	[tilespmem:s20+$0x5030] =	vst v5  }
0x85: {  	v12 =	vadd.f32 v17, v40;
	v46 =	vmax.f32 v20, $0.0e+00;
	v1 =	vld [tilespmem:s20+$0x2850];
	[tilespmem:s20+$0x50A0] =	vst v15  }
0x86: {  	v13 =	vadd.f32 v14, v13;
	v50 =	vmax.f32 v22, $0.0e+00;
	v3 =	vld [tilespmem:s20+$0x2860];
	[tilespmem:s20+$0x5100] =	vst v46  }
0x87: {  	v56 =	vld [tilespmem:s20+$0x28F0];
	v16 =	vadd.f32 v44, v24;
	v12 =	vmax.f32 v12, $0.0e+00;
	[tilespmem:s20+$0x5110] =	vst v50  }
0x88: {  	v9 =	vadd.f32 v10, v9;
	v6 =	vld [tilespmem:s20+$0x28C0];
	v5 =	vmax.f32 v13, $0.0e+00;
	[tilespmem:s20+$0x50B0] =	vst v12  }
0x89: {  	v54 =	vmax.f32 v16, $0.0e+00;
	[tilespmem:s20+$0x5090] =	vst v5;
	v5 =	vld [tilespmem:s20+$0x28D0];
	v2 =	vadd.f32 v7, v2  }
0x8a: {  	v9 =	vmax.f32 v9, $0.0e+00;
	[tilespmem:s20+$0x5120] =	vst v54;
	v1 =	vadd.f32 v1, v8;
	v8 =	vld [tilespmem:s20+$0x180]  }
0x8b: {  	[tilespmem:s20+$0x51F0] =	vst v9;
	v2 =	vmax.f32 v2, $0.0e+00;
	v3 =	vadd.f32 v3, v4;
	v4 =	vld [tilespmem:s20+$0x2980]  }
0x8c: {  	v57 =	vld [tilespmem:s20+$0x2960];
	[tilespmem:s20+$0x5040] =	vst v2;
	v2 =	vadd.f32 v43, v18;
	v1 =	vmax.f32 v1, $0.0e+00  }
0x8d: {  	v58 =	vld [tilespmem:s20+$0x190];
	[tilespmem:s20+$0x5050] =	vst v1;
	v1 =	vmax.f32 v3, $0.0e+00;
	v3 =	vadd.f32 v6, v41  }
0x8e: {  	v6 =	vld [tilespmem:s20+$0x2990];
	[tilespmem:s20+$0x5060] =	vst v1;
	v1 =	vmax.f32 v2, $0.0e+00;
	v2 =	vadd.f32 v5, v42  }
0x8f: {  	v59 =	vld [tilespmem:s20+$0x29A0];
	[tilespmem:s20+$0x5070] =	vst v1;
	v1 =	vmax.f32 v3, $0.0e+00;
	v3 =	vadd.f32 v25, v45  }
0x90: {  	v5 =	vld [tilespmem:s20+$0x1A0];
	[tilespmem:s20+$0x50C0] =	vst v1;
	v1 =	vmax.f32 v2, $0.0e+00;
	v2 =	vadd.f32 v4, v8  }
0x91: {  	v60 =	vld [tilespmem:s20+$0x29B0];
	v8 =	vadd.f32 v48, v19;
	[tilespmem:s20+$0x50D0] =	vst v1;
	v1 =	vmax.f32 v3, $0.0e+00  }
0x92: {  	v7 =	vld [tilespmem:s20+$0x170];
	v3 =	vadd.f32 v56, v52;
	[tilespmem:s20+$0x5130] =	vst v1;
	v1 =	vmax.f32 v2, $0.0e+00  }
0x93: {  	v2 =	vadd.f32 v6, v58;
	v6 =	vmax.f32 v8, $0.0e+00;
	v8 =	vld [tilespmem:s20+$0x2970];
	[tilespmem:s20+$0x5180] =	vst v1  }
0x94: {  	s22 =	smul.u32 $0x19A, s17;
	v4 =	vld [tilespmem:s20+$0x1B0];
	[tilespmem:s20+$0x50E0] =	vst v6;
	v1 =	vmax.f32 v3, $0.0e+00;
	v3 =	vadd.f32 v49, v47  }
0x95: {  	v61 =	vld [tilespmem:s20+$0x1C0];
	v5 =	vadd.f32 v59, v5;
	[tilespmem:s20+$0x50F0] =	vst v1;
	v2 =	vmax.f32 v2, $0.0e+00  }
0x96: {  	s10 =	sshrl.u32 s22, $0xB;
	v62 =	vadd.f32 v53, v51;
	v6 =	vld [tilespmem:s20+$0x29C0];
	[tilespmem:s20+$0x5190] =	vst v2;
	v2 =	vmax.f32 v3, $0.0e+00  }
0x97: {  	s11 =	smul.u32 $0xCD, s17;
	s10 =	sand.u32 $0x1F, s10;
	v63 =	vadd.f32 v57, v55;
	v1 =	vld [tilespmem:s20+$0x1D0];
	v5 =	vmax.f32 v5, $0.0e+00;
	[tilespmem:s20+$0x5140] =	vst v2  }
0x98: {  	s10 =	smul.u32 $0xA, s10;
	v3 =	vld [tilespmem:s20+$0x29D0];
	v2 =	vmax.f32 v62, $0.0e+00;
	[tilespmem:s20+$0x51A0] =	vst v5;
	v7 =	vadd.f32 v8, v7  }
0x99: {  	s19 =	sshll.u32 s17, $0x1;
	s23 =	sshrl.u32 s11, $0xA;
	[tilespmem:s20+$0x5150] =	vst v2;
	v2 =	vld [tilespmem:s20+$0x1E0];
	v8 =	vadd.f32 v60, v4;
	v4 =	vmax.f32 v63, $0.0e+00  }
0x9a: {  	s11 =	simm.s32 $0x2200;
	s18 =	sand.u32 $0x1, s23;
	s30 =	ssub.s32 s19, s10;
	[tilespmem:s20+$0x5160] =	vst v4;
	v4 =	vld [tilespmem:s20+$0x29E0];
	v5 =	vmax.f32 v7, $0.0e+00  }
0x9b: {  	s22 =	sand.u32 $0x3F, s23;
	s10 =	simm.s32 $0x0;
	s21 =	sand.u32 $0xFE, s30;
	v6 =	vadd.f32 v6, v61;
	v7 =	vmax.f32 v8, $0.0e+00;
	[tilespmem:s20+$0x5170] =	vst v5;
	v5 =	vld [tilespmem:s20+$0x0]  }
.LBB2_3:
0x9c: {  	v8 =	vld [tilespmem:s11+$0x1F0];
	[tilespmem:s20+$0x51B0] =	vst v7  }
0x9d: {  	s10 =	sadd.s32 $0x4, s10;
	v7 =	vld [tilespmem:s11+$0x29F0];
	v6 =	vmax.f32 v6, $0.0e+00;
	v1 =	vadd.f32 v3, v1  }
0x9e: {  	p2 =	slt.u32 s10, $0x24;
	v3 =	vld [tilespmem:s11+$0x2800];
	[tilespmem:s20+$0x51C0] =	vst v6  }
0x9f: {  	v6 =	vld [tilespmem:s11+$0x10];
	v1 =	vmax.f32 v1, $0.0e+00;
	v2 =	vadd.f32 v4, v2  }
0xa0: {  	v4 =	vld [tilespmem:s11+$0x2810];
	v9 =	vadd.f32 v0, v5;
	[tilespmem:s20+$0x51D0] =	vst v1  }
0xa1: {  	v1 =	vld [tilespmem:s11+$0x20];
	v2 =	vmax.f32 v2, $0.0e+00  }
0xa2: {  	v5 =	vld [tilespmem:s11+$0x2820];
	v7 =	vadd.f32 v7, v8;
	v8 =	vmax.f32 v9, $0.0e+00;
	[tilespmem:s20+$0x51E0] =	vst v2  }
0xa3: {  	v2 =	vld [tilespmem:s11+$0x30];
	[tilespmem:s20+$0x5000] =	vst v8;
	v0 =	vmov v3;
	s20 =	smov.u32 s11  }
0xa4: {  	v3 =	vld [tilespmem:s11+$0x2830];
	v7 =	vmax.f32 v7, $0.0e+00  }
0xa5: {  	v4 =	vadd.f32 v4, v6;
	v6 =	vld [tilespmem:s11+$0x40];
	[tilespmem:s11+$0x51F0] =	vst v7  }
0xa6: {  	v7 =	vld [tilespmem:s11+$0x2840]  }
0xa7: {  	v4 =	vmax.f32 v4, $0.0e+00;
	v1 =	vadd.f32 v5, v1;
	v5 =	vld [tilespmem:s11+$0x50]  }
0xa8: {  	[tilespmem:s11+$0x5010] =	vst v4;
	v4 =	vld [tilespmem:s11+$0x2850]  }
0xa9: {  	v1 =	vmax.f32 v1, $0.0e+00;
	v2 =	vadd.f32 v3, v2;
	v3 =	vld [tilespmem:s11+$0x60]  }
0xaa: {  	[tilespmem:s11+$0x5020] =	vst v1;
	v1 =	vld [tilespmem:s11+$0x2860]  }
0xab: {  	v2 =	vmax.f32 v2, $0.0e+00;
	v6 =	vadd.f32 v7, v6;
	v7 =	vld [tilespmem:s11+$0x70]  }
0xac: {  	[tilespmem:s11+$0x5030] =	vst v2;
	v2 =	vld [tilespmem:s11+$0x2870]  }
0xad: {  	v6 =	vmax.f32 v6, $0.0e+00;
	v4 =	vadd.f32 v4, v5;
	v5 =	vld [tilespmem:s11+$0x80]  }
0xae: {  	[tilespmem:s11+$0x5040] =	vst v6;
	v6 =	vld [tilespmem:s11+$0x2880]  }
0xaf: {  	v4 =	vmax.f32 v4, $0.0e+00;
	v1 =	vadd.f32 v1, v3;
	v3 =	vld [tilespmem:s11+$0x90]  }
0xb0: {  	[tilespmem:s11+$0x5050] =	vst v4;
	v4 =	vld [tilespmem:s11+$0x2890]  }
0xb1: {  	v1 =	vmax.f32 v1, $0.0e+00;
	v2 =	vadd.f32 v2, v7;
	v7 =	vld [tilespmem:s11+$0xA0]  }
0xb2: {  	[tilespmem:s11+$0x5060] =	vst v1;
	v1 =	vld [tilespmem:s11+$0x28A0]  }
0xb3: {  	v2 =	vmax.f32 v2, $0.0e+00;
	v5 =	vadd.f32 v6, v5;
	v6 =	vld [tilespmem:s11+$0xB0]  }
0xb4: {  	[tilespmem:s11+$0x5070] =	vst v2;
	v2 =	vld [tilespmem:s11+$0x28B0]  }
0xb5: {  	v5 =	vmax.f32 v5, $0.0e+00;
	v3 =	vadd.f32 v4, v3;
	v4 =	vld [tilespmem:s11+$0xC0]  }
0xb6: {  	[tilespmem:s11+$0x5080] =	vst v5;
	v5 =	vld [tilespmem:s11+$0x28C0]  }
0xb7: {  	v3 =	vmax.f32 v3, $0.0e+00;
	v1 =	vadd.f32 v1, v7;
	v7 =	vld [tilespmem:s11+$0xD0]  }
0xb8: {  	[tilespmem:s11+$0x5090] =	vst v3;
	v3 =	vld [tilespmem:s11+$0x28D0]  }
0xb9: {  	v1 =	vmax.f32 v1, $0.0e+00;
	v2 =	vadd.f32 v2, v6;
	v6 =	vld [tilespmem:s11+$0xE0]  }
0xba: {  	[tilespmem:s11+$0x50A0] =	vst v1;
	v1 =	vld [tilespmem:s11+$0x28E0]  }
0xbb: {  	v2 =	vmax.f32 v2, $0.0e+00;
	v4 =	vadd.f32 v5, v4;
	v5 =	vld [tilespmem:s11+$0xF0]  }
0xbc: {  	[tilespmem:s11+$0x50B0] =	vst v2;
	v2 =	vld [tilespmem:s11+$0x28F0]  }
0xbd: {  	v4 =	vmax.f32 v4, $0.0e+00;
	v3 =	vadd.f32 v3, v7;
	v7 =	vld [tilespmem:s11+$0x100]  }
0xbe: {  	[tilespmem:s11+$0x50C0] =	vst v4;
	v4 =	vld [tilespmem:s11+$0x2900]  }
0xbf: {  	v3 =	vmax.f32 v3, $0.0e+00;
	v1 =	vadd.f32 v1, v6;
	v6 =	vld [tilespmem:s11+$0x110]  }
0xc0: {  	[tilespmem:s11+$0x50D0] =	vst v3;
	v3 =	vld [tilespmem:s11+$0x2910]  }
0xc1: {  	v1 =	vmax.f32 v1, $0.0e+00;
	v2 =	vadd.f32 v2, v5;
	v5 =	vld [tilespmem:s11+$0x120]  }
0xc2: {  	[tilespmem:s11+$0x50E0] =	vst v1;
	v1 =	vld [tilespmem:s11+$0x2920]  }
0xc3: {  	v2 =	vmax.f32 v2, $0.0e+00;
	v4 =	vadd.f32 v4, v7;
	v7 =	vld [tilespmem:s11+$0x130]  }
0xc4: {  	[tilespmem:s11+$0x50F0] =	vst v2;
	v2 =	vld [tilespmem:s11+$0x2930]  }
0xc5: {  	v4 =	vmax.f32 v4, $0.0e+00;
	v3 =	vadd.f32 v3, v6;
	v6 =	vld [tilespmem:s11+$0x140]  }
0xc6: {  	[tilespmem:s11+$0x5100] =	vst v4;
	v4 =	vld [tilespmem:s11+$0x2940]  }
0xc7: {  	v3 =	vmax.f32 v3, $0.0e+00;
	v1 =	vadd.f32 v1, v5;
	v5 =	vld [tilespmem:s11+$0x150]  }
0xc8: {  	[tilespmem:s11+$0x5110] =	vst v3;
	v3 =	vld [tilespmem:s11+$0x2950]  }
0xc9: {  	v1 =	vmax.f32 v1, $0.0e+00;
	v2 =	vadd.f32 v2, v7;
	v7 =	vld [tilespmem:s11+$0x160]  }
0xca: {  	[tilespmem:s11+$0x5120] =	vst v1;
	v1 =	vld [tilespmem:s11+$0x2960]  }
0xcb: {  	v2 =	vmax.f32 v2, $0.0e+00;
	v4 =	vadd.f32 v4, v6;
	v6 =	vld [tilespmem:s11+$0x170]  }
0xcc: {  	[tilespmem:s11+$0x5130] =	vst v2;
	v2 =	vld [tilespmem:s11+$0x2970]  }
0xcd: {  	v4 =	vmax.f32 v4, $0.0e+00;
	v3 =	vadd.f32 v3, v5;
	v5 =	vld [tilespmem:s11+$0x180]  }
0xce: {  	[tilespmem:s11+$0x5140] =	vst v4;
	v4 =	vld [tilespmem:s11+$0x2980]  }
0xcf: {  	v3 =	vmax.f32 v3, $0.0e+00;
	v1 =	vadd.f32 v1, v7;
	v7 =	vld [tilespmem:s11+$0x190]  }
0xd0: {  	[tilespmem:s11+$0x5150] =	vst v3;
	v3 =	vld [tilespmem:s11+$0x2990]  }
0xd1: {  	v1 =	vmax.f32 v1, $0.0e+00;
	v2 =	vadd.f32 v2, v6;
	v6 =	vld [tilespmem:s11+$0x1A0]  }
0xd2: {  	[tilespmem:s11+$0x5160] =	vst v1;
	v1 =	vld [tilespmem:s11+$0x29A0]  }
0xd3: {  	v2 =	vmax.f32 v2, $0.0e+00;
	v4 =	vadd.f32 v4, v5;
	v5 =	vld [tilespmem:s11+$0x1B0]  }
0xd4: {  	[tilespmem:s11+$0x5170] =	vst v2;
	v2 =	vld [tilespmem:s11+$0x29B0]  }
0xd5: {  	v4 =	vmax.f32 v4, $0.0e+00;
	v3 =	vadd.f32 v3, v7;
	v8 =	vld [tilespmem:s11+$0x1C0]  }
0xd6: {  	[tilespmem:s11+$0x5180] =	vst v4;
	v9 =	vld [tilespmem:s11+$0x29C0]  }
.Ltmp2:
0xd7: {  	v3 =	vmax.f32 v3, $0.0e+00;
	v4 =	vadd.f32 v1, v6;
	v1 =	vld [tilespmem:s11+$0x1D0];
	(pc) =	sbr.rel @p2 .LBB2_3-.Ltmp2, $4  }
0xd8: {  	[tilespmem:s11+$0x5190] =	vst v3;
	v3 =	vld [tilespmem:s11+$0x29D0]  }
0xd9: {  	v4 =	vmax.f32 v4, $0.0e+00;
	v6 =	vadd.f32 v2, v5;
	v2 =	vld [tilespmem:s11+$0x1E0]  }
0xda: {  	[tilespmem:s11+$0x51A0] =	vst v4;
	v4 =	vld [tilespmem:s11+$0x29E0]  }
0xdb: {  	s11 =	sadd.s32 $0x200, s11;
	v5 =	vld [tilespmem:s20+$0x0];
	v7 =	vmax.f32 v6, $0.0e+00;
	v6 =	vadd.f32 v9, v8  }
0xdc: {  	_ =	sdelay $0x1  }
0xdd: {  	v1 =	vadd.f32 v3, v1  }
0xde: {  	[tilespmem:s20+$0x51B0] =	vst v7;
	v3 =	vmax.f32 v6, $0.0e+00;
	v2 =	vadd.f32 v4, v2  }
0xdf: {  	[tilespmem:s20+$0x51C0] =	vst v3;
	v1 =	vmax.f32 v1, $0.0e+00;
	v0 =	vadd.f32 v0, v5  }
0xe0: {  	s10 =	sand.u32 $0xFF, s30;
	[tilespmem:s20+$0x51D0] =	vst v1;
	v1 =	vmax.f32 v2, $0.0e+00  }
0xe1: {  	s11 =	sshll.u32 s18, $0xB;
	p2 =	seq.s32 s17, $0x7C;
	p3 =	sne.s32 s10, $0x0;
	v0 =	vmax.f32 v0, $0.0e+00;
	[tilespmem:s20+$0x51E0] =	vst v1  }
0xe2: {  	s15 =	sshll.u32 s21, $0x7;
	s21 =	sadd.s32 @!p2 $0x2, s19;
	s10 =	sadd.s32 @!p3 $0x3, s18;
	[tilespmem:s20+$0x5000] =	vst v0  }
0xe3: {  	s20 =	sor.u32 $0x1000, s11;
	s11 =	smul.u32 @!p2 $0x1400, s21;
	_ =	swait.ge @!p3 [sflag:s10], $0x500  }
0xe4: {  	s23 =	sadd.s32 s15, s20;
	[sflag:s10] =	ssyncset.done @!p3 $0x0  }
0xe5: {  	[sflag:s10] =	ssyncadd.s32 @!p3 $0xFFFFFB00;
	s10 =	sadd.s32 @!p2 s14, s11;
	s11 =	smulhi.u32 @!p2 $0x66666667, s21  }
0xe6: {  	[spmem:s3] =	stream.indirect.scatter.add.f32 [tilespmem:s0], [sflag:$0x9], $0x80, s23, s31, $0xb8;
	[tilespmem:$0x1D080] =	vst v63  }
0xe7: {  	s30 =	simm.s32 @!p2 $0x0;
	s10 =	sshrl.u32 @!p2 s10, $0x3;
	s11 =	sshrl.u32 @!p2 s11, $0x2  }
0xe8: {  	s23 =	simm.s32 @!p2 $0x4800;
	s10 =	sadd.s32 @!p2 s2, s10;
	s15 =	smul.u32 @!p2 $0xA, s11  }
0xe9: {  	[tilespmem:s23], [sflag:$0x5] =	stream.linear.gather @!p2 [hbm4b:s10+s30], $0x1400, $0x38;
	[tilespmem:$0x1D080] =	vst v63  }
0xea: {  	s10 =	ssub.s32 @!p2 s21, s15  }
0xeb: {  	p3 =	sne.s32 @!p2 s10, $0x0  }
0xec: {  	s11 =	sand.u32 @!p2 $0x1, s11;
	p3 =	por p3, p2  }
0xed: {  	s21 =	simm.s32 @!p2 $0x2000;
	s10 =	sshll.u32 @!p2 s10, $0x7;
	s15 =	sadd.s32 @!p3 $0x1, s11  }
0xee: {  	s10 =	sand.u32 @!p2 $0x3FFFFF80, s10;
	s11 =	sshll.u32 @!p2 s11, $0xB;
	_ =	swait.ge @!p3 [sflag:s15], $0x500  }
0xef: {  	s10 =	sadd.s32 @!p2 s10, s11;
	s11 =	sor.u32 $0x1, s19;
	[sflag:s15] =	ssyncset.done @!p3 $0x0  }
0xf0: {  	s30 =	smulhi.u32 $0x66666667, s11;
	[sflag:s15] =	ssyncadd.s32 @!p3 $0xFFFFFB00;
	s15 =	simm.s32 @!p2 $0x28  }
0xf1: {  	[tilespmem:s21], [sflag:$0x7] =	stream.indirect.gather @!p2 [hbm4b:s1+s15], $0x80, s10, s15, $0xb8;
	[tilespmem:$0x1D080] =	vst v63  }
0xf2: {  	s30 =	sshrl.u32 s30, $0x2  }
0xf3: {  	s10 =	smul.u32 $0xA, s30;
	_ =	swait.ge [sflag:s24], $0x1400  }
0xf4: {  	p3 =	sgt.u32 @!p1 s17, $0x73;
	[sflag:s24] =	ssyncset.done $0x0  }
0xf5: {  	p4 =	por p3, p1;
	s21 =	ssub.s32 s11, s10;
	[sflag:s24] =	ssyncadd.s32 $0xFFFFEC00  }
0xf6: {  	_ =	swait.ge [sflag:s7], $0x1400;
	p4 =	sne.s32 @!p4 s21, $0x1  }
0xf7: {  	[sflag:s7] =	ssyncset.done $0x0;
	p3 =	por @!p1 p4, p3  }
0xf8: {  	s10 =	simm.s32 @!p1 $0xA;
	[sflag:s7] =	ssyncadd.s32 $0xFFFFEC00;
	p3 =	por p3, p1  }
0xf9: {  	_ =	swait.ge @!p1 [sflag:s10], $0x1400;
	s11 =	sshll.u32 @!p3 s22, $0xB;
	s15 =	sxor.u32 @!p3 $0x1, s18  }
0xfa: {  	s23 =	simm.s32 @!p3 $0x0;
	[sflag:s10] =	ssyncset.done @!p1 $0x0;
	s11 =	sadd.s32 @!p3 s11, s13  }
0xfb: {  	s18 =	sadd.s32 @!p3 $0x1, s15;
	[sflag:s10] =	ssyncadd.s32 @!p1 $0xFFFFEC00;
	s11 =	sshrl.u32 @!p3 s11, $0x3  }
0xfc: {  	s10 =	sshll.u32 @!p3 s15, $0xB;
	s15 =	sadd.s32 @!p3 $0x3, s15;
	s22 =	sadd.s32 @!p3 s5, s11  }
0xfd: {  	[tilespmem:s10], [sflag:s18] =	stream.linear.gather @!p3 [hbm4b:s22+s23], $0x500, $0x38;
	[tilespmem:$0x1D080] =	vst v63  }
0xfe: {  	s11 =	sadd.s32 @!p3 s6, s11;
	s10 =	sor.u32 @!p3 $0x1000, s10;
	s22 =	simm.s32 $0x0  }
0xff: {  	[tilespmem:s10], [sflag:s15] =	stream.linear.gather @!p3 [hbm4b:s11+s23], $0x500, $0x38;
	[tilespmem:$0x1D080] =	vst v63  }
0x100: {  	v0 =	vld [tilespmem:s22+$0x3400]  }
0x101: {  	v1 =	vld [tilespmem:s22+$0x5C00]  }
0x102: {  	v2 =	vld [tilespmem:s22+$0x3410]  }
0x103: {  	v3 =	vld [tilespmem:s22+$0x5C10]  }
0x104: {  	v4 =	vld [tilespmem:s22+$0x3420]  }
0x105: {  	v5 =	vld [tilespmem:s22+$0x5C20]  }
0x106: {  	v6 =	vld [tilespmem:s22+$0x5C30]  }
0x107: {  	v7 =	vld [tilespmem:s22+$0x3440]  }
0x108: {  	v8 =	vld [tilespmem:s22+$0x35F0]  }
0x109: {  	v9 =	vld [tilespmem:s22+$0x5DF0]  }
0x10a: {  	v10 =	vld [tilespmem:s22+$0x3480]  }
0x10b: {  	v11 =	vld [tilespmem:s22+$0x5C80]  }
0x10c: {  	v12 =	vld [tilespmem:s22+$0x3490]  }
0x10d: {  	v13 =	vld [tilespmem:s22+$0x5C90]  }
0x10e: {  	v14 =	vld [tilespmem:s22+$0x34A0]  }
0x10f: {  	v15 =	vld [tilespmem:s22+$0x5CA0]  }
0x110: {  	v42 =	vld [tilespmem:s22+$0x34B0]  }
0x111: {  	v16 =	vld [tilespmem:s22+$0x5CB0]  }
0x112: {  	v43 =	vld [tilespmem:s22+$0x34C0]  }
0x113: {  	v17 =	vld [tilespmem:s22+$0x3470]  }
0x114: {  	v44 =	vld [tilespmem:s22+$0x34D0]  }
0x115: {  	v45 =	vld [tilespmem:s22+$0x5C70]  }
0x116: {  	v18 =	vld [tilespmem:s22+$0x3500]  }
0x117: {  	v19 =	vld [tilespmem:s22+$0x5D00]  }
0x118: {  	v20 =	vld [tilespmem:s22+$0x3510]  }
0x119: {  	v21 =	vld [tilespmem:s22+$0x5D10]  }
0x11a: {  	v22 =	vld [tilespmem:s22+$0x3520]  }
0x11b: {  	v23 =	vld [tilespmem:s22+$0x5D20]  }
0x11c: {  	v46 =	vld [tilespmem:s22+$0x3530]  }
0x11d: {  	v24 =	vld [tilespmem:s22+$0x5D30]  }
0x11e: {  	v48 =	vld [tilespmem:s22+$0x3540]  }
0x11f: {  	v49 =	vld [tilespmem:s22+$0x34E0]  }
0x120: {  	v50 =	vld [tilespmem:s22+$0x5D40]  }
0x121: {  	v52 =	vld [tilespmem:s22+$0x3550];
	v0 =	vadd.f32 v1, v0  }
0x122: {  	v53 =	vld [tilespmem:s22+$0x5CE0];
	v2 =	vadd.f32 v3, v2  }
0x123: {  	v54 =	vld [tilespmem:s22+$0x5D50];
	v4 =	vadd.f32 v5, v4;
	v0 =	vmax.f32 v0, $0.0e+00  }
0x124: {  	v56 =	vld [tilespmem:s22+$0x3560];
	v18 =	vadd.f32 v19, v18;
	v2 =	vmax.f32 v2, $0.0e+00;
	[tilespmem:s22+$0x8400] =	vst v0  }
0x125: {  	v57 =	vld [tilespmem:s22+$0x34F0];
	v14 =	vadd.f32 v15, v14;
	v4 =	vmax.f32 v4, $0.0e+00;
	[tilespmem:s22+$0x8410] =	vst v2  }
0x126: {  	v1 =	vld [tilespmem:s22+$0x3430];
	v20 =	vadd.f32 v21, v20;
	v47 =	vmax.f32 v18, $0.0e+00;
	[tilespmem:s22+$0x8420] =	vst v4  }
0x127: {  	v3 =	vld [tilespmem:s22+$0x3450];
	v22 =	vadd.f32 v23, v22;
	v14 =	vmax.f32 v14, $0.0e+00;
	[tilespmem:s22+$0x8500] =	vst v47  }
0x128: {  	v10 =	vadd.f32 v11, v10;
	v11 =	vadd.f32 v16, v42;
	v51 =	vmax.f32 v20, $0.0e+00;
	v0 =	vld [tilespmem:s22+$0x5C40];
	[tilespmem:s22+$0x84A0] =	vst v14  }
0x129: {  	v19 =	vadd.f32 v24, v46;
	v55 =	vmax.f32 v22, $0.0e+00;
	v2 =	vld [tilespmem:s22+$0x5C50];
	[tilespmem:s22+$0x8510] =	vst v51  }
0x12a: {  	v5 =	vld [tilespmem:s22+$0x3460];
	v58 =	vmax.f32 v11, $0.0e+00;
	[tilespmem:s22+$0x8520] =	vst v55  }
0x12b: {  	v60 =	vmax.f32 v19, $0.0e+00;
	v4 =	vld [tilespmem:s22+$0x5C60];
	[tilespmem:s22+$0x84B0] =	vst v58;
	v1 =	vadd.f32 v6, v1  }
0x12c: {  	v61 =	vld [tilespmem:s22+$0x3570];
	v12 =	vadd.f32 v13, v12;
	[tilespmem:s22+$0x8530] =	vst v60;
	v6 =	vmax.f32 v10, $0.0e+00  }
0x12d: {  	v8 =	vadd.f32 v9, v8;
	[tilespmem:s22+$0x8480] =	vst v6;
	v6 =	vld [tilespmem:s22+$0x5CC0];
	v1 =	vmax.f32 v1, $0.0e+00  }
0x12e: {  	[tilespmem:s22+$0x8430] =	vst v1;
	v1 =	vmax.f32 v12, $0.0e+00;
	v0 =	vadd.f32 v0, v7;
	v2 =	vadd.f32 v2, v3;
	v3 =	vld [tilespmem:s22+$0x5D70]  }
0x12f: {  	v7 =	vmax.f32 v8, $0.0e+00;
	[tilespmem:s22+$0x8490] =	vst v1;
	v1 =	vld [tilespmem:s22+$0x5CD0]  }
0x130: {  	v8 =	vld [tilespmem:s22+$0x5CF0];
	v4 =	vadd.f32 v4, v5;
	[tilespmem:s22+$0x85F0] =	vst v7;
	v0 =	vmax.f32 v0, $0.0e+00  }
0x131: {  	v5 =	vld [tilespmem:s22+$0x3580];
	[tilespmem:s22+$0x8440] =	vst v0;
	v0 =	vmax.f32 v2, $0.0e+00;
	v2 =	vadd.f32 v45, v17  }
0x132: {  	v7 =	vld [tilespmem:s22+$0x5D80];
	[tilespmem:s22+$0x8450] =	vst v0;
	v0 =	vmax.f32 v4, $0.0e+00;
	v4 =	vadd.f32 v6, v43  }
0x133: {  	v59 =	vld [tilespmem:s22+$0x5D60];
	[tilespmem:s22+$0x8460] =	vst v0;
	v0 =	vmax.f32 v2, $0.0e+00;
	v3 =	vadd.f32 v3, v61  }
0x134: {  	v6 =	vld [tilespmem:s22+$0x3590];
	v1 =	vadd.f32 v1, v44;
	[tilespmem:s22+$0x8470] =	vst v0;
	v0 =	vmax.f32 v4, $0.0e+00  }
0x135: {  	v2 =	vld [tilespmem:s22+$0x5D90];
	v4 =	vadd.f32 v53, v49;
	[tilespmem:s22+$0x84C0] =	vst v0;
	v3 =	vmax.f32 v3, $0.0e+00  }
0x136: {  	v62 =	vld [tilespmem:s22+$0x35A0];
	v0 =	vmax.f32 v1, $0.0e+00;
	v1 =	vadd.f32 v8, v57;
	[tilespmem:s22+$0x8570] =	vst v3  }
0x137: {  	v8 =	vld [tilespmem:s22+$0x5DA0];
	[tilespmem:s22+$0x84D0] =	vst v0;
	v0 =	vmax.f32 v4, $0.0e+00;
	v4 =	vadd.f32 v7, v5  }
0x138: {  	v5 =	vld [tilespmem:s22+$0x35B0];
	[tilespmem:s22+$0x84E0] =	vst v0;
	v0 =	vmax.f32 v1, $0.0e+00;
	v1 =	vadd.f32 v50, v48  }
0x139: {  	v63 =	vadd.f32 v54, v52;
	v7 =	vld [tilespmem:s22+$0x5DB0];
	[tilespmem:s22+$0x84F0] =	vst v0;
	v4 =	vmax.f32 v4, $0.0e+00  }
0x13a: {  	v6 =	vadd.f32 v2, v6;
	v2 =	vld [tilespmem:s22+$0x5DC0];
	[tilespmem:s22+$0x8580] =	vst v4;
	v1 =	vmax.f32 v1, $0.0e+00;
	v4 =	vadd.f32 v59, v56  }
0x13b: {  	v0 =	vld [tilespmem:s22+$0x35C0];
	[tilespmem:s22+$0x8540] =	vst v1;
	v1 =	vmax.f32 v63, $0.0e+00  }
0x13c: {  	v8 =	vadd.f32 v8, v62;
	[tilespmem:s22+$0x8550] =	vst v1;
	v1 =	vld [tilespmem:s22+$0x35D0];
	v4 =	vmax.f32 v4, $0.0e+00  }
0x13d: {  	v6 =	vmax.f32 v6, $0.0e+00;
	[tilespmem:s22+$0x8560] =	vst v4;
	v4 =	vld [tilespmem:s22+$0x5DD0]  }
0x13e: {  	s10 =	simm.s32 $0x0;
	s11 =	simm.s32 $0x800;
	v3 =	vld [tilespmem:s22+$0x35E0];
	[tilespmem:s22+$0x8590] =	vst v6;
	v5 =	vadd.f32 v7, v5;
	v6 =	vmax.f32 v8, $0.0e+00  }
.LBB2_5:
0x13f: {  	s15 =	sshra.s32 s11, $0x2;
	[tilespmem:s22+$0x85A0] =	vst v6;
	v6 =	vld [tilespmem:s22+$0x5DE0]  }
0x140: {  	s10 =	sadd.s32 $0x4, s10;
	v7 =	vld [tilespmem:s15+$0x35F0];
	v5 =	vmax.f32 v5, $0.0e+00;
	v0 =	vadd.f32 v2, v0  }
0x141: {  	p1 =	slt.u32 s10, $0x24;
	v2 =	vld [tilespmem:s15+$0x5DF0];
	[tilespmem:s22+$0x85B0] =	vst v5  }
0x142: {  	v5 =	vld [tilespmem:s15+$0x3400];
	v0 =	vmax.f32 v0, $0.0e+00;
	v1 =	vadd.f32 v4, v1  }
0x143: {  	v4 =	vld [tilespmem:s15+$0x5C00];
	[tilespmem:s22+$0x85C0] =	vst v0  }
0x144: {  	v0 =	vld [tilespmem:s15+$0x3410];
	v1 =	vmax.f32 v1, $0.0e+00;
	v3 =	vadd.f32 v6, v3  }
0x145: {  	v6 =	vld [tilespmem:s15+$0x5C10];
	[tilespmem:s22+$0x85D0] =	vst v1  }
0x146: {  	v1 =	vld [tilespmem:s15+$0x3420];
	v2 =	vadd.f32 v2, v7;
	v3 =	vmax.f32 v3, $0.0e+00  }
0x147: {  	v7 =	vld [tilespmem:s15+$0x5C20];
	[tilespmem:s22+$0x85E0] =	vst v3;
	s22 =	smov.u32 s15  }
0x148: {  	v3 =	vadd.f32 v4, v5;
	v4 =	vld [tilespmem:s22+$0x3430];
	v2 =	vmax.f32 v2, $0.0e+00  }
0x149: {  	v5 =	vld [tilespmem:s22+$0x5C30];
	[tilespmem:s22+$0x85F0] =	vst v2  }
0x14a: {  	v2 =	vmax.f32 v3, $0.0e+00;
	v0 =	vadd.f32 v6, v0;
	v3 =	vld [tilespmem:s22+$0x3440]  }
0x14b: {  	[tilespmem:s22+$0x8400] =	vst v2;
	v2 =	vld [tilespmem:s22+$0x5C40]  }
0x14c: {  	v0 =	vmax.f32 v0, $0.0e+00;
	v1 =	vadd.f32 v7, v1;
	v6 =	vld [tilespmem:s22+$0x3450]  }
0x14d: {  	[tilespmem:s22+$0x8410] =	vst v0;
	v0 =	vld [tilespmem:s22+$0x5C50]  }
0x14e: {  	v1 =	vmax.f32 v1, $0.0e+00;
	v4 =	vadd.f32 v5, v4;
	v5 =	vld [tilespmem:s22+$0x3460]  }
0x14f: {  	[tilespmem:s22+$0x8420] =	vst v1;
	v1 =	vld [tilespmem:s22+$0x5C60]  }
0x150: {  	v4 =	vmax.f32 v4, $0.0e+00;
	v2 =	vadd.f32 v2, v3;
	v3 =	vld [tilespmem:s22+$0x3470]  }
0x151: {  	[tilespmem:s22+$0x8430] =	vst v4;
	v4 =	vld [tilespmem:s22+$0x5C70]  }
0x152: {  	v2 =	vmax.f32 v2, $0.0e+00;
	v0 =	vadd.f32 v0, v6;
	v6 =	vld [tilespmem:s22+$0x3480]  }
0x153: {  	[tilespmem:s22+$0x8440] =	vst v2;
	v2 =	vld [tilespmem:s22+$0x5C80]  }
0x154: {  	v0 =	vmax.f32 v0, $0.0e+00;
	v1 =	vadd.f32 v1, v5;
	v5 =	vld [tilespmem:s22+$0x3490]  }
0x155: {  	[tilespmem:s22+$0x8450] =	vst v0;
	v0 =	vld [tilespmem:s22+$0x5C90]  }
0x156: {  	v1 =	vmax.f32 v1, $0.0e+00;
	v3 =	vadd.f32 v4, v3;
	v4 =	vld [tilespmem:s22+$0x34A0]  }
0x157: {  	[tilespmem:s22+$0x8460] =	vst v1;
	v1 =	vld [tilespmem:s22+$0x5CA0]  }
0x158: {  	v3 =	vmax.f32 v3, $0.0e+00;
	v2 =	vadd.f32 v2, v6;
	v6 =	vld [tilespmem:s22+$0x34B0]  }
0x159: {  	[tilespmem:s22+$0x8470] =	vst v3;
	v3 =	vld [tilespmem:s22+$0x5CB0]  }
0x15a: {  	v2 =	vmax.f32 v2, $0.0e+00;
	v0 =	vadd.f32 v0, v5;
	v5 =	vld [tilespmem:s22+$0x34C0]  }
0x15b: {  	[tilespmem:s22+$0x8480] =	vst v2;
	v2 =	vld [tilespmem:s22+$0x5CC0]  }
0x15c: {  	v0 =	vmax.f32 v0, $0.0e+00;
	v1 =	vadd.f32 v1, v4;
	v4 =	vld [tilespmem:s22+$0x34D0]  }
0x15d: {  	[tilespmem:s22+$0x8490] =	vst v0;
	v0 =	vld [tilespmem:s22+$0x5CD0]  }
0x15e: {  	v1 =	vmax.f32 v1, $0.0e+00;
	v3 =	vadd.f32 v3, v6;
	v6 =	vld [tilespmem:s22+$0x34E0]  }
0x15f: {  	[tilespmem:s22+$0x84A0] =	vst v1;
	v1 =	vld [tilespmem:s22+$0x5CE0]  }
0x160: {  	v3 =	vmax.f32 v3, $0.0e+00;
	v2 =	vadd.f32 v2, v5;
	v5 =	vld [tilespmem:s22+$0x34F0]  }
0x161: {  	[tilespmem:s22+$0x84B0] =	vst v3;
	v3 =	vld [tilespmem:s22+$0x5CF0]  }
0x162: {  	v2 =	vmax.f32 v2, $0.0e+00;
	v0 =	vadd.f32 v0, v4;
	v4 =	vld [tilespmem:s22+$0x3500]  }
0x163: {  	[tilespmem:s22+$0x84C0] =	vst v2;
	v2 =	vld [tilespmem:s22+$0x5D00]  }
0x164: {  	v0 =	vmax.f32 v0, $0.0e+00;
	v1 =	vadd.f32 v1, v6;
	v6 =	vld [tilespmem:s22+$0x3510]  }
0x165: {  	[tilespmem:s22+$0x84D0] =	vst v0;
	v0 =	vld [tilespmem:s22+$0x5D10]  }
0x166: {  	v1 =	vmax.f32 v1, $0.0e+00;
	v3 =	vadd.f32 v3, v5;
	v5 =	vld [tilespmem:s22+$0x3520]  }
0x167: {  	[tilespmem:s22+$0x84E0] =	vst v1;
	v1 =	vld [tilespmem:s22+$0x5D20]  }
0x168: {  	v3 =	vmax.f32 v3, $0.0e+00;
	v2 =	vadd.f32 v2, v4;
	v4 =	vld [tilespmem:s22+$0x3530]  }
0x169: {  	[tilespmem:s22+$0x84F0] =	vst v3;
	v3 =	vld [tilespmem:s22+$0x5D30]  }
0x16a: {  	v2 =	vmax.f32 v2, $0.0e+00;
	v0 =	vadd.f32 v0, v6;
	v6 =	vld [tilespmem:s22+$0x3540]  }
0x16b: {  	[tilespmem:s22+$0x8500] =	vst v2;
	v2 =	vld [tilespmem:s22+$0x5D40]  }
0x16c: {  	v0 =	vmax.f32 v0, $0.0e+00;
	v1 =	vadd.f32 v1, v5;
	v5 =	vld [tilespmem:s22+$0x3550]  }
0x16d: {  	[tilespmem:s22+$0x8510] =	vst v0;
	v0 =	vld [tilespmem:s22+$0x5D50]  }
0x16e: {  	v1 =	vmax.f32 v1, $0.0e+00;
	v3 =	vadd.f32 v3, v4;
	v4 =	vld [tilespmem:s22+$0x3560]  }
0x16f: {  	[tilespmem:s22+$0x8520] =	vst v1;
	v1 =	vld [tilespmem:s22+$0x5D60]  }
0x170: {  	v3 =	vmax.f32 v3, $0.0e+00;
	v2 =	vadd.f32 v2, v6;
	v6 =	vld [tilespmem:s22+$0x3570]  }
0x171: {  	[tilespmem:s22+$0x8530] =	vst v3;
	v3 =	vld [tilespmem:s22+$0x5D70]  }
0x172: {  	v2 =	vmax.f32 v2, $0.0e+00;
	v0 =	vadd.f32 v0, v5;
	v5 =	vld [tilespmem:s22+$0x3580]  }
0x173: {  	[tilespmem:s22+$0x8540] =	vst v2;
	v2 =	vld [tilespmem:s22+$0x5D80]  }
0x174: {  	v0 =	vmax.f32 v0, $0.0e+00;
	v1 =	vadd.f32 v1, v4;
	v4 =	vld [tilespmem:s22+$0x3590]  }
0x175: {  	[tilespmem:s22+$0x8550] =	vst v0;
	v0 =	vld [tilespmem:s22+$0x5D90]  }
0x176: {  	v1 =	vmax.f32 v1, $0.0e+00;
	v3 =	vadd.f32 v3, v6;
	v6 =	vld [tilespmem:s22+$0x35A0]  }
0x177: {  	[tilespmem:s22+$0x8560] =	vst v1;
	v1 =	vld [tilespmem:s22+$0x5DA0]  }
0x178: {  	v3 =	vmax.f32 v3, $0.0e+00;
	v2 =	vadd.f32 v2, v5;
	v5 =	vld [tilespmem:s22+$0x35B0]  }
0x179: {  	[tilespmem:s22+$0x8570] =	vst v3;
	v3 =	vld [tilespmem:s22+$0x5DB0]  }
.Ltmp3:
0x17a: {  	v2 =	vmax.f32 v2, $0.0e+00;
	v4 =	vadd.f32 v0, v4;
	v0 =	vld [tilespmem:s22+$0x35C0];
	(pc) =	sbr.rel @p1 .LBB2_5-.Ltmp3, $4  }
0x17b: {  	[tilespmem:s22+$0x8580] =	vst v2;
	v2 =	vld [tilespmem:s22+$0x5DC0]  }
0x17c: {  	v4 =	vmax.f32 v4, $0.0e+00;
	v6 =	vadd.f32 v1, v6;
	v1 =	vld [tilespmem:s22+$0x35D0]  }
0x17d: {  	[tilespmem:s22+$0x8590] =	vst v4;
	v4 =	vld [tilespmem:s22+$0x5DD0]  }
0x17e: {  	s11 =	sadd.s32 $0x800, s11;
	v6 =	vmax.f32 v6, $0.0e+00;
	v5 =	vadd.f32 v3, v5;
	v3 =	vld [tilespmem:s22+$0x35E0]  }
0x17f: {  	v59 =	vld [tilespmem:s22+$0x5DE0];
	_ =	sdelay $0x2  }
0x180: {  	v0 =	vadd.f32 v2, v0  }
0x181: {  	[tilespmem:s22+$0x85A0] =	vst v6;
	v60 =	vmax.f32 v5, $0.0e+00;
	v1 =	vadd.f32 v4, v1  }
.Ltmp4:
0x182: {  	[tilespmem:s22+$0x85B0] =	vst v60;
	v0 =	vmax.f32 v0, $0.0e+00;
	v61 =	vadd.f32 v59, v3;
	(pc) =	sbr.rel @p2 .LBB2_8-.Ltmp4, $4  }
0x183: {  	s10 =	sshll.u32 s21, $0x7;
	[tilespmem:s22+$0x85C0] =	vst v0;
	v62 =	vmax.f32 v1, $0.0e+00  }
0x184: {  	s10 =	sand.u32 $0x3FFFFF80, s10;
	[tilespmem:s22+$0x85D0] =	vst v62;
	v63 =	vmax.f32 v61, $0.0e+00  }
0x185: {  	s10 =	sadd.s32 s10, s20;
	[tilespmem:s22+$0x85E0] =	vst v63  }
0x186: {  	[spmem:s3] =	stream.indirect.scatter.add.f32 [tilespmem:s8], [sflag:$0xA], $0x80, s10, s31, $0xb8;
	[tilespmem:$0x1D080] =	vst v63  }
0x187: {  	s10 =	sadd.s32 $0x3, s19  }
0x188: {  	s11 =	smul.u32 $0x1400, s10  }
0x189: {  	s15 =	smulhi.u32 $0x66666667, s10  }
0x18a: {  	s11 =	sadd.s32 s14, s11  }
0x18b: {  	s18 =	sshrl.u32 s15, $0x2;
	s11 =	sshrl.u32 s11, $0x3  }
0x18c: {  	s18 =	smul.u32 $0xA, s18;
	s11 =	sadd.s32 s2, s11  }
0x18d: {  	[tilespmem:s29], [sflag:$0x6] =	stream.linear.gather [hbm4b:s11+s4], $0x1400, $0x38;
	[tilespmem:$0x1D080] =	vst v63  }
.Ltmp5:
0x18e: {  	_ = 	snop;
	(pc) =	sbr.rel .LBB2_2-.Ltmp5, $4  }
0x18f: {  	s30 =	sshll.u32 s15, $0x9;
	s10 =	ssub.s32 s10, s18  }
0x190: {  	s11 =	sand.u32 $0x800, s30;
	s10 =	sshll.u32 s10, $0x7  }
0x191: {  	s17 =	sadd.s32 $0x1, s17;
	s10 =	sor.u32 s10, s11  }
0x192: {  	[tilespmem:s25], [sflag:$0x8] =	stream.indirect.gather [hbm4b:s1+s31], $0x80, s10, s31, $0xb8;
	[tilespmem:$0x1D080] =	vst v63  }
.LBB2_9:
0x193: {  	_ =	sfence.sel $0x180000  }
0x194: {  	[bflag:$0x0] =	sbarrier.arrive $0xFFFF  }
0x195: {  	_ =	strace $0x90000047  }
0x196: {  	[bflag:$0x2] =	sbarrier.arrive $0xFFFF  }
0x197: {  	s0 =	rddreg [dreg:$0x5]  }
0x198: {  	s0 =	sadd.s32 @!p0 $0x100000, s0  }
0x199: {  	[sflag:s0] =	ssyncadd.tile.s32 @!p0 $0x1;
	_ =	shalt  }
.Lfunc_end2:
_tile_overlayer_lowered:
.L_overlay_start_2:
0x19a: {  	(tag) =	ssettag $0x2  }
0x19b: {  	s0 =	rddreg [dreg:$0x0];
	s2 =	stileid.u32  }
0x19c: {  	s1 =	rddreg [dreg:$0x1];
	p0 =	sne.s32 s2, $0x0  }
0x19d: {  	s3 =	rddreg [dreg:$0x2];
	[bflag:$0x3] =	sbarrier.arrive $0xFFFF;
	s2 =	simm.s32 @!p0 $0x1C0B  }
0x19e: {  	[timem:s3], [sflag:s2] =	dma.local @!p0 [hbm:s0], s1  }
0x19f: {  	s0 =	simm.s32 @!p0 $0xB  }
0x1a0: {  	_ =	swait.ge @!p0 [sflag:s0], s1  }
0x1a1: {  	s1 =	ssub.s32 @!p0 $0x0, s1;
	[sflag:s0] =	ssyncset.done @!p0 $0x0  }
0x1a2: {  	[sflag:s0] =	ssyncadd.s32 @!p0 s1  }
0x1a3: {  	[bflag:$0x3] =	sbarrier.arrive $0xFFFF  }
0x1a4: {  	_ =	shalt  }

</sc_bundles>
